<compile_context>
chip_gen: v7x
topology: tpu7x:2x2x1
jax: 0.10.2.dev20260603
libtpu: 0.0.44.dev20260713+nightly
codegen_flags: <defaults>
</compile_context>

<pallas_src>
import functools

import numpy as np
import jax
import jax.numpy as jnp
from jax import lax
from jax.experimental import pallas as pl
from jax.experimental.pallas import tpu as pltpu
from jax.experimental.pallas import tpu_sc as plsc

CUTOFF = 5.0
LOG2 = float(np.log(2.0))


def _ssp(v):
    sp = jnp.log(1.0 + jnp.exp(jnp.minimum(v, 60.0)))
    return jnp.maximum(sp, v) - LOG2


def _cos_cut(r):
    return 0.5 * (jnp.cos(r * (np.pi / CUTOFF)) + 1.0) * (r < CUTOFF).astype(r.dtype)


def _in2f_body(x_ref, wi_ref, y_ref):
    y_ref[:] = jnp.dot(x_ref[:], wi_ref[:], preferred_element_type=jnp.float32)


def _in2f(x2, Wi):
    M, K = x2.shape
    F = Wi.shape[1]
    return pl.pallas_call(
        _in2f_body,
        out_shape=jax.ShapeDtypeStruct((M, F), jnp.float32),
    )(x2, Wi)


def _sc_gather_call(y, gd, gj, gk, NW, CH):
    R, F = y.shape
    n_ch = gd.shape[1]
    E = NW * n_ch * CH
    per_w = n_ch * CH
    mesh = plsc.VectorSubcoreMesh(core_axis_name="c", subcore_axis_name="s")
    out_sds = jax.ShapeDtypeStruct((E, F), jnp.float32)

    rows_t = pltpu.VMEM((CH, F), jnp.float32)
    idx_t = pltpu.VMEM((n_ch, CH), jnp.int32)

    @functools.partial(
        pl.kernel,
        out_type=[out_sds, out_sds, out_sds],
        mesh=mesh,
        scratch_types=(
            [idx_t, idx_t, idx_t]
            + [rows_t] * 12
            + [pltpu.SemaphoreType.DMA] * 8
        ),
    )
    def sc_gather(y_hbm, gd_hbm, gj_hbm, gk_hbm, od_hbm, oj_hbm, ok_hbm,
                  idx_d, idx_j, idx_k,
                  rd0, rj0, rk0, rd1, rj1, rk1, rd2, rj2, rk2, rd3, rj3, rk3,
                  sg0, sg1, sg2, sg3, sw0, sw1, sw2, sw3):
        wid = lax.axis_index("s") * 2 + lax.axis_index("c")
        pltpu.sync_copy(gd_hbm.at[wid], idx_d)
        pltpu.sync_copy(gj_hbm.at[wid], idx_j)
        pltpu.sync_copy(gk_hbm.at[wid], idx_k)
        base = wid * per_w
        idxs = (idx_d, idx_j, idx_k)
        bufs = ((rd0, rj0, rk0), (rd1, rj1, rk1),
                (rd2, rj2, rk2), (rd3, rj3, rk3))
        sgs = (sg0, sg1, sg2, sg3)
        sws = (sw0, sw1, sw2, sw3)
        outs = (od_hbm, oj_hbm, ok_hbm)

        def issue_g(i, p):
            for t in range(3):
                pltpu.async_copy(y_hbm.at[idxs[t].at[i]], bufs[p][t], sgs[p])

        def wait_g(i, p):
            for t in range(3):
                pltpu.make_async_copy(
                    y_hbm.at[idxs[t].at[i]], bufs[p][t], sgs[p]).wait()

        def issue_w(i, p):
            e0 = base + i * CH
            for t in range(3):
                pltpu.async_copy(bufs[p][t], outs[t].at[pl.ds(e0, CH)], sws[p])

        def wait_w(i, p):
            e0 = base + i * CH
            for t in range(3):
                pltpu.make_async_copy(
                    bufs[p][t], outs[t].at[pl.ds(e0, CH)], sws[p]).wait()

        issue_g(0, 0)
        issue_g(1, 1)
        issue_g(2, 2)

        def step(i, p):
            wait_g(i, p)
            @pl.when(jnp.logical_and(i >= 1, i + 3 < n_ch))
            def _():
                wait_w(i - 1, (p + 3) % 4)
            @pl.when(i + 3 < n_ch)
            def _():
                issue_g(i + 3, (p + 3) % 4)
            issue_w(i, p)

        def body(it, carry):
            for q in range(4):
                step(4 * it + q, q)
            return carry

        lax.fori_loop(0, n_ch // 4, body, 0)
        wait_w(n_ch - 4, 0)
        wait_w(n_ch - 3, 1)
        wait_w(n_ch - 2, 2)
        wait_w(n_ch - 1, 3)

    return sc_gather(y, gd, gj, gk)


def _main_body(BA, N, fd_ref, dt_ref, ydg_ref, yj_ref, yk_ref,
               rd_ref, rij_ref, rjk_ref, nm_ref, tm_ref,
               wd1, bd1, wd2, bd2, wt1, bt1, wt2, bt2, wo, bo, wdn, bdn,
               out_ref):
    f32 = jnp.float32
    bf16 = jnp.bfloat16
    F = wd2.shape[1]

    Wd = _ssp(jnp.dot(fd_ref[:].astype(bf16), wd1[:],
                      preferred_element_type=f32) + bd1[:])
    Wd = _ssp(jnp.dot(Wd.astype(bf16), wd2[:], preferred_element_type=f32)
              + bd2[:])
    Wt = _ssp(jnp.dot(dt_ref[:].astype(bf16), wt1[:],
                      preferred_element_type=f32) + bt1[:])
    Wt = _ssp(jnp.dot(Wt.astype(bf16), wt2[:], preferred_element_type=f32)
              + bt2[:])
    cutd = _cos_cut(rd_ref[:]) * nm_ref[:]
    cutt = _cos_cut(rij_ref[:]) * _cos_cut(rjk_ref[:]) * tm_ref[:]
    cd = (ydg_ref[:] * Wd).reshape(BA, N, F) * cutd[:, :, None]
    ct = (yj_ref[:] * yk_ref[:] * Wt).reshape(BA, N, F) \
        * cutt[:, :, None]
    v = jnp.sum(cd + ct, axis=1)
    v = _ssp(jnp.dot(v, wo[:], preferred_element_type=f32) + bo[:])
    out_ref[:] = jnp.dot(v, wdn[:], preferred_element_type=f32) + bdn[:]


def _main(fd2, dt2, ydg, yjg, ykg, rd2, rij2, rjk2, nm2, tm2,
          Wd1, bd1, Wd2, bd2, Wt1, bt1, Wt2, bt2, Wo, bo, Wdense, bdense,
          BA, N, off_blocks, Mc):
    F = Wo.shape[0]
    nsp = Wd1.shape[0]
    dtr = Wt1.shape[0]
    EB = BA * N
    grid = (Mc // BA,)

    def eb_g(i):
        return (off_blocks + i, 0)

    def eb_l(i):
        return (i, 0)

    def full(i):
        return (0, 0)

    edge_spec = lambda K: pl.BlockSpec((EB, K), eb_g)
    gath_spec = lambda K: pl.BlockSpec((EB, K), eb_l)
    atom_spec = pl.BlockSpec((BA, N), eb_g)
    w_spec = lambda s: pl.BlockSpec(s, full)

    return pl.pallas_call(
        functools.partial(_main_body, BA, N),
        grid=grid,
        in_specs=[
            edge_spec(nsp), edge_spec(dtr),
            gath_spec(F), gath_spec(F), gath_spec(F),
            atom_spec, atom_spec, atom_spec, atom_spec, atom_spec,
            w_spec((nsp, F)), w_spec((1, F)), w_spec((F, F)), w_spec((1, F)),
            w_spec((dtr, F)), w_spec((1, F)), w_spec((F, F)), w_spec((1, F)),
            w_spec((F, F)), w_spec((1, F)), w_spec((F, F)), w_spec((1, F)),
        ],
        out_specs=pl.BlockSpec((BA, F), eb_l),
        out_shape=jax.ShapeDtypeStruct((Mc, F), jnp.float32),
    )(fd2, dt2, ydg, yjg, ykg, rd2, rij2, rjk2, nm2, tm2,
      Wd1, bd1, Wd2, bd2, Wt1, bt1, Wt2, bt2, Wo, bo, Wdense, bdense)


def kernel(x, r_double, r_ij, r_jk, neighbors, neighbor_mask, neighbors_j,
           neighbors_k, triple_mask, d_ijk, f_double,
           Wd1, bd1, Wd2, bd2, Wt1, bt1, Wt2, bt2, Wi, Wo, bo, Wdense, bdense):
    B, A, N = neighbors.shape
    nb = x.shape[-1]
    nf = Wi.shape[1]
    nsp = Wd1.shape[0]
    dtr = Wt1.shape[0]
    E = B * A * N
    NW = 32
    CH = 64
    CC = 2
    Ec = E // CC
    Mc = B * A // CC
    n_ch = Ec // (NW * CH)

    y = _in2f(x.reshape(B * A, nb), Wi)

    base = (jnp.arange(B, dtype=jnp.int32) * A)[:, None, None]
    gd = (neighbors.astype(jnp.int32) + base).reshape(CC, NW, n_ch, CH)
    gj = (neighbors_j.astype(jnp.int32) + base).reshape(CC, NW, n_ch, CH)
    gk = (neighbors_k.astype(jnp.int32) + base).reshape(CC, NW, n_ch, CH)

    fd2 = f_double.reshape(E, nsp).astype(jnp.bfloat16)
    dt2 = d_ijk.reshape(E, dtr).astype(jnp.bfloat16)
    rd2 = r_double.reshape(B * A, N)
    rij2 = r_ij.reshape(B * A, N)
    rjk2 = r_jk.reshape(B * A, N)
    nm2 = neighbor_mask.reshape(B * A, N)
    tm2 = triple_mask.reshape(B * A, N)
    w_args = (Wd1.astype(jnp.bfloat16), bd1.reshape(1, nf),
              Wd2.astype(jnp.bfloat16), bd2.reshape(1, nf),
              Wt1.astype(jnp.bfloat16), bt1.reshape(1, nf),
              Wt2.astype(jnp.bfloat16), bt2.reshape(1, nf),
              Wo, bo.reshape(1, nb), Wdense, bdense.reshape(1, nb))

    BA = 64
    outs = []
    for c in range(CC):
        ydg, yjg, ykg = _sc_gather_call(y, gd[c], gj[c], gk[c], NW, CH)
        outs.append(_main(
            fd2, dt2, ydg, yjg, ykg, rd2, rij2, rjk2, nm2, tm2,
            *w_args, BA, N, c * (Mc // BA), Mc))
    return jnp.concatenate(outs, axis=0).reshape(B, A, nb)

# --- scband reference (transcript-rebuilt; emitter-appended) ---
"""Pipeline reference for scband-sch-net-interaction-triple-80590766342347 (READ-ONLY COPY).

The authoritative reference and input builder live on the scoring server;
editing this copy changes nothing except your own understanding.
"""

import jax, jax.numpy as jnp
import numpy as np

CUTOFF = 5.0
LOG2 = float(np.log(2.0))


def shifted_softplus(x):
    return jax.nn.softplus(x) - LOG2


def cosine_cutoff(r):
    return 0.5 * (jnp.cos(r * np.pi / CUTOFF) + 1.0) * (r < CUTOFF).astype(r.dtype)


def gather_nbh(y, nbh):
    # y: (B, A, F), nbh: (B, A, N) int -> (B, A, N, F)
    B, A, F = y.shape
    N = nbh.shape[2]
    idx = nbh.reshape(B, A * N)
    g = jnp.take_along_axis(y, idx[:, :, None], axis=1)
    return g.reshape(B, A, N, F)


def setup_inputs(seed: int = 0):
    key = jax.random.key(seed)
    ks = jax.random.split(key, 24)
    B, A, N = 8, 512, 64
    nb, nf = 128, 128
    nsp, nz = 25, 2
    dtr = nsp * nz * 2  # 100

    def w(k, fi, fo):
        return jax.random.normal(k, (fi, fo), dtype=jnp.float32) / np.sqrt(fi)

    return {
        "x": jax.random.normal(ks[0], (B, A, nb), dtype=jnp.float32),
        "r_double": jax.random.uniform(ks[1], (B, A, N), dtype=jnp.float32),
        "r_ij": jax.random.uniform(ks[2], (B, A, N), dtype=jnp.float32),
        "r_jk": jax.random.uniform(ks[3], (B, A, N), dtype=jnp.float32),
        "neighbors": jax.random.randint(ks[4], (B, A, N), 0, A),
        "neighbor_mask": jnp.ones((B, A, N), dtype=jnp.float32),
        "neighbors_j": jax.random.randint(ks[5], (B, A, N), 0, A),
        "neighbors_k": jax.random.randint(ks[6], (B, A, N), 0, A),
        "triple_mask": jnp.ones((B, A, N), dtype=jnp.float32),
        "d_ijk": jax.random.uniform(ks[7], (B, A, N, dtr), dtype=jnp.float32),
        "f_double": jax.random.uniform(ks[8], (B, A, N, nsp), dtype=jnp.float32),
        "Wd1": w(ks[9], nsp, nf), "bd1": jnp.zeros((nf,), jnp.float32),
        "Wd2": w(ks[10], nf, nf), "bd2": jnp.zeros((nf,), jnp.float32),
        "Wt1": w(ks[11], dtr, nf), "bt1": jnp.zeros((nf,), jnp.float32),
        "Wt2": w(ks[12], nf, nf), "bt2": jnp.zeros((nf,), jnp.float32),
        "Wi": w(ks[13], nb, nf),
        "Wo": w(ks[14], nf, nb), "bo": jnp.zeros((nb,), jnp.float32),
        "Wdense": w(ks[15], nb, nb), "bdense": jnp.zeros((nb,), jnp.float32),
    }


def reference(x, r_double, r_ij, r_jk, neighbors, neighbor_mask, neighbors_j,
              neighbors_k, triple_mask, d_ijk, f_double,
              Wd1, bd1, Wd2, bd2, Wt1, bt1, Wt2, bt2, Wi, Wo, bo, Wdense, bdense):
    # filter-generating network for pairwise (double) interactions
    Wd = shifted_softplus(f_double @ Wd1 + bd1)
    Wd = shifted_softplus(Wd @ Wd2 + bd2)
    Wd = Wd * cosine_cutoff(r_double)[..., None]
    # filter-generating network for triple interactions
    Wt = shifted_softplus(d_ijk @ Wt1 + bt1)
    Wt = shifted_softplus(Wt @ Wt2 + bt2)
    Wt = Wt * (cosine_cutoff(r_ij) * cosine_cutoff(r_jk))[..., None]
    # in2f projection (Dense, no bias, no activation)
    y = x @ Wi
    # double branch: gather neighbor features, modulate by filters, aggregate
    yd = gather_nbh(y, neighbors) * Wd
    yd = jnp.sum(yd * neighbor_mask[..., None], axis=2)
    # triple branch: gather j and k neighbors, modulate by triple filters
    yj = gather_nbh(y, neighbors_j)
    yk = gather_nbh(y, neighbors_k)
    yt = yj * yk * Wt
    yt = jnp.sum(yt * triple_mask[..., None], axis=2)
    v = yd + yt
    # f2out with shifted_softplus activation
    v = shifted_softplus(v @ Wo + bo)
    # final dense (bias, no activation)
    v = v @ Wdense + bdense
    return v

if __name__ == "__main__":
    import jax
    _d = setup_inputs()
    print(jax.jit(kernel)(*tuple(_d.values())))

</pallas_src>

<mosaic_0001>
#map = affine_map<(d0, d1) -> (0, 0)>
#map1 = affine_map<(d0, d1) -> (0, 0, 0)>
module attributes {stable_mosaic.version = 14 : i64} {
  func.func @sc_gather(%arg0: i32, %arg1: i32, %arg2: memref<4096x128xf32, #tpu.memory_space<hbm>>, %arg3: memref<32x64x64xi32, #tpu.memory_space<hbm>>, %arg4: memref<32x64x64xi32, #tpu.memory_space<hbm>>, %arg5: memref<32x64x64xi32, #tpu.memory_space<hbm>>, %arg6: memref<131072x128xf32, #tpu.memory_space<hbm>>, %arg7: memref<131072x128xf32, #tpu.memory_space<hbm>>, %arg8: memref<131072x128xf32, #tpu.memory_space<hbm>>, %arg9: memref<64x64xi32, #tpu.memory_space<vmem>>, %arg10: memref<64x64xi32, #tpu.memory_space<vmem>>, %arg11: memref<64x64xi32, #tpu.memory_space<vmem>>, %arg12: memref<64x128xf32, #tpu.memory_space<vmem>>, %arg13: memref<64x128xf32, #tpu.memory_space<vmem>>, %arg14: memref<64x128xf32, #tpu.memory_space<vmem>>, %arg15: memref<64x128xf32, #tpu.memory_space<vmem>>, %arg16: memref<64x128xf32, #tpu.memory_space<vmem>>, %arg17: memref<64x128xf32, #tpu.memory_space<vmem>>, %arg18: memref<64x128xf32, #tpu.memory_space<vmem>>, %arg19: memref<64x128xf32, #tpu.memory_space<vmem>>, %arg20: memref<64x128xf32, #tpu.memory_space<vmem>>, %arg21: memref<64x128xf32, #tpu.memory_space<vmem>>, %arg22: memref<64x128xf32, #tpu.memory_space<vmem>>, %arg23: memref<64x128xf32, #tpu.memory_space<vmem>>, %arg24: memref<!tpu.dma_semaphore, #tpu.memory_space<semaphore_mem>>, %arg25: memref<!tpu.dma_semaphore, #tpu.memory_space<semaphore_mem>>, %arg26: memref<!tpu.dma_semaphore, #tpu.memory_space<semaphore_mem>>, %arg27: memref<!tpu.dma_semaphore, #tpu.memory_space<semaphore_mem>>, %arg28: memref<!tpu.dma_semaphore, #tpu.memory_space<semaphore_mem>>, %arg29: memref<!tpu.dma_semaphore, #tpu.memory_space<semaphore_mem>>, %arg30: memref<!tpu.dma_semaphore, #tpu.memory_space<semaphore_mem>>, %arg31: memref<!tpu.dma_semaphore, #tpu.memory_space<semaphore_mem>>) attributes {dimension_semantics = [#tpu.dimension_semantics<core_parallel>, #tpu.dimension_semantics<subcore_parallel>], iteration_bounds = array<i64: 2, 16>, scalar_prefetch = 0 : i64, scratch_operands = 23 : i64, tpu.core_type = #tpu.core_type<sc_vector_subcore>, window_params = [{transform_indices = #map}, {transform_indices = #map1}, {transform_indices = #map1}, {transform_indices = #map1}, {transform_indices = #map}, {transform_indices = #map}, {transform_indices = #map}]} {
    %mul3A = arith.constant 2 : i32
    %mul3A_0 = arith.muli %arg1, %mul3A : i32
    %add3A = arith.addi %mul3A_0, %arg0 : i32
    "tpu.region"() ({
      %run_scoped3A = tpu.sem_alloc : memref<!tpu.dma_semaphore, #tpu.memory_space<semaphore_mem>>
      %dma_start3A_125 = arith.constant 0 : i32
      %dma_start3A_126 = arith.constant 0 : i32
      %dma_start3A_127 = tpu.memref_slice %arg3[%add3A, %dma_start3A_125, %dma_start3A_126] : memref<32x64x64xi32, #tpu.memory_space<hbm>> -> memref<1x64x64xi32, #tpu.memory_space<hbm>>
      %dma_start3A_128 = tpu.memref_squeeze %dma_start3A_127 : memref<1x64x64xi32, #tpu.memory_space<hbm>> -> memref<64x64xi32, #tpu.memory_space<hbm>>
      %dma_start3A_129 = arith.constant 0 : i32
      %dma_start3A_130 = arith.constant 0 : i32
      %dma_start3A_131 = tpu.memref_slice %arg3[%add3A, %dma_start3A_129, %dma_start3A_130] : memref<32x64x64xi32, #tpu.memory_space<hbm>> -> memref<1x64x64xi32, #tpu.memory_space<hbm>>
      %dma_start3A_132 = tpu.memref_squeeze %dma_start3A_131 : memref<1x64x64xi32, #tpu.memory_space<hbm>> -> memref<64x64xi32, #tpu.memory_space<hbm>>
      tpu.enqueue_dma source(%dma_start3A_132 : memref<64x64xi32, #tpu.memory_space<hbm>>) target(%arg9 : memref<64x64xi32, #tpu.memory_space<vmem>>) target_semaphore(%run_scoped3A : memref<!tpu.dma_semaphore, #tpu.memory_space<semaphore_mem>>)
      %dma_wait3A_133 = arith.constant 0 : i32
      %dma_wait3A_134 = arith.constant 0 : i32
      %dma_wait3A_135 = tpu.memref_slice %arg3[%add3A, %dma_wait3A_133, %dma_wait3A_134] : memref<32x64x64xi32, #tpu.memory_space<hbm>> -> memref<1x64x64xi32, #tpu.memory_space<hbm>>
      %dma_wait3A_136 = tpu.memref_squeeze %dma_wait3A_135 : memref<1x64x64xi32, #tpu.memory_space<hbm>> -> memref<64x64xi32, #tpu.memory_space<hbm>>
      %dma_wait3A_137 = arith.constant 0 : i32
      %dma_wait3A_138 = arith.constant 0 : i32
      %dma_wait3A_139 = tpu.memref_slice %arg3[%add3A, %dma_wait3A_137, %dma_wait3A_138] : memref<32x64x64xi32, #tpu.memory_space<hbm>> -> memref<1x64x64xi32, #tpu.memory_space<hbm>>
      %dma_wait3A_140 = tpu.memref_squeeze %dma_wait3A_139 : memref<1x64x64xi32, #tpu.memory_space<hbm>> -> memref<64x64xi32, #tpu.memory_space<hbm>>
      tpu.wait_dma2 semaphore(%run_scoped3A : memref<!tpu.dma_semaphore, #tpu.memory_space<semaphore_mem>>) src(%dma_wait3A_140 : memref<64x64xi32, #tpu.memory_space<hbm>>) dst(%arg9 : memref<64x64xi32, #tpu.memory_space<vmem>>)
      tpu.yield
    }) : () -> ()
    "tpu.region"() ({
      %run_scoped3A = tpu.sem_alloc : memref<!tpu.dma_semaphore, #tpu.memory_space<semaphore_mem>>
      %dma_start3A_125 = arith.constant 0 : i32
      %dma_start3A_126 = arith.constant 0 : i32
      %dma_start3A_127 = tpu.memref_slice %arg4[%add3A, %dma_start3A_125, %dma_start3A_126] : memref<32x64x64xi32, #tpu.memory_space<hbm>> -> memref<1x64x64xi32, #tpu.memory_space<hbm>>
      %dma_start3A_128 = tpu.memref_squeeze %dma_start3A_127 : memref<1x64x64xi32, #tpu.memory_space<hbm>> -> memref<64x64xi32, #tpu.memory_space<hbm>>
      %dma_start3A_129 = arith.constant 0 : i32
      %dma_start3A_130 = arith.constant 0 : i32
      %dma_start3A_131 = tpu.memref_slice %arg4[%add3A, %dma_start3A_129, %dma_start3A_130] : memref<32x64x64xi32, #tpu.memory_space<hbm>> -> memref<1x64x64xi32, #tpu.memory_space<hbm>>
      %dma_start3A_132 = tpu.memref_squeeze %dma_start3A_131 : memref<1x64x64xi32, #tpu.memory_space<hbm>> -> memref<64x64xi32, #tpu.memory_space<hbm>>
      tpu.enqueue_dma source(%dma_start3A_132 : memref<64x64xi32, #tpu.memory_space<hbm>>) target(%arg10 : memref<64x64xi32, #tpu.memory_space<vmem>>) target_semaphore(%run_scoped3A : memref<!tpu.dma_semaphore, #tpu.memory_space<semaphore_mem>>)
      %dma_wait3A_133 = arith.constant 0 : i32
      %dma_wait3A_134 = arith.constant 0 : i32
      %dma_wait3A_135 = tpu.memref_slice %arg4[%add3A, %dma_wait3A_133, %dma_wait3A_134] : memref<32x64x64xi32, #tpu.memory_space<hbm>> -> memref<1x64x64xi32, #tpu.memory_space<hbm>>
      %dma_wait3A_136 = tpu.memref_squeeze %dma_wait3A_135 : memref<1x64x64xi32, #tpu.memory_space<hbm>> -> memref<64x64xi32, #tpu.memory_space<hbm>>
      %dma_wait3A_137 = arith.constant 0 : i32
      %dma_wait3A_138 = arith.constant 0 : i32
      %dma_wait3A_139 = tpu.memref_slice %arg4[%add3A, %dma_wait3A_137, %dma_wait3A_138] : memref<32x64x64xi32, #tpu.memory_space<hbm>> -> memref<1x64x64xi32, #tpu.memory_space<hbm>>
      %dma_wait3A_140 = tpu.memref_squeeze %dma_wait3A_139 : memref<1x64x64xi32, #tpu.memory_space<hbm>> -> memref<64x64xi32, #tpu.memory_space<hbm>>
      tpu.wait_dma2 semaphore(%run_scoped3A : memref<!tpu.dma_semaphore, #tpu.memory_space<semaphore_mem>>) src(%dma_wait3A_140 : memref<64x64xi32, #tpu.memory_space<hbm>>) dst(%arg10 : memref<64x64xi32, #tpu.memory_space<vmem>>)
      tpu.yield
    }) : () -> ()
    "tpu.region"() ({
      %run_scoped3A = tpu.sem_alloc : memref<!tpu.dma_semaphore, #tpu.memory_space<semaphore_mem>>
      %dma_start3A_125 = arith.constant 0 : i32
      %dma_start3A_126 = arith.constant 0 : i32
      %dma_start3A_127 = tpu.memref_slice %arg5[%add3A, %dma_start3A_125, %dma_start3A_126] : memref<32x64x64xi32, #tpu.memory_space<hbm>> -> memref<1x64x64xi32, #tpu.memory_space<hbm>>
      %dma_start3A_128 = tpu.memref_squeeze %dma_start3A_127 : memref<1x64x64xi32, #tpu.memory_space<hbm>> -> memref<64x64xi32, #tpu.memory_space<hbm>>
      %dma_start3A_129 = arith.constant 0 : i32
      %dma_start3A_130 = arith.constant 0 : i32
      %dma_start3A_131 = tpu.memref_slice %arg5[%add3A, %dma_start3A_129, %dma_start3A_130] : memref<32x64x64xi32, #tpu.memory_space<hbm>> -> memref<1x64x64xi32, #tpu.memory_space<hbm>>
      %dma_start3A_132 = tpu.memref_squeeze %dma_start3A_131 : memref<1x64x64xi32, #tpu.memory_space<hbm>> -> memref<64x64xi32, #tpu.memory_space<hbm>>
      tpu.enqueue_dma source(%dma_start3A_132 : memref<64x64xi32, #tpu.memory_space<hbm>>) target(%arg11 : memref<64x64xi32, #tpu.memory_space<vmem>>) target_semaphore(%run_scoped3A : memref<!tpu.dma_semaphore, #tpu.memory_space<semaphore_mem>>)
      %dma_wait3A_133 = arith.constant 0 : i32
      %dma_wait3A_134 = arith.constant 0 : i32
      %dma_wait3A_135 = tpu.memref_slice %arg5[%add3A, %dma_wait3A_133, %dma_wait3A_134] : memref<32x64x64xi32, #tpu.memory_space<hbm>> -> memref<1x64x64xi32, #tpu.memory_space<hbm>>
      %dma_wait3A_136 = tpu.memref_squeeze %dma_wait3A_135 : memref<1x64x64xi32, #tpu.memory_space<hbm>> -> memref<64x64xi32, #tpu.memory_space<hbm>>
      %dma_wait3A_137 = arith.constant 0 : i32
      %dma_wait3A_138 = arith.constant 0 : i32
      %dma_wait3A_139 = tpu.memref_slice %arg5[%add3A, %dma_wait3A_137, %dma_wait3A_138] : memref<32x64x64xi32, #tpu.memory_space<hbm>> -> memref<1x64x64xi32, #tpu.memory_space<hbm>>
      %dma_wait3A_140 = tpu.memref_squeeze %dma_wait3A_139 : memref<1x64x64xi32, #tpu.memory_space<hbm>> -> memref<64x64xi32, #tpu.memory_space<hbm>>
      tpu.wait_dma2 semaphore(%run_scoped3A : memref<!tpu.dma_semaphore, #tpu.memory_space<semaphore_mem>>) src(%dma_wait3A_140 : memref<64x64xi32, #tpu.memory_space<hbm>>) dst(%arg11 : memref<64x64xi32, #tpu.memory_space<vmem>>)
      tpu.yield
    }) : () -> ()
    %mul3A_1 = arith.constant 4096 : i32
    %mul3A_2 = arith.muli %add3A, %mul3A_1 : i32
    %dma_start3A = arith.constant 0 : i32
    %dma_start3A_3 = arith.constant 0 : i32
    %dma_start3A_4 = tpu.memref_slice %arg9[%dma_start3A, %dma_start3A_3] : memref<64x64xi32, #tpu.memory_space<vmem>> -> memref<1x64xi32, #tpu.memory_space<vmem>>
    %dma_start3A_5 = tpu.memref_squeeze %dma_start3A_4 : memref<1x64xi32, #tpu.memory_space<vmem>> -> memref<64xi32, #tpu.memory_space<vmem>>
    %dma_start3A_6 = arith.constant 0 : i32
    %dma_start3A_7 = arith.constant 0 : i32
    %dma_start3A_8 = tpu.memref_slice %arg2[%dma_start3A_6, %dma_start3A_7] : memref<4096x128xf32, #tpu.memory_space<hbm>> -> memref<4096x128xf32, #tpu.memory_space<hbm>>
    tpu.enqueue_indirect_dma source(%dma_start3A_8 : memref<4096x128xf32, #tpu.memory_space<hbm>>) target(%arg12 : memref<64x128xf32, #tpu.memory_space<vmem>>) offsets(%dma_start3A_5 : memref<64xi32, #tpu.memory_space<vmem>>) semaphore(%arg24 : memref<!tpu.dma_semaphore, #tpu.memory_space<semaphore_mem>>)
    %dma_start3A_9 = arith.constant 0 : i32
    %dma_start3A_10 = arith.constant 0 : i32
    %dma_start3A_11 = tpu.memref_slice %arg10[%dma_start3A_9, %dma_start3A_10] : memref<64x64xi32, #tpu.memory_space<vmem>> -> memref<1x64xi32, #tpu.memory_space<vmem>>
    %dma_start3A_12 = tpu.memref_squeeze %dma_start3A_11 : memref<1x64xi32, #tpu.memory_space<vmem>> -> memref<64xi32, #tpu.memory_space<vmem>>
    %dma_start3A_13 = arith.constant 0 : i32
    %dma_start3A_14 = arith.constant 0 : i32
    %dma_start3A_15 = tpu.memref_slice %arg2[%dma_start3A_13, %dma_start3A_14] : memref<4096x128xf32, #tpu.memory_space<hbm>> -> memref<4096x128xf32, #tpu.memory_space<hbm>>
    tpu.enqueue_indirect_dma source(%dma_start3A_15 : memref<4096x128xf32, #tpu.memory_space<hbm>>) target(%arg13 : memref<64x128xf32, #tpu.memory_space<vmem>>) offsets(%dma_start3A_12 : memref<64xi32, #tpu.memory_space<vmem>>) semaphore(%arg24 : memref<!tpu.dma_semaphore, #tpu.memory_space<semaphore_mem>>)
    %dma_start3A_16 = arith.constant 0 : i32
    %dma_start3A_17 = arith.constant 0 : i32
    %dma_start3A_18 = tpu.memref_slice %arg11[%dma_start3A_16, %dma_start3A_17] : memref<64x64xi32, #tpu.memory_space<vmem>> -> memref<1x64xi32, #tpu.memory_space<vmem>>
    %dma_start3A_19 = tpu.memref_squeeze %dma_start3A_18 : memref<1x64xi32, #tpu.memory_space<vmem>> -> memref<64xi32, #tpu.memory_space<vmem>>
    %dma_start3A_20 = arith.constant 0 : i32
    %dma_start3A_21 = arith.constant 0 : i32
    %dma_start3A_22 = tpu.memref_slice %arg2[%dma_start3A_20, %dma_start3A_21] : memref<4096x128xf32, #tpu.memory_space<hbm>> -> memref<4096x128xf32, #tpu.memory_space<hbm>>
    tpu.enqueue_indirect_dma source(%dma_start3A_22 : memref<4096x128xf32, #tpu.memory_space<hbm>>) target(%arg14 : memref<64x128xf32, #tpu.memory_space<vmem>>) offsets(%dma_start3A_19 : memref<64xi32, #tpu.memory_space<vmem>>) semaphore(%arg24 : memref<!tpu.dma_semaphore, #tpu.memory_space<semaphore_mem>>)
    %dma_start3A_23 = arith.constant 1 : i32
    %dma_start3A_24 = arith.constant 0 : i32
    %dma_start3A_25 = tpu.memref_slice %arg9[%dma_start3A_23, %dma_start3A_24] : memref<64x64xi32, #tpu.memory_space<vmem>> -> memref<1x64xi32, #tpu.memory_space<vmem>>
    %dma_start3A_26 = tpu.memref_squeeze %dma_start3A_25 : memref<1x64xi32, #tpu.memory_space<vmem>> -> memref<64xi32, #tpu.memory_space<vmem>>
    %dma_start3A_27 = arith.constant 0 : i32
    %dma_start3A_28 = arith.constant 0 : i32
    %dma_start3A_29 = tpu.memref_slice %arg2[%dma_start3A_27, %dma_start3A_28] : memref<4096x128xf32, #tpu.memory_space<hbm>> -> memref<4096x128xf32, #tpu.memory_space<hbm>>
    tpu.enqueue_indirect_dma source(%dma_start3A_29 : memref<4096x128xf32, #tpu.memory_space<hbm>>) target(%arg15 : memref<64x128xf32, #tpu.memory_space<vmem>>) offsets(%dma_start3A_26 : memref<64xi32, #tpu.memory_space<vmem>>) semaphore(%arg25 : memref<!tpu.dma_semaphore, #tpu.memory_space<semaphore_mem>>)
    %dma_start3A_30 = arith.constant 1 : i32
    %dma_start3A_31 = arith.constant 0 : i32
    %dma_start3A_32 = tpu.memref_slice %arg10[%dma_start3A_30, %dma_start3A_31] : memref<64x64xi32, #tpu.memory_space<vmem>> -> memref<1x64xi32, #tpu.memory_space<vmem>>
    %dma_start3A_33 = tpu.memref_squeeze %dma_start3A_32 : memref<1x64xi32, #tpu.memory_space<vmem>> -> memref<64xi32, #tpu.memory_space<vmem>>
    %dma_start3A_34 = arith.constant 0 : i32
    %dma_start3A_35 = arith.constant 0 : i32
    %dma_start3A_36 = tpu.memref_slice %arg2[%dma_start3A_34, %dma_start3A_35] : memref<4096x128xf32, #tpu.memory_space<hbm>> -> memref<4096x128xf32, #tpu.memory_space<hbm>>
    tpu.enqueue_indirect_dma source(%dma_start3A_36 : memref<4096x128xf32, #tpu.memory_space<hbm>>) target(%arg16 : memref<64x128xf32, #tpu.memory_space<vmem>>) offsets(%dma_start3A_33 : memref<64xi32, #tpu.memory_space<vmem>>) semaphore(%arg25 : memref<!tpu.dma_semaphore, #tpu.memory_space<semaphore_mem>>)
    %dma_start3A_37 = arith.constant 1 : i32
    %dma_start3A_38 = arith.constant 0 : i32
    %dma_start3A_39 = tpu.memref_slice %arg11[%dma_start3A_37, %dma_start3A_38] : memref<64x64xi32, #tpu.memory_space<vmem>> -> memref<1x64xi32, #tpu.memory_space<vmem>>
    %dma_start3A_40 = tpu.memref_squeeze %dma_start3A_39 : memref<1x64xi32, #tpu.memory_space<vmem>> -> memref<64xi32, #tpu.memory_space<vmem>>
    %dma_start3A_41 = arith.constant 0 : i32
    %dma_start3A_42 = arith.constant 0 : i32
    %dma_start3A_43 = tpu.memref_slice %arg2[%dma_start3A_41, %dma_start3A_42] : memref<4096x128xf32, #tpu.memory_space<hbm>> -> memref<4096x128xf32, #tpu.memory_space<hbm>>
    tpu.enqueue_indirect_dma source(%dma_start3A_43 : memref<4096x128xf32, #tpu.memory_space<hbm>>) target(%arg17 : memref<64x128xf32, #tpu.memory_space<vmem>>) offsets(%dma_start3A_40 : memref<64xi32, #tpu.memory_space<vmem>>) semaphore(%arg25 : memref<!tpu.dma_semaphore, #tpu.memory_space<semaphore_mem>>)
    %dma_start3A_44 = arith.constant 2 : i32
    %dma_start3A_45 = arith.constant 0 : i32
    %dma_start3A_46 = tpu.memref_slice %arg9[%dma_start3A_44, %dma_start3A_45] : memref<64x64xi32, #tpu.memory_space<vmem>> -> memref<1x64xi32, #tpu.memory_space<vmem>>
    %dma_start3A_47 = tpu.memref_squeeze %dma_start3A_46 : memref<1x64xi32, #tpu.memory_space<vmem>> -> memref<64xi32, #tpu.memory_space<vmem>>
    %dma_start3A_48 = arith.constant 0 : i32
    %dma_start3A_49 = arith.constant 0 : i32
    %dma_start3A_50 = tpu.memref_slice %arg2[%dma_start3A_48, %dma_start3A_49] : memref<4096x128xf32, #tpu.memory_space<hbm>> -> memref<4096x128xf32, #tpu.memory_space<hbm>>
    tpu.enqueue_indirect_dma source(%dma_start3A_50 : memref<4096x128xf32, #tpu.memory_space<hbm>>) target(%arg18 : memref<64x128xf32, #tpu.memory_space<vmem>>) offsets(%dma_start3A_47 : memref<64xi32, #tpu.memory_space<vmem>>) semaphore(%arg26 : memref<!tpu.dma_semaphore, #tpu.memory_space<semaphore_mem>>)
    %dma_start3A_51 = arith.constant 2 : i32
    %dma_start3A_52 = arith.constant 0 : i32
    %dma_start3A_53 = tpu.memref_slice %arg10[%dma_start3A_51, %dma_start3A_52] : memref<64x64xi32, #tpu.memory_space<vmem>> -> memref<1x64xi32, #tpu.memory_space<vmem>>
    %dma_start3A_54 = tpu.memref_squeeze %dma_start3A_53 : memref<1x64xi32, #tpu.memory_space<vmem>> -> memref<64xi32, #tpu.memory_space<vmem>>
    %dma_start3A_55 = arith.constant 0 : i32
    %dma_start3A_56 = arith.constant 0 : i32
    %dma_start3A_57 = tpu.memref_slice %arg2[%dma_start3A_55, %dma_start3A_56] : memref<4096x128xf32, #tpu.memory_space<hbm>> -> memref<4096x128xf32, #tpu.memory_space<hbm>>
    tpu.enqueue_indirect_dma source(%dma_start3A_57 : memref<4096x128xf32, #tpu.memory_space<hbm>>) target(%arg19 : memref<64x128xf32, #tpu.memory_space<vmem>>) offsets(%dma_start3A_54 : memref<64xi32, #tpu.memory_space<vmem>>) semaphore(%arg26 : memref<!tpu.dma_semaphore, #tpu.memory_space<semaphore_mem>>)
    %dma_start3A_58 = arith.constant 2 : i32
    %dma_start3A_59 = arith.constant 0 : i32
    %dma_start3A_60 = tpu.memref_slice %arg11[%dma_start3A_58, %dma_start3A_59] : memref<64x64xi32, #tpu.memory_space<vmem>> -> memref<1x64xi32, #tpu.memory_space<vmem>>
    %dma_start3A_61 = tpu.memref_squeeze %dma_start3A_60 : memref<1x64xi32, #tpu.memory_space<vmem>> -> memref<64xi32, #tpu.memory_space<vmem>>
    %dma_start3A_62 = arith.constant 0 : i32
    %dma_start3A_63 = arith.constant 0 : i32
    %dma_start3A_64 = tpu.memref_slice %arg2[%dma_start3A_62, %dma_start3A_63] : memref<4096x128xf32, #tpu.memory_space<hbm>> -> memref<4096x128xf32, #tpu.memory_space<hbm>>
    tpu.enqueue_indirect_dma source(%dma_start3A_64 : memref<4096x128xf32, #tpu.memory_space<hbm>>) target(%arg20 : memref<64x128xf32, #tpu.memory_space<vmem>>) offsets(%dma_start3A_61 : memref<64xi32, #tpu.memory_space<vmem>>) semaphore(%arg26 : memref<!tpu.dma_semaphore, #tpu.memory_space<semaphore_mem>>)
    %scan3A = arith.constant 0 : i32
    %scan3A_65 = arith.constant 0 : i32
    %scan3A_66 = arith.constant 16 : i32
    %scan3A_67 = arith.addi %scan3A_65, %scan3A_66 : i32
    %scan3A_68 = arith.constant 1 : i32
    scf.for %scan3A_125 = %scan3A_65 to %scan3A_67 step %scan3A_68  : i32 {
      %mul3A_126 = arith.constant 4 : i32
      %mul3A_127 = arith.muli %mul3A_126, %scan3A_125 : i32
      %add3A_128 = arith.constant 0 : i32
      %add3A_129 = arith.addi %mul3A_127, %add3A_128 : i32
      %dma_wait3A_130 = arith.constant 0 : i32
      %dma_wait3A_131 = tpu.memref_slice %arg9[%add3A_129, %dma_wait3A_130] : memref<64x64xi32, #tpu.memory_space<vmem>> -> memref<1x64xi32, #tpu.memory_space<vmem>>
      %dma_wait3A_132 = tpu.memref_squeeze %dma_wait3A_131 : memref<1x64xi32, #tpu.memory_space<vmem>> -> memref<64xi32, #tpu.memory_space<vmem>>
      %dma_wait3A_133 = arith.constant 0 : i32
      %dma_wait3A_134 = arith.constant 0 : i32
      %dma_wait3A_135 = tpu.memref_slice %arg2[%dma_wait3A_133, %dma_wait3A_134] : memref<4096x128xf32, #tpu.memory_space<hbm>> -> memref<4096x128xf32, #tpu.memory_space<hbm>>
      tpu.wait_indirect_dma semaphore(%arg24 : memref<!tpu.dma_semaphore, #tpu.memory_space<semaphore_mem>>) src(%dma_wait3A_135 : memref<4096x128xf32, #tpu.memory_space<hbm>>) dst(%arg12 : memref<64x128xf32, #tpu.memory_space<vmem>>)
      %dma_wait3A_136 = arith.constant 0 : i32
      %dma_wait3A_137 = tpu.memref_slice %arg10[%add3A_129, %dma_wait3A_136] : memref<64x64xi32, #tpu.memory_space<vmem>> -> memref<1x64xi32, #tpu.memory_space<vmem>>
      %dma_wait3A_138 = tpu.memref_squeeze %dma_wait3A_137 : memref<1x64xi32, #tpu.memory_space<vmem>> -> memref<64xi32, #tpu.memory_space<vmem>>
      %dma_wait3A_139 = arith.constant 0 : i32
      %dma_wait3A_140 = arith.constant 0 : i32
      %dma_wait3A_141 = tpu.memref_slice %arg2[%dma_wait3A_139, %dma_wait3A_140] : memref<4096x128xf32, #tpu.memory_space<hbm>> -> memref<4096x128xf32, #tpu.memory_space<hbm>>
      tpu.wait_indirect_dma semaphore(%arg24 : memref<!tpu.dma_semaphore, #tpu.memory_space<semaphore_mem>>) src(%dma_wait3A_141 : memref<4096x128xf32, #tpu.memory_space<hbm>>) dst(%arg13 : memref<64x128xf32, #tpu.memory_space<vmem>>)
      %dma_wait3A_142 = arith.constant 0 : i32
      %dma_wait3A_143 = tpu.memref_slice %arg11[%add3A_129, %dma_wait3A_142] : memref<64x64xi32, #tpu.memory_space<vmem>> -> memref<1x64xi32, #tpu.memory_space<vmem>>
      %dma_wait3A_144 = tpu.memref_squeeze %dma_wait3A_143 : memref<1x64xi32, #tpu.memory_space<vmem>> -> memref<64xi32, #tpu.memory_space<vmem>>
      %dma_wait3A_145 = arith.constant 0 : i32
      %dma_wait3A_146 = arith.constant 0 : i32
      %dma_wait3A_147 = tpu.memref_slice %arg2[%dma_wait3A_145, %dma_wait3A_146] : memref<4096x128xf32, #tpu.memory_space<hbm>> -> memref<4096x128xf32, #tpu.memory_space<hbm>>
      tpu.wait_indirect_dma semaphore(%arg24 : memref<!tpu.dma_semaphore, #tpu.memory_space<semaphore_mem>>) src(%dma_wait3A_147 : memref<4096x128xf32, #tpu.memory_space<hbm>>) dst(%arg14 : memref<64x128xf32, #tpu.memory_space<vmem>>)
      %ge3A = arith.constant 1 : i32
      %ge3A_148 = arith.cmpi sge, %add3A_129, %ge3A : i32
      %add3A_149 = arith.constant 3 : i32
      %add3A_150 = arith.addi %add3A_129, %add3A_149 : i32
      %lt3A = arith.constant 64 : i32
      %lt3A_151 = arith.cmpi slt, %add3A_150, %lt3A : i32
      %and3A = arith.andi %ge3A_148, %lt3A_151 : i1
      %convert_element_type3A = arith.extui %and3A : i1 to i32
      %cond3A = arith.constant 0 : i32
      %cond3A_152 = arith.cmpi ne, %convert_element_type3A, %cond3A : i32
      scf.if %cond3A_152 {
        %sub3A = arith.constant 1 : i32
        %sub3A_337 = arith.subi %add3A_129, %sub3A : i32
        %mul3A_338 = arith.constant 64 : i32
        %mul3A_339 = arith.muli %sub3A_337, %mul3A_338 : i32
        %add3A_340 = arith.addi %mul3A_2, %mul3A_339 : i32
        %dma_wait3A_341 = arith.constant 0 : i32
        %dma_wait3A_342 = tpu.memref_slice %arg6[%add3A_340, %dma_wait3A_341] : memref<131072x128xf32, #tpu.memory_space<hbm>> -> memref<64x128xf32, #tpu.memory_space<hbm>>
        %dma_wait3A_343 = arith.constant 0 : i32
        %dma_wait3A_344 = tpu.memref_slice %arg6[%add3A_340, %dma_wait3A_343] : memref<131072x128xf32, #tpu.memory_space<hbm>> -> memref<64x128xf32, #tpu.memory_space<hbm>>
        tpu.wait_dma2 semaphore(%arg31 : memref<!tpu.dma_semaphore, #tpu.memory_space<semaphore_mem>>) src(%arg21 : memref<64x128xf32, #tpu.memory_space<vmem>>) dst(%dma_wait3A_344 : memref<64x128xf32, #tpu.memory_space<hbm>>)
        %dma_wait3A_345 = arith.constant 0 : i32
        %dma_wait3A_346 = tpu.memref_slice %arg7[%add3A_340, %dma_wait3A_345] : memref<131072x128xf32, #tpu.memory_space<hbm>> -> memref<64x128xf32, #tpu.memory_space<hbm>>
        %dma_wait3A_347 = arith.constant 0 : i32
        %dma_wait3A_348 = tpu.memref_slice %arg7[%add3A_340, %dma_wait3A_347] : memref<131072x128xf32, #tpu.memory_space<hbm>> -> memref<64x128xf32, #tpu.memory_space<hbm>>
        tpu.wait_dma2 semaphore(%arg31 : memref<!tpu.dma_semaphore, #tpu.memory_space<semaphore_mem>>) src(%arg22 : memref<64x128xf32, #tpu.memory_space<vmem>>) dst(%dma_wait3A_348 : memref<64x128xf32, #tpu.memory_space<hbm>>)
        %dma_wait3A_349 = arith.constant 0 : i32
        %dma_wait3A_350 = tpu.memref_slice %arg8[%add3A_340, %dma_wait3A_349] : memref<131072x128xf32, #tpu.memory_space<hbm>> -> memref<64x128xf32, #tpu.memory_space<hbm>>
        %dma_wait3A_351 = arith.constant 0 : i32
        %dma_wait3A_352 = tpu.memref_slice %arg8[%add3A_340, %dma_wait3A_351] : memref<131072x128xf32, #tpu.memory_space<hbm>> -> memref<64x128xf32, #tpu.memory_space<hbm>>
        tpu.wait_dma2 semaphore(%arg31 : memref<!tpu.dma_semaphore, #tpu.memory_space<semaphore_mem>>) src(%arg23 : memref<64x128xf32, #tpu.memory_space<vmem>>) dst(%dma_wait3A_352 : memref<64x128xf32, #tpu.memory_space<hbm>>)
      } else {
      }
      %add3A_153 = arith.constant 3 : i32
      %add3A_154 = arith.addi %add3A_129, %add3A_153 : i32
      %lt3A_155 = arith.constant 64 : i32
      %lt3A_156 = arith.cmpi slt, %add3A_154, %lt3A_155 : i32
      %convert_element_type3A_157 = arith.extui %lt3A_156 : i1 to i32
      %cond3A_158 = arith.constant 0 : i32
      %cond3A_159 = arith.cmpi ne, %convert_element_type3A_157, %cond3A_158 : i32
      scf.if %cond3A_159 {
        %add3A_337 = arith.constant 3 : i32
        %add3A_338 = arith.addi %add3A_129, %add3A_337 : i32
        %dma_start3A_339 = arith.constant 0 : i32
        %dma_start3A_340 = tpu.memref_slice %arg9[%add3A_338, %dma_start3A_339] : memref<64x64xi32, #tpu.memory_space<vmem>> -> memref<1x64xi32, #tpu.memory_space<vmem>>
        %dma_start3A_341 = tpu.memref_squeeze %dma_start3A_340 : memref<1x64xi32, #tpu.memory_space<vmem>> -> memref<64xi32, #tpu.memory_space<vmem>>
        %dma_start3A_342 = arith.constant 0 : i32
        %dma_start3A_343 = arith.constant 0 : i32
        %dma_start3A_344 = tpu.memref_slice %arg2[%dma_start3A_342, %dma_start3A_343] : memref<4096x128xf32, #tpu.memory_space<hbm>> -> memref<4096x128xf32, #tpu.memory_space<hbm>>
        tpu.enqueue_indirect_dma source(%dma_start3A_344 : memref<4096x128xf32, #tpu.memory_space<hbm>>) target(%arg21 : memref<64x128xf32, #tpu.memory_space<vmem>>) offsets(%dma_start3A_341 : memref<64xi32, #tpu.memory_space<vmem>>) semaphore(%arg27 : memref<!tpu.dma_semaphore, #tpu.memory_space<semaphore_mem>>)
        %dma_start3A_345 = arith.constant 0 : i32
        %dma_start3A_346 = tpu.memref_slice %arg10[%add3A_338, %dma_start3A_345] : memref<64x64xi32, #tpu.memory_space<vmem>> -> memref<1x64xi32, #tpu.memory_space<vmem>>
        %dma_start3A_347 = tpu.memref_squeeze %dma_start3A_346 : memref<1x64xi32, #tpu.memory_space<vmem>> -> memref<64xi32, #tpu.memory_space<vmem>>
        %dma_start3A_348 = arith.constant 0 : i32
        %dma_start3A_349 = arith.constant 0 : i32
        %dma_start3A_350 = tpu.memref_slice %arg2[%dma_start3A_348, %dma_start3A_349] : memref<4096x128xf32, #tpu.memory_space<hbm>> -> memref<4096x128xf32, #tpu.memory_space<hbm>>
        tpu.enqueue_indirect_dma source(%dma_start3A_350 : memref<4096x128xf32, #tpu.memory_space<hbm>>) target(%arg22 : memref<64x128xf32, #tpu.memory_space<vmem>>) offsets(%dma_start3A_347 : memref<64xi32, #tpu.memory_space<vmem>>) semaphore(%arg27 : memref<!tpu.dma_semaphore, #tpu.memory_space<semaphore_mem>>)
        %dma_start3A_351 = arith.constant 0 : i32
        %dma_start3A_352 = tpu.memref_slice %arg11[%add3A_338, %dma_start3A_351] : memref<64x64xi32, #tpu.memory_space<vmem>> -> memref<1x64xi32, #tpu.memory_space<vmem>>
        %dma_start3A_353 = tpu.memref_squeeze %dma_start3A_352 : memref<1x64xi32, #tpu.memory_space<vmem>> -> memref<64xi32, #tpu.memory_space<vmem>>
        %dma_start3A_354 = arith.constant 0 : i32
        %dma_start3A_355 = arith.constant 0 : i32
        %dma_start3A_356 = tpu.memref_slice %arg2[%dma_start3A_354, %dma_start3A_355] : memref<4096x128xf32, #tpu.memory_space<hbm>> -> memref<4096x128xf32, #tpu.memory_space<hbm>>
        tpu.enqueue_indirect_dma source(%dma_start3A_356 : memref<4096x128xf32, #tpu.memory_space<hbm>>) target(%arg23 : memref<64x128xf32, #tpu.memory_space<vmem>>) offsets(%dma_start3A_353 : memref<64xi32, #tpu.memory_space<vmem>>) semaphore(%arg27 : memref<!tpu.dma_semaphore, #tpu.memory_space<semaphore_mem>>)
      } else {
      }
      %mul3A_160 = arith.constant 64 : i32
      %mul3A_161 = arith.muli %add3A_129, %mul3A_160 : i32
      %add3A_162 = arith.addi %mul3A_2, %mul3A_161 : i32
      %dma_start3A_163 = arith.constant 0 : i32
      %dma_start3A_164 = tpu.memref_slice %arg6[%add3A_162, %dma_start3A_163] : memref<131072x128xf32, #tpu.memory_space<hbm>> -> memref<64x128xf32, #tpu.memory_space<hbm>>
      %dma_start3A_165 = arith.constant 0 : i32
      %dma_start3A_166 = tpu.memref_slice %arg6[%add3A_162, %dma_start3A_165] : memref<131072x128xf32, #tpu.memory_space<hbm>> -> memref<64x128xf32, #tpu.memory_space<hbm>>
      tpu.enqueue_dma source(%arg12 : memref<64x128xf32, #tpu.memory_space<vmem>>) target(%dma_start3A_166 : memref<64x128xf32, #tpu.memory_space<hbm>>) target_semaphore(%arg28 : memref<!tpu.dma_semaphore, #tpu.memory_space<semaphore_mem>>)
      %dma_start3A_167 = arith.constant 0 : i32
      %dma_start3A_168 = tpu.memref_slice %arg7[%add3A_162, %dma_start3A_167] : memref<131072x128xf32, #tpu.memory_space<hbm>> -> memref<64x128xf32, #tpu.memory_space<hbm>>
      %dma_start3A_169 = arith.constant 0 : i32
      %dma_start3A_170 = tpu.memref_slice %arg7[%add3A_162, %dma_start3A_169] : memref<131072x128xf32, #tpu.memory_space<hbm>> -> memref<64x128xf32, #tpu.memory_space<hbm>>
      tpu.enqueue_dma source(%arg13 : memref<64x128xf32, #tpu.memory_space<vmem>>) target(%dma_start3A_170 : memref<64x128xf32, #tpu.memory_space<hbm>>) target_semaphore(%arg28 : memref<!tpu.dma_semaphore, #tpu.memory_space<semaphore_mem>>)
      %dma_start3A_171 = arith.constant 0 : i32
      %dma_start3A_172 = tpu.memref_slice %arg8[%add3A_162, %dma_start3A_171] : memref<131072x128xf32, #tpu.memory_space<hbm>> -> memref<64x128xf32, #tpu.memory_space<hbm>>
      %dma_start3A_173 = arith.constant 0 : i32
      %dma_start3A_174 = tpu.memref_slice %arg8[%add3A_162, %dma_start3A_173] : memref<131072x128xf32, #tpu.memory_space<hbm>> -> memref<64x128xf32, #tpu.memory_space<hbm>>
      tpu.enqueue_dma source(%arg14 : memref<64x128xf32, #tpu.memory_space<vmem>>) target(%dma_start3A_174 : memref<64x128xf32, #tpu.memory_space<hbm>>) target_semaphore(%arg28 : memref<!tpu.dma_semaphore, #tpu.memory_space<semaphore_mem>>)
      %mul3A_175 = arith.constant 4 : i32
      %mul3A_176 = arith.muli %mul3A_175, %scan3A_125 : i32
      %add3A_177 = arith.constant 1 : i32
      %add3A_178 = arith.addi %mul3A_176, %add3A_177 : i32
      %dma_wait3A_179 = arith.constant 0 : i32
      %dma_wait3A_180 = tpu.memref_slice %arg9[%add3A_178, %dma_wait3A_179] : memref<64x64xi32, #tpu.memory_space<vmem>> -> memref<1x64xi32, #tpu.memory_space<vmem>>
      %dma_wait3A_181 = tpu.memref_squeeze %dma_wait3A_180 : memref<1x64xi32, #tpu.memory_space<vmem>> -> memref<64xi32, #tpu.memory_space<vmem>>
      %dma_wait3A_182 = arith.constant 0 : i32
      %dma_wait3A_183 = arith.constant 0 : i32
      %dma_wait3A_184 = tpu.memref_slice %arg2[%dma_wait3A_182, %dma_wait3A_183] : memref<4096x128xf32, #tpu.memory_space<hbm>> -> memref<4096x128xf32, #tpu.memory_space<hbm>>
      tpu.wait_indirect_dma semaphore(%arg25 : memref<!tpu.dma_semaphore, #tpu.memory_space<semaphore_mem>>) src(%dma_wait3A_184 : memref<4096x128xf32, #tpu.memory_space<hbm>>) dst(%arg15 : memref<64x128xf32, #tpu.memory_space<vmem>>)
      %dma_wait3A_185 = arith.constant 0 : i32
      %dma_wait3A_186 = tpu.memref_slice %arg10[%add3A_178, %dma_wait3A_185] : memref<64x64xi32, #tpu.memory_space<vmem>> -> memref<1x64xi32, #tpu.memory_space<vmem>>
      %dma_wait3A_187 = tpu.memref_squeeze %dma_wait3A_186 : memref<1x64xi32, #tpu.memory_space<vmem>> -> memref<64xi32, #tpu.memory_space<vmem>>
      %dma_wait3A_188 = arith.constant 0 : i32
      %dma_wait3A_189 = arith.constant 0 : i32
      %dma_wait3A_190 = tpu.memref_slice %arg2[%dma_wait3A_188, %dma_wait3A_189] : memref<4096x128xf32, #tpu.memory_space<hbm>> -> memref<4096x128xf32, #tpu.memory_space<hbm>>
      tpu.wait_indirect_dma semaphore(%arg25 : memref<!tpu.dma_semaphore, #tpu.memory_space<semaphore_mem>>) src(%dma_wait3A_190 : memref<4096x128xf32, #tpu.memory_space<hbm>>) dst(%arg16 : memref<64x128xf32, #tpu.memory_space<vmem>>)
      %dma_wait3A_191 = arith.constant 0 : i32
      %dma_wait3A_192 = tpu.memref_slice %arg11[%add3A_178, %dma_wait3A_191] : memref<64x64xi32, #tpu.memory_space<vmem>> -> memref<1x64xi32, #tpu.memory_space<vmem>>
      %dma_wait3A_193 = tpu.memref_squeeze %dma_wait3A_192 : memref<1x64xi32, #tpu.memory_space<vmem>> -> memref<64xi32, #tpu.memory_space<vmem>>
      %dma_wait3A_194 = arith.constant 0 : i32
      %dma_wait3A_195 = arith.constant 0 : i32
      %dma_wait3A_196 = tpu.memref_slice %arg2[%dma_wait3A_194, %dma_wait3A_195] : memref<4096x128xf32, #tpu.memory_space<hbm>> -> memref<4096x128xf32, #tpu.memory_space<hbm>>
      tpu.wait_indirect_dma semaphore(%arg25 : memref<!tpu.dma_semaphore, #tpu.memory_space<semaphore_mem>>) src(%dma_wait3A_196 : memref<4096x128xf32, #tpu.memory_space<hbm>>) dst(%arg17 : memref<64x128xf32, #tpu.memory_space<vmem>>)
      %ge3A_197 = arith.constant 1 : i32
      %ge3A_198 = arith.cmpi sge, %add3A_178, %ge3A_197 : i32
      %add3A_199 = arith.constant 3 : i32
      %add3A_200 = arith.addi %add3A_178, %add3A_199 : i32
      %lt3A_201 = arith.constant 64 : i32
      %lt3A_202 = arith.cmpi slt, %add3A_200, %lt3A_201 : i32
      %and3A_203 = arith.andi %ge3A_198, %lt3A_202 : i1
      %convert_element_type3A_204 = arith.extui %and3A_203 : i1 to i32
      %cond3A_205 = arith.constant 0 : i32
      %cond3A_206 = arith.cmpi ne, %convert_element_type3A_204, %cond3A_205 : i32
      scf.if %cond3A_206 {
        %sub3A = arith.constant 1 : i32
        %sub3A_337 = arith.subi %add3A_178, %sub3A : i32
        %mul3A_338 = arith.constant 64 : i32
        %mul3A_339 = arith.muli %sub3A_337, %mul3A_338 : i32
        %add3A_340 = arith.addi %mul3A_2, %mul3A_339 : i32
        %dma_wait3A_341 = arith.constant 0 : i32
        %dma_wait3A_342 = tpu.memref_slice %arg6[%add3A_340, %dma_wait3A_341] : memref<131072x128xf32, #tpu.memory_space<hbm>> -> memref<64x128xf32, #tpu.memory_space<hbm>>
        %dma_wait3A_343 = arith.constant 0 : i32
        %dma_wait3A_344 = tpu.memref_slice %arg6[%add3A_340, %dma_wait3A_343] : memref<131072x128xf32, #tpu.memory_space<hbm>> -> memref<64x128xf32, #tpu.memory_space<hbm>>
        tpu.wait_dma2 semaphore(%arg28 : memref<!tpu.dma_semaphore, #tpu.memory_space<semaphore_mem>>) src(%arg12 : memref<64x128xf32, #tpu.memory_space<vmem>>) dst(%dma_wait3A_344 : memref<64x128xf32, #tpu.memory_space<hbm>>)
        %dma_wait3A_345 = arith.constant 0 : i32
        %dma_wait3A_346 = tpu.memref_slice %arg7[%add3A_340, %dma_wait3A_345] : memref<131072x128xf32, #tpu.memory_space<hbm>> -> memref<64x128xf32, #tpu.memory_space<hbm>>
        %dma_wait3A_347 = arith.constant 0 : i32
        %dma_wait3A_348 = tpu.memref_slice %arg7[%add3A_340, %dma_wait3A_347] : memref<131072x128xf32, #tpu.memory_space<hbm>> -> memref<64x128xf32, #tpu.memory_space<hbm>>
        tpu.wait_dma2 semaphore(%arg28 : memref<!tpu.dma_semaphore, #tpu.memory_space<semaphore_mem>>) src(%arg13 : memref<64x128xf32, #tpu.memory_space<vmem>>) dst(%dma_wait3A_348 : memref<64x128xf32, #tpu.memory_space<hbm>>)
        %dma_wait3A_349 = arith.constant 0 : i32
        %dma_wait3A_350 = tpu.memref_slice %arg8[%add3A_340, %dma_wait3A_349] : memref<131072x128xf32, #tpu.memory_space<hbm>> -> memref<64x128xf32, #tpu.memory_space<hbm>>
        %dma_wait3A_351 = arith.constant 0 : i32
        %dma_wait3A_352 = tpu.memref_slice %arg8[%add3A_340, %dma_wait3A_351] : memref<131072x128xf32, #tpu.memory_space<hbm>> -> memref<64x128xf32, #tpu.memory_space<hbm>>
        tpu.wait_dma2 semaphore(%arg28 : memref<!tpu.dma_semaphore, #tpu.memory_space<semaphore_mem>>) src(%arg14 : memref<64x128xf32, #tpu.memory_space<vmem>>) dst(%dma_wait3A_352 : memref<64x128xf32, #tpu.memory_space<hbm>>)
      } else {
      }
      %add3A_207 = arith.constant 3 : i32
      %add3A_208 = arith.addi %add3A_178, %add3A_207 : i32
      %lt3A_209 = arith.constant 64 : i32
      %lt3A_210 = arith.cmpi slt, %add3A_208, %lt3A_209 : i32
      %convert_element_type3A_211 = arith.extui %lt3A_210 : i1 to i32
      %cond3A_212 = arith.constant 0 : i32
      %cond3A_213 = arith.cmpi ne, %convert_element_type3A_211, %cond3A_212 : i32
      scf.if %cond3A_213 {
        %add3A_337 = arith.constant 3 : i32
        %add3A_338 = arith.addi %add3A_178, %add3A_337 : i32
        %dma_start3A_339 = arith.constant 0 : i32
        %dma_start3A_340 = tpu.memref_slice %arg9[%add3A_338, %dma_start3A_339] : memref<64x64xi32, #tpu.memory_space<vmem>> -> memref<1x64xi32, #tpu.memory_space<vmem>>
        %dma_start3A_341 = tpu.memref_squeeze %dma_start3A_340 : memref<1x64xi32, #tpu.memory_space<vmem>> -> memref<64xi32, #tpu.memory_space<vmem>>
        %dma_start3A_342 = arith.constant 0 : i32
        %dma_start3A_343 = arith.constant 0 : i32
        %dma_start3A_344 = tpu.memref_slice %arg2[%dma_start3A_342, %dma_start3A_343] : memref<4096x128xf32, #tpu.memory_space<hbm>> -> memref<4096x128xf32, #tpu.memory_space<hbm>>
        tpu.enqueue_indirect_dma source(%dma_start3A_344 : memref<4096x128xf32, #tpu.memory_space<hbm>>) target(%arg12 : memref<64x128xf32, #tpu.memory_space<vmem>>) offsets(%dma_start3A_341 : memref<64xi32, #tpu.memory_space<vmem>>) semaphore(%arg24 : memref<!tpu.dma_semaphore, #tpu.memory_space<semaphore_mem>>)
        %dma_start3A_345 = arith.constant 0 : i32
        %dma_start3A_346 = tpu.memref_slice %arg10[%add3A_338, %dma_start3A_345] : memref<64x64xi32, #tpu.memory_space<vmem>> -> memref<1x64xi32, #tpu.memory_space<vmem>>
        %dma_start3A_347 = tpu.memref_squeeze %dma_start3A_346 : memref<1x64xi32, #tpu.memory_space<vmem>> -> memref<64xi32, #tpu.memory_space<vmem>>
        %dma_start3A_348 = arith.constant 0 : i32
        %dma_start3A_349 = arith.constant 0 : i32
        %dma_start3A_350 = tpu.memref_slice %arg2[%dma_start3A_348, %dma_start3A_349] : memref<4096x128xf32, #tpu.memory_space<hbm>> -> memref<4096x128xf32, #tpu.memory_space<hbm>>
        tpu.enqueue_indirect_dma source(%dma_start3A_350 : memref<4096x128xf32, #tpu.memory_space<hbm>>) target(%arg13 : memref<64x128xf32, #tpu.memory_space<vmem>>) offsets(%dma_start3A_347 : memref<64xi32, #tpu.memory_space<vmem>>) semaphore(%arg24 : memref<!tpu.dma_semaphore, #tpu.memory_space<semaphore_mem>>)
        %dma_start3A_351 = arith.constant 0 : i32
        %dma_start3A_352 = tpu.memref_slice %arg11[%add3A_338, %dma_start3A_351] : memref<64x64xi32, #tpu.memory_space<vmem>> -> memref<1x64xi32, #tpu.memory_space<vmem>>
        %dma_start3A_353 = tpu.memref_squeeze %dma_start3A_352 : memref<1x64xi32, #tpu.memory_space<vmem>> -> memref<64xi32, #tpu.memory_space<vmem>>
        %dma_start3A_354 = arith.constant 0 : i32
        %dma_start3A_355 = arith.constant 0 : i32
        %dma_start3A_356 = tpu.memref_slice %arg2[%dma_start3A_354, %dma_start3A_355] : memref<4096x128xf32, #tpu.memory_space<hbm>> -> memref<4096x128xf32, #tpu.memory_space<hbm>>
        tpu.enqueue_indirect_dma source(%dma_start3A_356 : memref<4096x128xf32, #tpu.memory_space<hbm>>) target(%arg14 : memref<64x128xf32, #tpu.memory_space<vmem>>) offsets(%dma_start3A_353 : memref<64xi32, #tpu.memory_space<vmem>>) semaphore(%arg24 : memref<!tpu.dma_semaphore, #tpu.memory_space<semaphore_mem>>)
      } else {
      }
      %mul3A_214 = arith.constant 64 : i32
      %mul3A_215 = arith.muli %add3A_178, %mul3A_214 : i32
      %add3A_216 = arith.addi %mul3A_2, %mul3A_215 : i32
      %dma_start3A_217 = arith.constant 0 : i32
      %dma_start3A_218 = tpu.memref_slice %arg6[%add3A_216, %dma_start3A_217] : memref<131072x128xf32, #tpu.memory_space<hbm>> -> memref<64x128xf32, #tpu.memory_space<hbm>>
      %dma_start3A_219 = arith.constant 0 : i32
      %dma_start3A_220 = tpu.memref_slice %arg6[%add3A_216, %dma_start3A_219] : memref<131072x128xf32, #tpu.memory_space<hbm>> -> memref<64x128xf32, #tpu.memory_space<hbm>>
      tpu.enqueue_dma source(%arg15 : memref<64x128xf32, #tpu.memory_space<vmem>>) target(%dma_start3A_220 : memref<64x128xf32, #tpu.memory_space<hbm>>) target_semaphore(%arg29 : memref<!tpu.dma_semaphore, #tpu.memory_space<semaphore_mem>>)
      %dma_start3A_221 = arith.constant 0 : i32
      %dma_start3A_222 = tpu.memref_slice %arg7[%add3A_216, %dma_start3A_221] : memref<131072x128xf32, #tpu.memory_space<hbm>> -> memref<64x128xf32, #tpu.memory_space<hbm>>
      %dma_start3A_223 = arith.constant 0 : i32
      %dma_start3A_224 = tpu.memref_slice %arg7[%add3A_216, %dma_start3A_223] : memref<131072x128xf32, #tpu.memory_space<hbm>> -> memref<64x128xf32, #tpu.memory_space<hbm>>
      tpu.enqueue_dma source(%arg16 : memref<64x128xf32, #tpu.memory_space<vmem>>) target(%dma_start3A_224 : memref<64x128xf32, #tpu.memory_space<hbm>>) target_semaphore(%arg29 : memref<!tpu.dma_semaphore, #tpu.memory_space<semaphore_mem>>)
      %dma_start3A_225 = arith.constant 0 : i32
      %dma_start3A_226 = tpu.memref_slice %arg8[%add3A_216, %dma_start3A_225] : memref<131072x128xf32, #tpu.memory_space<hbm>> -> memref<64x128xf32, #tpu.memory_space<hbm>>
      %dma_start3A_227 = arith.constant 0 : i32
      %dma_start3A_228 = tpu.memref_slice %arg8[%add3A_216, %dma_start3A_227] : memref<131072x128xf32, #tpu.memory_space<hbm>> -> memref<64x128xf32, #tpu.memory_space<hbm>>
      tpu.enqueue_dma source(%arg17 : memref<64x128xf32, #tpu.memory_space<vmem>>) target(%dma_start3A_228 : memref<64x128xf32, #tpu.memory_space<hbm>>) target_semaphore(%arg29 : memref<!tpu.dma_semaphore, #tpu.memory_space<semaphore_mem>>)
      %mul3A_229 = arith.constant 4 : i32
      %mul3A_230 = arith.muli %mul3A_229, %scan3A_125 : i32
      %add3A_231 = arith.constant 2 : i32
      %add3A_232 = arith.addi %mul3A_230, %add3A_231 : i32
      %dma_wait3A_233 = arith.constant 0 : i32
      %dma_wait3A_234 = tpu.memref_slice %arg9[%add3A_232, %dma_wait3A_233] : memref<64x64xi32, #tpu.memory_space<vmem>> -> memref<1x64xi32, #tpu.memory_space<vmem>>
      %dma_wait3A_235 = tpu.memref_squeeze %dma_wait3A_234 : memref<1x64xi32, #tpu.memory_space<vmem>> -> memref<64xi32, #tpu.memory_space<vmem>>
      %dma_wait3A_236 = arith.constant 0 : i32
      %dma_wait3A_237 = arith.constant 0 : i32
      %dma_wait3A_238 = tpu.memref_slice %arg2[%dma_wait3A_236, %dma_wait3A_237] : memref<4096x128xf32, #tpu.memory_space<hbm>> -> memref<4096x128xf32, #tpu.memory_space<hbm>>
      tpu.wait_indirect_dma semaphore(%arg26 : memref<!tpu.dma_semaphore, #tpu.memory_space<semaphore_mem>>) src(%dma_wait3A_238 : memref<4096x128xf32, #tpu.memory_space<hbm>>) dst(%arg18 : memref<64x128xf32, #tpu.memory_space<vmem>>)
      %dma_wait3A_239 = arith.constant 0 : i32
      %dma_wait3A_240 = tpu.memref_slice %arg10[%add3A_232, %dma_wait3A_239] : memref<64x64xi32, #tpu.memory_space<vmem>> -> memref<1x64xi32, #tpu.memory_space<vmem>>
      %dma_wait3A_241 = tpu.memref_squeeze %dma_wait3A_240 : memref<1x64xi32, #tpu.memory_space<vmem>> -> memref<64xi32, #tpu.memory_space<vmem>>
      %dma_wait3A_242 = arith.constant 0 : i32
      %dma_wait3A_243 = arith.constant 0 : i32
      %dma_wait3A_244 = tpu.memref_slice %arg2[%dma_wait3A_242, %dma_wait3A_243] : memref<4096x128xf32, #tpu.memory_space<hbm>> -> memref<4096x128xf32, #tpu.memory_space<hbm>>
      tpu.wait_indirect_dma semaphore(%arg26 : memref<!tpu.dma_semaphore, #tpu.memory_space<semaphore_mem>>) src(%dma_wait3A_244 : memref<4096x128xf32, #tpu.memory_space<hbm>>) dst(%arg19 : memref<64x128xf32, #tpu.memory_space<vmem>>)
      %dma_wait3A_245 = arith.constant 0 : i32
      %dma_wait3A_246 = tpu.memref_slice %arg11[%add3A_232, %dma_wait3A_245] : memref<64x64xi32, #tpu.memory_space<vmem>> -> memref<1x64xi32, #tpu.memory_space<vmem>>
      %dma_wait3A_247 = tpu.memref_squeeze %dma_wait3A_246 : memref<1x64xi32, #tpu.memory_space<vmem>> -> memref<64xi32, #tpu.memory_space<vmem>>
      %dma_wait3A_248 = arith.constant 0 : i32
      %dma_wait3A_249 = arith.constant 0 : i32
      %dma_wait3A_250 = tpu.memref_slice %arg2[%dma_wait3A_248, %dma_wait3A_249] : memref<4096x128xf32, #tpu.memory_space<hbm>> -> memref<4096x128xf32, #tpu.memory_space<hbm>>
      tpu.wait_indirect_dma semaphore(%arg26 : memref<!tpu.dma_semaphore, #tpu.memory_space<semaphore_mem>>) src(%dma_wait3A_250 : memref<4096x128xf32, #tpu.memory_space<hbm>>) dst(%arg20 : memref<64x128xf32, #tpu.memory_space<vmem>>)
      %ge3A_251 = arith.constant 1 : i32
      %ge3A_252 = arith.cmpi sge, %add3A_232, %ge3A_251 : i32
      %add3A_253 = arith.constant 3 : i32
      %add3A_254 = arith.addi %add3A_232, %add3A_253 : i32
      %lt3A_255 = arith.constant 64 : i32
      %lt3A_256 = arith.cmpi slt, %add3A_254, %lt3A_255 : i32
      %and3A_257 = arith.andi %ge3A_252, %lt3A_256 : i1
      %convert_element_type3A_258 = arith.extui %and3A_257 : i1 to i32
      %cond3A_259 = arith.constant 0 : i32
      %cond3A_260 = arith.cmpi ne, %convert_element_type3A_258, %cond3A_259 : i32
      scf.if %cond3A_260 {
        %sub3A = arith.constant 1 : i32
        %sub3A_337 = arith.subi %add3A_232, %sub3A : i32
        %mul3A_338 = arith.constant 64 : i32
        %mul3A_339 = arith.muli %sub3A_337, %mul3A_338 : i32
        %add3A_340 = arith.addi %mul3A_2, %mul3A_339 : i32
        %dma_wait3A_341 = arith.constant 0 : i32
        %dma_wait3A_342 = tpu.memref_slice %arg6[%add3A_340, %dma_wait3A_341] : memref<131072x128xf32, #tpu.memory_space<hbm>> -> memref<64x128xf32, #tpu.memory_space<hbm>>
        %dma_wait3A_343 = arith.constant 0 : i32
        %dma_wait3A_344 = tpu.memref_slice %arg6[%add3A_340, %dma_wait3A_343] : memref<131072x128xf32, #tpu.memory_space<hbm>> -> memref<64x128xf32, #tpu.memory_space<hbm>>
        tpu.wait_dma2 semaphore(%arg29 : memref<!tpu.dma_semaphore, #tpu.memory_space<semaphore_mem>>) src(%arg15 : memref<64x128xf32, #tpu.memory_space<vmem>>) dst(%dma_wait3A_344 : memref<64x128xf32, #tpu.memory_space<hbm>>)
        %dma_wait3A_345 = arith.constant 0 : i32
        %dma_wait3A_346 = tpu.memref_slice %arg7[%add3A_340, %dma_wait3A_345] : memref<131072x128xf32, #tpu.memory_space<hbm>> -> memref<64x128xf32, #tpu.memory_space<hbm>>
        %dma_wait3A_347 = arith.constant 0 : i32
        %dma_wait3A_348 = tpu.memref_slice %arg7[%add3A_340, %dma_wait3A_347] : memref<131072x128xf32, #tpu.memory_space<hbm>> -> memref<64x128xf32, #tpu.memory_space<hbm>>
        tpu.wait_dma2 semaphore(%arg29 : memref<!tpu.dma_semaphore, #tpu.memory_space<semaphore_mem>>) src(%arg16 : memref<64x128xf32, #tpu.memory_space<vmem>>) dst(%dma_wait3A_348 : memref<64x128xf32, #tpu.memory_space<hbm>>)
        %dma_wait3A_349 = arith.constant 0 : i32
        %dma_wait3A_350 = tpu.memref_slice %arg8[%add3A_340, %dma_wait3A_349] : memref<131072x128xf32, #tpu.memory_space<hbm>> -> memref<64x128xf32, #tpu.memory_space<hbm>>
        %dma_wait3A_351 = arith.constant 0 : i32
        %dma_wait3A_352 = tpu.memref_slice %arg8[%add3A_340, %dma_wait3A_351] : memref<131072x128xf32, #tpu.memory_space<hbm>> -> memref<64x128xf32, #tpu.memory_space<hbm>>
        tpu.wait_dma2 semaphore(%arg29 : memref<!tpu.dma_semaphore, #tpu.memory_space<semaphore_mem>>) src(%arg17 : memref<64x128xf32, #tpu.memory_space<vmem>>) dst(%dma_wait3A_352 : memref<64x128xf32, #tpu.memory_space<hbm>>)
      } else {
      }
      %add3A_261 = arith.constant 3 : i32
      %add3A_262 = arith.addi %add3A_232, %add3A_261 : i32
      %lt3A_263 = arith.constant 64 : i32
      %lt3A_264 = arith.cmpi slt, %add3A_262, %lt3A_263 : i32
      %convert_element_type3A_265 = arith.extui %lt3A_264 : i1 to i32
      %cond3A_266 = arith.constant 0 : i32
      %cond3A_267 = arith.cmpi ne, %convert_element_type3A_265, %cond3A_266 : i32
      scf.if %cond3A_267 {
        %add3A_337 = arith.constant 3 : i32
        %add3A_338 = arith.addi %add3A_232, %add3A_337 : i32
        %dma_start3A_339 = arith.constant 0 : i32
        %dma_start3A_340 = tpu.memref_slice %arg9[%add3A_338, %dma_start3A_339] : memref<64x64xi32, #tpu.memory_space<vmem>> -> memref<1x64xi32, #tpu.memory_space<vmem>>
        %dma_start3A_341 = tpu.memref_squeeze %dma_start3A_340 : memref<1x64xi32, #tpu.memory_space<vmem>> -> memref<64xi32, #tpu.memory_space<vmem>>
        %dma_start3A_342 = arith.constant 0 : i32
        %dma_start3A_343 = arith.constant 0 : i32
        %dma_start3A_344 = tpu.memref_slice %arg2[%dma_start3A_342, %dma_start3A_343] : memref<4096x128xf32, #tpu.memory_space<hbm>> -> memref<4096x128xf32, #tpu.memory_space<hbm>>
        tpu.enqueue_indirect_dma source(%dma_start3A_344 : memref<4096x128xf32, #tpu.memory_space<hbm>>) target(%arg15 : memref<64x128xf32, #tpu.memory_space<vmem>>) offsets(%dma_start3A_341 : memref<64xi32, #tpu.memory_space<vmem>>) semaphore(%arg25 : memref<!tpu.dma_semaphore, #tpu.memory_space<semaphore_mem>>)
        %dma_start3A_345 = arith.constant 0 : i32
        %dma_start3A_346 = tpu.memref_slice %arg10[%add3A_338, %dma_start3A_345] : memref<64x64xi32, #tpu.memory_space<vmem>> -> memref<1x64xi32, #tpu.memory_space<vmem>>
        %dma_start3A_347 = tpu.memref_squeeze %dma_start3A_346 : memref<1x64xi32, #tpu.memory_space<vmem>> -> memref<64xi32, #tpu.memory_space<vmem>>
        %dma_start3A_348 = arith.constant 0 : i32
        %dma_start3A_349 = arith.constant 0 : i32
        %dma_start3A_350 = tpu.memref_slice %arg2[%dma_start3A_348, %dma_start3A_349] : memref<4096x128xf32, #tpu.memory_space<hbm>> -> memref<4096x128xf32, #tpu.memory_space<hbm>>
        tpu.enqueue_indirect_dma source(%dma_start3A_350 : memref<4096x128xf32, #tpu.memory_space<hbm>>) target(%arg16 : memref<64x128xf32, #tpu.memory_space<vmem>>) offsets(%dma_start3A_347 : memref<64xi32, #tpu.memory_space<vmem>>) semaphore(%arg25 : memref<!tpu.dma_semaphore, #tpu.memory_space<semaphore_mem>>)
        %dma_start3A_351 = arith.constant 0 : i32
        %dma_start3A_352 = tpu.memref_slice %arg11[%add3A_338, %dma_start3A_351] : memref<64x64xi32, #tpu.memory_space<vmem>> -> memref<1x64xi32, #tpu.memory_space<vmem>>
        %dma_start3A_353 = tpu.memref_squeeze %dma_start3A_352 : memref<1x64xi32, #tpu.memory_space<vmem>> -> memref<64xi32, #tpu.memory_space<vmem>>
        %dma_start3A_354 = arith.constant 0 : i32
        %dma_start3A_355 = arith.constant 0 : i32
        %dma_start3A_356 = tpu.memref_slice %arg2[%dma_start3A_354, %dma_start3A_355] : memref<4096x128xf32, #tpu.memory_space<hbm>> -> memref<4096x128xf32, #tpu.memory_space<hbm>>
        tpu.enqueue_indirect_dma source(%dma_start3A_356 : memref<4096x128xf32, #tpu.memory_space<hbm>>) target(%arg17 : memref<64x128xf32, #tpu.memory_space<vmem>>) offsets(%dma_start3A_353 : memref<64xi32, #tpu.memory_space<vmem>>) semaphore(%arg25 : memref<!tpu.dma_semaphore, #tpu.memory_space<semaphore_mem>>)
      } else {
      }
      %mul3A_268 = arith.constant 64 : i32
      %mul3A_269 = arith.muli %add3A_232, %mul3A_268 : i32
      %add3A_270 = arith.addi %mul3A_2, %mul3A_269 : i32
      %dma_start3A_271 = arith.constant 0 : i32
      %dma_start3A_272 = tpu.memref_slice %arg6[%add3A_270, %dma_start3A_271] : memref<131072x128xf32, #tpu.memory_space<hbm>> -> memref<64x128xf32, #tpu.memory_space<hbm>>
      %dma_start3A_273 = arith.constant 0 : i32
      %dma_start3A_274 = tpu.memref_slice %arg6[%add3A_270, %dma_start3A_273] : memref<131072x128xf32, #tpu.memory_space<hbm>> -> memref<64x128xf32, #tpu.memory_space<hbm>>
      tpu.enqueue_dma source(%arg18 : memref<64x128xf32, #tpu.memory_space<vmem>>) target(%dma_start3A_274 : memref<64x128xf32, #tpu.memory_space<hbm>>) target_semaphore(%arg30 : memref<!tpu.dma_semaphore, #tpu.memory_space<semaphore_mem>>)
      %dma_start3A_275 = arith.constant 0 : i32
      %dma_start3A_276 = tpu.memref_slice %arg7[%add3A_270, %dma_start3A_275] : memref<131072x128xf32, #tpu.memory_space<hbm>> -> memref<64x128xf32, #tpu.memory_space<hbm>>
      %dma_start3A_277 = arith.constant 0 : i32
      %dma_start3A_278 = tpu.memref_slice %arg7[%add3A_270, %dma_start3A_277] : memref<131072x128xf32, #tpu.memory_space<hbm>> -> memref<64x128xf32, #tpu.memory_space<hbm>>
      tpu.enqueue_dma source(%arg19 : memref<64x128xf32, #tpu.memory_space<vmem>>) target(%dma_start3A_278 : memref<64x128xf32, #tpu.memory_space<hbm>>) target_semaphore(%arg30 : memref<!tpu.dma_semaphore, #tpu.memory_space<semaphore_mem>>)
      %dma_start3A_279 = arith.constant 0 : i32
      %dma_start3A_280 = tpu.memref_slice %arg8[%add3A_270, %dma_start3A_279] : memref<131072x128xf32, #tpu.memory_space<hbm>> -> memref<64x128xf32, #tpu.memory_space<hbm>>
      %dma_start3A_281 = arith.constant 0 : i32
      %dma_start3A_282 = tpu.memref_slice %arg8[%add3A_270, %dma_start3A_281] : memref<131072x128xf32, #tpu.memory_space<hbm>> -> memref<64x128xf32, #tpu.memory_space<hbm>>
      tpu.enqueue_dma source(%arg20 : memref<64x128xf32, #tpu.memory_space<vmem>>) target(%dma_start3A_282 : memref<64x128xf32, #tpu.memory_space<hbm>>) target_semaphore(%arg30 : memref<!tpu.dma_semaphore, #tpu.memory_space<semaphore_mem>>)
      %mul3A_283 = arith.constant 4 : i32
      %mul3A_284 = arith.muli %mul3A_283, %scan3A_125 : i32
      %add3A_285 = arith.constant 3 : i32
      %add3A_286 = arith.addi %mul3A_284, %add3A_285 : i32
      %dma_wait3A_287 = arith.constant 0 : i32
      %dma_wait3A_288 = tpu.memref_slice %arg9[%add3A_286, %dma_wait3A_287] : memref<64x64xi32, #tpu.memory_space<vmem>> -> memref<1x64xi32, #tpu.memory_space<vmem>>
      %dma_wait3A_289 = tpu.memref_squeeze %dma_wait3A_288 : memref<1x64xi32, #tpu.memory_space<vmem>> -> memref<64xi32, #tpu.memory_space<vmem>>
      %dma_wait3A_290 = arith.constant 0 : i32
      %dma_wait3A_291 = arith.constant 0 : i32
      %dma_wait3A_292 = tpu.memref_slice %arg2[%dma_wait3A_290, %dma_wait3A_291] : memref<4096x128xf32, #tpu.memory_space<hbm>> -> memref<4096x128xf32, #tpu.memory_space<hbm>>
      tpu.wait_indirect_dma semaphore(%arg27 : memref<!tpu.dma_semaphore, #tpu.memory_space<semaphore_mem>>) src(%dma_wait3A_292 : memref<4096x128xf32, #tpu.memory_space<hbm>>) dst(%arg21 : memref<64x128xf32, #tpu.memory_space<vmem>>)
      %dma_wait3A_293 = arith.constant 0 : i32
      %dma_wait3A_294 = tpu.memref_slice %arg10[%add3A_286, %dma_wait3A_293] : memref<64x64xi32, #tpu.memory_space<vmem>> -> memref<1x64xi32, #tpu.memory_space<vmem>>
      %dma_wait3A_295 = tpu.memref_squeeze %dma_wait3A_294 : memref<1x64xi32, #tpu.memory_space<vmem>> -> memref<64xi32, #tpu.memory_space<vmem>>
      %dma_wait3A_296 = arith.constant 0 : i32
      %dma_wait3A_297 = arith.constant 0 : i32
      %dma_wait3A_298 = tpu.memref_slice %arg2[%dma_wait3A_296, %dma_wait3A_297] : memref<4096x128xf32, #tpu.memory_space<hbm>> -> memref<4096x128xf32, #tpu.memory_space<hbm>>
      tpu.wait_indirect_dma semaphore(%arg27 : memref<!tpu.dma_semaphore, #tpu.memory_space<semaphore_mem>>) src(%dma_wait3A_298 : memref<4096x128xf32, #tpu.memory_space<hbm>>) dst(%arg22 : memref<64x128xf32, #tpu.memory_space<vmem>>)
      %dma_wait3A_299 = arith.constant 0 : i32
      %dma_wait3A_300 = tpu.memref_slice %arg11[%add3A_286, %dma_wait3A_299] : memref<64x64xi32, #tpu.memory_space<vmem>> -> memref<1x64xi32, #tpu.memory_space<vmem>>
      %dma_wait3A_301 = tpu.memref_squeeze %dma_wait3A_300 : memref<1x64xi32, #tpu.memory_space<vmem>> -> memref<64xi32, #tpu.memory_space<vmem>>
      %dma_wait3A_302 = arith.constant 0 : i32
      %dma_wait3A_303 = arith.constant 0 : i32
      %dma_wait3A_304 = tpu.memref_slice %arg2[%dma_wait3A_302, %dma_wait3A_303] : memref<4096x128xf32, #tpu.memory_space<hbm>> -> memref<4096x128xf32, #tpu.memory_space<hbm>>
      tpu.wait_indirect_dma semaphore(%arg27 : memref<!tpu.dma_semaphore, #tpu.memory_space<semaphore_mem>>) src(%dma_wait3A_304 : memref<4096x128xf32, #tpu.memory_space<hbm>>) dst(%arg23 : memref<64x128xf32, #tpu.memory_space<vmem>>)
      %ge3A_305 = arith.constant 1 : i32
      %ge3A_306 = arith.cmpi sge, %add3A_286, %ge3A_305 : i32
      %add3A_307 = arith.constant 3 : i32
      %add3A_308 = arith.addi %add3A_286, %add3A_307 : i32
      %lt3A_309 = arith.constant 64 : i32
      %lt3A_310 = arith.cmpi slt, %add3A_308, %lt3A_309 : i32
      %and3A_311 = arith.andi %ge3A_306, %lt3A_310 : i1
      %convert_element_type3A_312 = arith.extui %and3A_311 : i1 to i32
      %cond3A_313 = arith.constant 0 : i32
      %cond3A_314 = arith.cmpi ne, %convert_element_type3A_312, %cond3A_313 : i32
      scf.if %cond3A_314 {
        %sub3A = arith.constant 1 : i32
        %sub3A_337 = arith.subi %add3A_286, %sub3A : i32
        %mul3A_338 = arith.constant 64 : i32
        %mul3A_339 = arith.muli %sub3A_337, %mul3A_338 : i32
        %add3A_340 = arith.addi %mul3A_2, %mul3A_339 : i32
        %dma_wait3A_341 = arith.constant 0 : i32
        %dma_wait3A_342 = tpu.memref_slice %arg6[%add3A_340, %dma_wait3A_341] : memref<131072x128xf32, #tpu.memory_space<hbm>> -> memref<64x128xf32, #tpu.memory_space<hbm>>
        %dma_wait3A_343 = arith.constant 0 : i32
        %dma_wait3A_344 = tpu.memref_slice %arg6[%add3A_340, %dma_wait3A_343] : memref<131072x128xf32, #tpu.memory_space<hbm>> -> memref<64x128xf32, #tpu.memory_space<hbm>>
        tpu.wait_dma2 semaphore(%arg30 : memref<!tpu.dma_semaphore, #tpu.memory_space<semaphore_mem>>) src(%arg18 : memref<64x128xf32, #tpu.memory_space<vmem>>) dst(%dma_wait3A_344 : memref<64x128xf32, #tpu.memory_space<hbm>>)
        %dma_wait3A_345 = arith.constant 0 : i32
        %dma_wait3A_346 = tpu.memref_slice %arg7[%add3A_340, %dma_wait3A_345] : memref<131072x128xf32, #tpu.memory_space<hbm>> -> memref<64x128xf32, #tpu.memory_space<hbm>>
        %dma_wait3A_347 = arith.constant 0 : i32
        %dma_wait3A_348 = tpu.memref_slice %arg7[%add3A_340, %dma_wait3A_347] : memref<131072x128xf32, #tpu.memory_space<hbm>> -> memref<64x128xf32, #tpu.memory_space<hbm>>
        tpu.wait_dma2 semaphore(%arg30 : memref<!tpu.dma_semaphore, #tpu.memory_space<semaphore_mem>>) src(%arg19 : memref<64x128xf32, #tpu.memory_space<vmem>>) dst(%dma_wait3A_348 : memref<64x128xf32, #tpu.memory_space<hbm>>)
        %dma_wait3A_349 = arith.constant 0 : i32
        %dma_wait3A_350 = tpu.memref_slice %arg8[%add3A_340, %dma_wait3A_349] : memref<131072x128xf32, #tpu.memory_space<hbm>> -> memref<64x128xf32, #tpu.memory_space<hbm>>
        %dma_wait3A_351 = arith.constant 0 : i32
        %dma_wait3A_352 = tpu.memref_slice %arg8[%add3A_340, %dma_wait3A_351] : memref<131072x128xf32, #tpu.memory_space<hbm>> -> memref<64x128xf32, #tpu.memory_space<hbm>>
        tpu.wait_dma2 semaphore(%arg30 : memref<!tpu.dma_semaphore, #tpu.memory_space<semaphore_mem>>) src(%arg20 : memref<64x128xf32, #tpu.memory_space<vmem>>) dst(%dma_wait3A_352 : memref<64x128xf32, #tpu.memory_space<hbm>>)
      } else {
      }
      %add3A_315 = arith.constant 3 : i32
      %add3A_316 = arith.addi %add3A_286, %add3A_315 : i32
      %lt3A_317 = arith.constant 64 : i32
      %lt3A_318 = arith.cmpi slt, %add3A_316, %lt3A_317 : i32
      %convert_element_type3A_319 = arith.extui %lt3A_318 : i1 to i32
      %cond3A_320 = arith.constant 0 : i32
      %cond3A_321 = arith.cmpi ne, %convert_element_type3A_319, %cond3A_320 : i32
      scf.if %cond3A_321 {
        %add3A_337 = arith.constant 3 : i32
        %add3A_338 = arith.addi %add3A_286, %add3A_337 : i32
        %dma_start3A_339 = arith.constant 0 : i32
        %dma_start3A_340 = tpu.memref_slice %arg9[%add3A_338, %dma_start3A_339] : memref<64x64xi32, #tpu.memory_space<vmem>> -> memref<1x64xi32, #tpu.memory_space<vmem>>
        %dma_start3A_341 = tpu.memref_squeeze %dma_start3A_340 : memref<1x64xi32, #tpu.memory_space<vmem>> -> memref<64xi32, #tpu.memory_space<vmem>>
        %dma_start3A_342 = arith.constant 0 : i32
        %dma_start3A_343 = arith.constant 0 : i32
        %dma_start3A_344 = tpu.memref_slice %arg2[%dma_start3A_342, %dma_start3A_343] : memref<4096x128xf32, #tpu.memory_space<hbm>> -> memref<4096x128xf32, #tpu.memory_space<hbm>>
        tpu.enqueue_indirect_dma source(%dma_start3A_344 : memref<4096x128xf32, #tpu.memory_space<hbm>>) target(%arg18 : memref<64x128xf32, #tpu.memory_space<vmem>>) offsets(%dma_start3A_341 : memref<64xi32, #tpu.memory_space<vmem>>) semaphore(%arg26 : memref<!tpu.dma_semaphore, #tpu.memory_space<semaphore_mem>>)
        %dma_start3A_345 = arith.constant 0 : i32
        %dma_start3A_346 = tpu.memref_slice %arg10[%add3A_338, %dma_start3A_345] : memref<64x64xi32, #tpu.memory_space<vmem>> -> memref<1x64xi32, #tpu.memory_space<vmem>>
        %dma_start3A_347 = tpu.memref_squeeze %dma_start3A_346 : memref<1x64xi32, #tpu.memory_space<vmem>> -> memref<64xi32, #tpu.memory_space<vmem>>
        %dma_start3A_348 = arith.constant 0 : i32
        %dma_start3A_349 = arith.constant 0 : i32
        %dma_start3A_350 = tpu.memref_slice %arg2[%dma_start3A_348, %dma_start3A_349] : memref<4096x128xf32, #tpu.memory_space<hbm>> -> memref<4096x128xf32, #tpu.memory_space<hbm>>
        tpu.enqueue_indirect_dma source(%dma_start3A_350 : memref<4096x128xf32, #tpu.memory_space<hbm>>) target(%arg19 : memref<64x128xf32, #tpu.memory_space<vmem>>) offsets(%dma_start3A_347 : memref<64xi32, #tpu.memory_space<vmem>>) semaphore(%arg26 : memref<!tpu.dma_semaphore, #tpu.memory_space<semaphore_mem>>)
        %dma_start3A_351 = arith.constant 0 : i32
        %dma_start3A_352 = tpu.memref_slice %arg11[%add3A_338, %dma_start3A_351] : memref<64x64xi32, #tpu.memory_space<vmem>> -> memref<1x64xi32, #tpu.memory_space<vmem>>
        %dma_start3A_353 = tpu.memref_squeeze %dma_start3A_352 : memref<1x64xi32, #tpu.memory_space<vmem>> -> memref<64xi32, #tpu.memory_space<vmem>>
        %dma_start3A_354 = arith.constant 0 : i32
        %dma_start3A_355 = arith.constant 0 : i32
        %dma_start3A_356 = tpu.memref_slice %arg2[%dma_start3A_354, %dma_start3A_355] : memref<4096x128xf32, #tpu.memory_space<hbm>> -> memref<4096x128xf32, #tpu.memory_space<hbm>>
        tpu.enqueue_indirect_dma source(%dma_start3A_356 : memref<4096x128xf32, #tpu.memory_space<hbm>>) target(%arg20 : memref<64x128xf32, #tpu.memory_space<vmem>>) offsets(%dma_start3A_353 : memref<64xi32, #tpu.memory_space<vmem>>) semaphore(%arg26 : memref<!tpu.dma_semaphore, #tpu.memory_space<semaphore_mem>>)
      } else {
      }
      %mul3A_322 = arith.constant 64 : i32
      %mul3A_323 = arith.muli %add3A_286, %mul3A_322 : i32
      %add3A_324 = arith.addi %mul3A_2, %mul3A_323 : i32
      %dma_start3A_325 = arith.constant 0 : i32
      %dma_start3A_326 = tpu.memref_slice %arg6[%add3A_324, %dma_start3A_325] : memref<131072x128xf32, #tpu.memory_space<hbm>> -> memref<64x128xf32, #tpu.memory_space<hbm>>
      %dma_start3A_327 = arith.constant 0 : i32
      %dma_start3A_328 = tpu.memref_slice %arg6[%add3A_324, %dma_start3A_327] : memref<131072x128xf32, #tpu.memory_space<hbm>> -> memref<64x128xf32, #tpu.memory_space<hbm>>
      tpu.enqueue_dma source(%arg21 : memref<64x128xf32, #tpu.memory_space<vmem>>) target(%dma_start3A_328 : memref<64x128xf32, #tpu.memory_space<hbm>>) target_semaphore(%arg31 : memref<!tpu.dma_semaphore, #tpu.memory_space<semaphore_mem>>)
      %dma_start3A_329 = arith.constant 0 : i32
      %dma_start3A_330 = tpu.memref_slice %arg7[%add3A_324, %dma_start3A_329] : memref<131072x128xf32, #tpu.memory_space<hbm>> -> memref<64x128xf32, #tpu.memory_space<hbm>>
      %dma_start3A_331 = arith.constant 0 : i32
      %dma_start3A_332 = tpu.memref_slice %arg7[%add3A_324, %dma_start3A_331] : memref<131072x128xf32, #tpu.memory_space<hbm>> -> memref<64x128xf32, #tpu.memory_space<hbm>>
      tpu.enqueue_dma source(%arg22 : memref<64x128xf32, #tpu.memory_space<vmem>>) target(%dma_start3A_332 : memref<64x128xf32, #tpu.memory_space<hbm>>) target_semaphore(%arg31 : memref<!tpu.dma_semaphore, #tpu.memory_space<semaphore_mem>>)
      %dma_start3A_333 = arith.constant 0 : i32
      %dma_start3A_334 = tpu.memref_slice %arg8[%add3A_324, %dma_start3A_333] : memref<131072x128xf32, #tpu.memory_space<hbm>> -> memref<64x128xf32, #tpu.memory_space<hbm>>
      %dma_start3A_335 = arith.constant 0 : i32
      %dma_start3A_336 = tpu.memref_slice %arg8[%add3A_324, %dma_start3A_335] : memref<131072x128xf32, #tpu.memory_space<hbm>> -> memref<64x128xf32, #tpu.memory_space<hbm>>
      tpu.enqueue_dma source(%arg23 : memref<64x128xf32, #tpu.memory_space<vmem>>) target(%dma_start3A_336 : memref<64x128xf32, #tpu.memory_space<hbm>>) target_semaphore(%arg31 : memref<!tpu.dma_semaphore, #tpu.memory_space<semaphore_mem>>)
    }
    %scan3A_69 = arith.constant 16 : i32
    %add3A_70 = arith.constant 3840 : i32
    %add3A_71 = arith.addi %mul3A_2, %add3A_70 : i32
    %dma_wait3A = arith.constant 0 : i32
    %dma_wait3A_72 = tpu.memref_slice %arg6[%add3A_71, %dma_wait3A] : memref<131072x128xf32, #tpu.memory_space<hbm>> -> memref<64x128xf32, #tpu.memory_space<hbm>>
    %dma_wait3A_73 = arith.constant 0 : i32
    %dma_wait3A_74 = tpu.memref_slice %arg6[%add3A_71, %dma_wait3A_73] : memref<131072x128xf32, #tpu.memory_space<hbm>> -> memref<64x128xf32, #tpu.memory_space<hbm>>
    tpu.wait_dma2 semaphore(%arg28 : memref<!tpu.dma_semaphore, #tpu.memory_space<semaphore_mem>>) src(%arg12 : memref<64x128xf32, #tpu.memory_space<vmem>>) dst(%dma_wait3A_74 : memref<64x128xf32, #tpu.memory_space<hbm>>)
    %dma_wait3A_75 = arith.constant 0 : i32
    %dma_wait3A_76 = tpu.memref_slice %arg7[%add3A_71, %dma_wait3A_75] : memref<131072x128xf32, #tpu.memory_space<hbm>> -> memref<64x128xf32, #tpu.memory_space<hbm>>
    %dma_wait3A_77 = arith.constant 0 : i32
    %dma_wait3A_78 = tpu.memref_slice %arg7[%add3A_71, %dma_wait3A_77] : memref<131072x128xf32, #tpu.memory_space<hbm>> -> memref<64x128xf32, #tpu.memory_space<hbm>>
    tpu.wait_dma2 semaphore(%arg28 : memref<!tpu.dma_semaphore, #tpu.memory_space<semaphore_mem>>) src(%arg13 : memref<64x128xf32, #tpu.memory_space<vmem>>) dst(%dma_wait3A_78 : memref<64x128xf32, #tpu.memory_space<hbm>>)
    %dma_wait3A_79 = arith.constant 0 : i32
    %dma_wait3A_80 = tpu.memref_slice %arg8[%add3A_71, %dma_wait3A_79] : memref<131072x128xf32, #tpu.memory_space<hbm>> -> memref<64x128xf32, #tpu.memory_space<hbm>>
    %dma_wait3A_81 = arith.constant 0 : i32
    %dma_wait3A_82 = tpu.memref_slice %arg8[%add3A_71, %dma_wait3A_81] : memref<131072x128xf32, #tpu.memory_space<hbm>> -> memref<64x128xf32, #tpu.memory_space<hbm>>
    tpu.wait_dma2 semaphore(%arg28 : memref<!tpu.dma_semaphore, #tpu.memory_space<semaphore_mem>>) src(%arg14 : memref<64x128xf32, #tpu.memory_space<vmem>>) dst(%dma_wait3A_82 : memref<64x128xf32, #tpu.memory_space<hbm>>)
    %add3A_83 = arith.constant 3904 : i32
    %add3A_84 = arith.addi %mul3A_2, %add3A_83 : i32
    %dma_wait3A_85 = arith.constant 0 : i32
    %dma_wait3A_86 = tpu.memref_slice %arg6[%add3A_84, %dma_wait3A_85] : memref<131072x128xf32, #tpu.memory_space<hbm>> -> memref<64x128xf32, #tpu.memory_space<hbm>>
    %dma_wait3A_87 = arith.constant 0 : i32
    %dma_wait3A_88 = tpu.memref_slice %arg6[%add3A_84, %dma_wait3A_87] : memref<131072x128xf32, #tpu.memory_space<hbm>> -> memref<64x128xf32, #tpu.memory_space<hbm>>
    tpu.wait_dma2 semaphore(%arg29 : memref<!tpu.dma_semaphore, #tpu.memory_space<semaphore_mem>>) src(%arg15 : memref<64x128xf32, #tpu.memory_space<vmem>>) dst(%dma_wait3A_88 : memref<64x128xf32, #tpu.memory_space<hbm>>)
    %dma_wait3A_89 = arith.constant 0 : i32
    %dma_wait3A_90 = tpu.memref_slice %arg7[%add3A_84, %dma_wait3A_89] : memref<131072x128xf32, #tpu.memory_space<hbm>> -> memref<64x128xf32, #tpu.memory_space<hbm>>
    %dma_wait3A_91 = arith.constant 0 : i32
    %dma_wait3A_92 = tpu.memref_slice %arg7[%add3A_84, %dma_wait3A_91] : memref<131072x128xf32, #tpu.memory_space<hbm>> -> memref<64x128xf32, #tpu.memory_space<hbm>>
    tpu.wait_dma2 semaphore(%arg29 : memref<!tpu.dma_semaphore, #tpu.memory_space<semaphore_mem>>) src(%arg16 : memref<64x128xf32, #tpu.memory_space<vmem>>) dst(%dma_wait3A_92 : memref<64x128xf32, #tpu.memory_space<hbm>>)
    %dma_wait3A_93 = arith.constant 0 : i32
    %dma_wait3A_94 = tpu.memref_slice %arg8[%add3A_84, %dma_wait3A_93] : memref<131072x128xf32, #tpu.memory_space<hbm>> -> memref<64x128xf32, #tpu.memory_space<hbm>>
    %dma_wait3A_95 = arith.constant 0 : i32
    %dma_wait3A_96 = tpu.memref_slice %arg8[%add3A_84, %dma_wait3A_95] : memref<131072x128xf32, #tpu.memory_space<hbm>> -> memref<64x128xf32, #tpu.memory_space<hbm>>
    tpu.wait_dma2 semaphore(%arg29 : memref<!tpu.dma_semaphore, #tpu.memory_space<semaphore_mem>>) src(%arg17 : memref<64x128xf32, #tpu.memory_space<vmem>>) dst(%dma_wait3A_96 : memref<64x128xf32, #tpu.memory_space<hbm>>)
    %add3A_97 = arith.constant 3968 : i32
    %add3A_98 = arith.addi %mul3A_2, %add3A_97 : i32
    %dma_wait3A_99 = arith.constant 0 : i32
    %dma_wait3A_100 = tpu.memref_slice %arg6[%add3A_98, %dma_wait3A_99] : memref<131072x128xf32, #tpu.memory_space<hbm>> -> memref<64x128xf32, #tpu.memory_space<hbm>>
    %dma_wait3A_101 = arith.constant 0 : i32
    %dma_wait3A_102 = tpu.memref_slice %arg6[%add3A_98, %dma_wait3A_101] : memref<131072x128xf32, #tpu.memory_space<hbm>> -> memref<64x128xf32, #tpu.memory_space<hbm>>
    tpu.wait_dma2 semaphore(%arg30 : memref<!tpu.dma_semaphore, #tpu.memory_space<semaphore_mem>>) src(%arg18 : memref<64x128xf32, #tpu.memory_space<vmem>>) dst(%dma_wait3A_102 : memref<64x128xf32, #tpu.memory_space<hbm>>)
    %dma_wait3A_103 = arith.constant 0 : i32
    %dma_wait3A_104 = tpu.memref_slice %arg7[%add3A_98, %dma_wait3A_103] : memref<131072x128xf32, #tpu.memory_space<hbm>> -> memref<64x128xf32, #tpu.memory_space<hbm>>
    %dma_wait3A_105 = arith.constant 0 : i32
    %dma_wait3A_106 = tpu.memref_slice %arg7[%add3A_98, %dma_wait3A_105] : memref<131072x128xf32, #tpu.memory_space<hbm>> -> memref<64x128xf32, #tpu.memory_space<hbm>>
    tpu.wait_dma2 semaphore(%arg30 : memref<!tpu.dma_semaphore, #tpu.memory_space<semaphore_mem>>) src(%arg19 : memref<64x128xf32, #tpu.memory_space<vmem>>) dst(%dma_wait3A_106 : memref<64x128xf32, #tpu.memory_space<hbm>>)
    %dma_wait3A_107 = arith.constant 0 : i32
    %dma_wait3A_108 = tpu.memref_slice %arg8[%add3A_98, %dma_wait3A_107] : memref<131072x128xf32, #tpu.memory_space<hbm>> -> memref<64x128xf32, #tpu.memory_space<hbm>>
    %dma_wait3A_109 = arith.constant 0 : i32
    %dma_wait3A_110 = tpu.memref_slice %arg8[%add3A_98, %dma_wait3A_109] : memref<131072x128xf32, #tpu.memory_space<hbm>> -> memref<64x128xf32, #tpu.memory_space<hbm>>
    tpu.wait_dma2 semaphore(%arg30 : memref<!tpu.dma_semaphore, #tpu.memory_space<semaphore_mem>>) src(%arg20 : memref<64x128xf32, #tpu.memory_space<vmem>>) dst(%dma_wait3A_110 : memref<64x128xf32, #tpu.memory_space<hbm>>)
    %add3A_111 = arith.constant 4032 : i32
    %add3A_112 = arith.addi %mul3A_2, %add3A_111 : i32
    %dma_wait3A_113 = arith.constant 0 : i32
    %dma_wait3A_114 = tpu.memref_slice %arg6[%add3A_112, %dma_wait3A_113] : memref<131072x128xf32, #tpu.memory_space<hbm>> -> memref<64x128xf32, #tpu.memory_space<hbm>>
    %dma_wait3A_115 = arith.constant 0 : i32
    %dma_wait3A_116 = tpu.memref_slice %arg6[%add3A_112, %dma_wait3A_115] : memref<131072x128xf32, #tpu.memory_space<hbm>> -> memref<64x128xf32, #tpu.memory_space<hbm>>
    tpu.wait_dma2 semaphore(%arg31 : memref<!tpu.dma_semaphore, #tpu.memory_space<semaphore_mem>>) src(%arg21 : memref<64x128xf32, #tpu.memory_space<vmem>>) dst(%dma_wait3A_116 : memref<64x128xf32, #tpu.memory_space<hbm>>)
    %dma_wait3A_117 = arith.constant 0 : i32
    %dma_wait3A_118 = tpu.memref_slice %arg7[%add3A_112, %dma_wait3A_117] : memref<131072x128xf32, #tpu.memory_space<hbm>> -> memref<64x128xf32, #tpu.memory_space<hbm>>
    %dma_wait3A_119 = arith.constant 0 : i32
    %dma_wait3A_120 = tpu.memref_slice %arg7[%add3A_112, %dma_wait3A_119] : memref<131072x128xf32, #tpu.memory_space<hbm>> -> memref<64x128xf32, #tpu.memory_space<hbm>>
    tpu.wait_dma2 semaphore(%arg31 : memref<!tpu.dma_semaphore, #tpu.memory_space<semaphore_mem>>) src(%arg22 : memref<64x128xf32, #tpu.memory_space<vmem>>) dst(%dma_wait3A_120 : memref<64x128xf32, #tpu.memory_space<hbm>>)
    %dma_wait3A_121 = arith.constant 0 : i32
    %dma_wait3A_122 = tpu.memref_slice %arg8[%add3A_112, %dma_wait3A_121] : memref<131072x128xf32, #tpu.memory_space<hbm>> -> memref<64x128xf32, #tpu.memory_space<hbm>>
    %dma_wait3A_123 = arith.constant 0 : i32
    %dma_wait3A_124 = tpu.memref_slice %arg8[%add3A_112, %dma_wait3A_123] : memref<131072x128xf32, #tpu.memory_space<hbm>> -> memref<64x128xf32, #tpu.memory_space<hbm>>
    tpu.wait_dma2 semaphore(%arg31 : memref<!tpu.dma_semaphore, #tpu.memory_space<semaphore_mem>>) src(%arg23 : memref<64x128xf32, #tpu.memory_space<vmem>>) dst(%dma_wait3A_124 : memref<64x128xf32, #tpu.memory_space<hbm>>)
    return
  }
}

#map = affine_map<(d0, d1) -> (0, 0)>
#map1 = affine_map<(d0, d1) -> (0, 0, 0)>
module attributes {stable_mosaic.version = 14 : i64} {
  func.func @sc_gather(%arg0: i32, %arg1: i32, %arg2: memref<4096x128xf32, #tpu.memory_space<hbm>>, %arg3: memref<32x64x64xi32, #tpu.memory_space<hbm>>, %arg4: memref<32x64x64xi32, #tpu.memory_space<hbm>>, %arg5: memref<32x64x64xi32, #tpu.memory_space<hbm>>, %arg6: memref<131072x128xf32, #tpu.memory_space<hbm>>, %arg7: memref<131072x128xf32, #tpu.memory_space<hbm>>, %arg8: memref<131072x128xf32, #tpu.memory_space<hbm>>, %arg9: memref<64x64xi32, #tpu.memory_space<vmem>>, %arg10: memref<64x64xi32, #tpu.memory_space<vmem>>, %arg11: memref<64x64xi32, #tpu.memory_space<vmem>>, %arg12: memref<64x128xf32, #tpu.memory_space<vmem>>, %arg13: memref<64x128xf32, #tpu.memory_space<vmem>>, %arg14: memref<64x128xf32, #tpu.memory_space<vmem>>, %arg15: memref<64x128xf32, #tpu.memory_space<vmem>>, %arg16: memref<64x128xf32, #tpu.memory_space<vmem>>, %arg17: memref<64x128xf32, #tpu.memory_space<vmem>>, %arg18: memref<64x128xf32, #tpu.memory_space<vmem>>, %arg19: memref<64x128xf32, #tpu.memory_space<vmem>>, %arg20: memref<64x128xf32, #tpu.memory_space<vmem>>, %arg21: memref<64x128xf32, #tpu.memory_space<vmem>>, %arg22: memref<64x128xf32, #tpu.memory_space<vmem>>, %arg23: memref<64x128xf32, #tpu.memory_space<vmem>>, %arg24: memref<!tpu.dma_semaphore, #tpu.memory_space<semaphore_mem>>, %arg25: memref<!tpu.dma_semaphore, #tpu.memory_space<semaphore_mem>>, %arg26: memref<!tpu.dma_semaphore, #tpu.memory_space<semaphore_mem>>, %arg27: memref<!tpu.dma_semaphore, #tpu.memory_space<semaphore_mem>>, %arg28: memref<!tpu.dma_semaphore, #tpu.memory_space<semaphore_mem>>, %arg29: memref<!tpu.dma_semaphore, #tpu.memory_space<semaphore_mem>>, %arg30: memref<!tpu.dma_semaphore, #tpu.memory_space<semaphore_mem>>, %arg31: memref<!tpu.dma_semaphore, #tpu.memory_space<semaphore_mem>>) attributes {dimension_semantics = [#tpu.dimension_semantics<core_parallel>, #tpu.dimension_semantics<subcore_parallel>], iteration_bounds = array<i64: 2, 16>, scalar_prefetch = 0 : i64, scratch_operands = 23 : i64, tpu.core_type = #tpu.core_type<sc_vector_subcore>, window_params = [{transform_indices = #map}, {transform_indices = #map1}, {transform_indices = #map1}, {transform_indices = #map1}, {transform_indices = #map}, {transform_indices = #map}, {transform_indices = #map}]} {
    %mul3A = arith.constant 2 : i32
    %mul3A_0 = arith.muli %arg1, %mul3A : i32
    %add3A = arith.addi %mul3A_0, %arg0 : i32
    "tpu.region"() ({
      %run_scoped3A = tpu.sem_alloc : memref<!tpu.dma_semaphore, #tpu.memory_space<semaphore_mem>>
      %dma_start3A_125 = arith.constant 0 : i32
      %dma_start3A_126 = arith.constant 0 : i32
      %dma_start3A_127 = tpu.memref_slice %arg3[%add3A, %dma_start3A_125, %dma_start3A_126] : memref<32x64x64xi32, #tpu.memory_space<hbm>> -> memref<1x64x64xi32, #tpu.memory_space<hbm>>
      %dma_start3A_128 = tpu.memref_squeeze %dma_start3A_127 : memref<1x64x64xi32, #tpu.memory_space<hbm>> -> memref<64x64xi32, #tpu.memory_space<hbm>>
      %dma_start3A_129 = arith.constant 0 : i32
      %dma_start3A_130 = arith.constant 0 : i32
      %dma_start3A_131 = tpu.memref_slice %arg3[%add3A, %dma_start3A_129, %dma_start3A_130] : memref<32x64x64xi32, #tpu.memory_space<hbm>> -> memref<1x64x64xi32, #tpu.memory_space<hbm>>
      %dma_start3A_132 = tpu.memref_squeeze %dma_start3A_131 : memref<1x64x64xi32, #tpu.memory_space<hbm>> -> memref<64x64xi32, #tpu.memory_space<hbm>>
      tpu.enqueue_dma source(%dma_start3A_132 : memref<64x64xi32, #tpu.memory_space<hbm>>) target(%arg9 : memref<64x64xi32, #tpu.memory_space<vmem>>) target_semaphore(%run_scoped3A : memref<!tpu.dma_semaphore, #tpu.memory_space<semaphore_mem>>)
      %dma_wait3A_133 = arith.constant 0 : i32
      %dma_wait3A_134 = arith.constant 0 : i32
      %dma_wait3A_135 = tpu.memref_slice %arg3[%add3A, %dma_wait3A_133, %dma_wait3A_134] : memref<32x64x64xi32, #tpu.memory_space<hbm>> -> memref<1x64x64xi32, #tpu.memory_space<hbm>>
      %dma_wait3A_136 = tpu.memref_squeeze %dma_wait3A_135 : memref<1x64x64xi32, #tpu.memory_space<hbm>> -> memref<64x64xi32, #tpu.memory_space<hbm>>
      %dma_wait3A_137 = arith.constant 0 : i32
      %dma_wait3A_138 = arith.constant 0 : i32
      %dma_wait3A_139 = tpu.memref_slice %arg3[%add3A, %dma_wait3A_137, %dma_wait3A_138] : memref<32x64x64xi32, #tpu.memory_space<hbm>> -> memref<1x64x64xi32, #tpu.memory_space<hbm>>
      %dma_wait3A_140 = tpu.memref_squeeze %dma_wait3A_139 : memref<1x64x64xi32, #tpu.memory_space<hbm>> -> memref<64x64xi32, #tpu.memory_space<hbm>>
      tpu.wait_dma2 semaphore(%run_scoped3A : memref<!tpu.dma_semaphore, #tpu.memory_space<semaphore_mem>>) src(%dma_wait3A_140 : memref<64x64xi32, #tpu.memory_space<hbm>>) dst(%arg9 : memref<64x64xi32, #tpu.memory_space<vmem>>)
      tpu.yield
    }) : () -> ()
    "tpu.region"() ({
      %run_scoped3A = tpu.sem_alloc : memref<!tpu.dma_semaphore, #tpu.memory_space<semaphore_mem>>
      %dma_start3A_125 = arith.constant 0 : i32
      %dma_start3A_126 = arith.constant 0 : i32
      %dma_start3A_127 = tpu.memref_slice %arg4[%add3A, %dma_start3A_125, %dma_start3A_126] : memref<32x64x64xi32, #tpu.memory_space<hbm>> -> memref<1x64x64xi32, #tpu.memory_space<hbm>>
      %dma_start3A_128 = tpu.memref_squeeze %dma_start3A_127 : memref<1x64x64xi32, #tpu.memory_space<hbm>> -> memref<64x64xi32, #tpu.memory_space<hbm>>
      %dma_start3A_129 = arith.constant 0 : i32
      %dma_start3A_130 = arith.constant 0 : i32
      %dma_start3A_131 = tpu.memref_slice %arg4[%add3A, %dma_start3A_129, %dma_start3A_130] : memref<32x64x64xi32, #tpu.memory_space<hbm>> -> memref<1x64x64xi32, #tpu.memory_space<hbm>>
      %dma_start3A_132 = tpu.memref_squeeze %dma_start3A_131 : memref<1x64x64xi32, #tpu.memory_space<hbm>> -> memref<64x64xi32, #tpu.memory_space<hbm>>
      tpu.enqueue_dma source(%dma_start3A_132 : memref<64x64xi32, #tpu.memory_space<hbm>>) target(%arg10 : memref<64x64xi32, #tpu.memory_space<vmem>>) target_semaphore(%run_scoped3A : memref<!tpu.dma_semaphore, #tpu.memory_space<semaphore_mem>>)
      %dma_wait3A_133 = arith.constant 0 : i32
      %dma_wait3A_134 = arith.constant 0 : i32
      %dma_wait3A_135 = tpu.memref_slice %arg4[%add3A, %dma_wait3A_133, %dma_wait3A_134] : memref<32x64x64xi32, #tpu.memory_space<hbm>> -> memref<1x64x64xi32, #tpu.memory_space<hbm>>
      %dma_wait3A_136 = tpu.memref_squeeze %dma_wait3A_135 : memref<1x64x64xi32, #tpu.memory_space<hbm>> -> memref<64x64xi32, #tpu.memory_space<hbm>>
      %dma_wait3A_137 = arith.constant 0 : i32
      %dma_wait3A_138 = arith.constant 0 : i32
      %dma_wait3A_139 = tpu.memref_slice %arg4[%add3A, %dma_wait3A_137, %dma_wait3A_138] : memref<32x64x64xi32, #tpu.memory_space<hbm>> -> memref<1x64x64xi32, #tpu.memory_space<hbm>>
      %dma_wait3A_140 = tpu.memref_squeeze %dma_wait3A_139 : memref<1x64x64xi32, #tpu.memory_space<hbm>> -> memref<64x64xi32, #tpu.memory_space<hbm>>
      tpu.wait_dma2 semaphore(%run_scoped3A : memref<!tpu.dma_semaphore, #tpu.memory_space<semaphore_mem>>) src(%dma_wait3A_140 : memref<64x64xi32, #tpu.memory_space<hbm>>) dst(%arg10 : memref<64x64xi32, #tpu.memory_space<vmem>>)
      tpu.yield
    }) : () -> ()
    "tpu.region"() ({
      %run_scoped3A = tpu.sem_alloc : memref<!tpu.dma_semaphore, #tpu.memory_space<semaphore_mem>>
      %dma_start3A_125 = arith.constant 0 : i32
      %dma_start3A_126 = arith.constant 0 : i32
      %dma_start3A_127 = tpu.memref_slice %arg5[%add3A, %dma_start3A_125, %dma_start3A_126] : memref<32x64x64xi32, #tpu.memory_space<hbm>> -> memref<1x64x64xi32, #tpu.memory_space<hbm>>
      %dma_start3A_128 = tpu.memref_squeeze %dma_start3A_127 : memref<1x64x64xi32, #tpu.memory_space<hbm>> -> memref<64x64xi32, #tpu.memory_space<hbm>>
      %dma_start3A_129 = arith.constant 0 : i32
      %dma_start3A_130 = arith.constant 0 : i32
      %dma_start3A_131 = tpu.memref_slice %arg5[%add3A, %dma_start3A_129, %dma_start3A_130] : memref<32x64x64xi32, #tpu.memory_space<hbm>> -> memref<1x64x64xi32, #tpu.memory_space<hbm>>
      %dma_start3A_132 = tpu.memref_squeeze %dma_start3A_131 : memref<1x64x64xi32, #tpu.memory_space<hbm>> -> memref<64x64xi32, #tpu.memory_space<hbm>>
      tpu.enqueue_dma source(%dma_start3A_132 : memref<64x64xi32, #tpu.memory_space<hbm>>) target(%arg11 : memref<64x64xi32, #tpu.memory_space<vmem>>) target_semaphore(%run_scoped3A : memref<!tpu.dma_semaphore, #tpu.memory_space<semaphore_mem>>)
      %dma_wait3A_133 = arith.constant 0 : i32
      %dma_wait3A_134 = arith.constant 0 : i32
      %dma_wait3A_135 = tpu.memref_slice %arg5[%add3A, %dma_wait3A_133, %dma_wait3A_134] : memref<32x64x64xi32, #tpu.memory_space<hbm>> -> memref<1x64x64xi32, #tpu.memory_space<hbm>>
      %dma_wait3A_136 = tpu.memref_squeeze %dma_wait3A_135 : memref<1x64x64xi32, #tpu.memory_space<hbm>> -> memref<64x64xi32, #tpu.memory_space<hbm>>
      %dma_wait3A_137 = arith.constant 0 : i32
      %dma_wait3A_138 = arith.constant 0 : i32
      %dma_wait3A_139 = tpu.memref_slice %arg5[%add3A, %dma_wait3A_137, %dma_wait3A_138] : memref<32x64x64xi32, #tpu.memory_space<hbm>> -> memref<1x64x64xi32, #tpu.memory_space<hbm>>
      %dma_wait3A_140 = tpu.memref_squeeze %dma_wait3A_139 : memref<1x64x64xi32, #tpu.memory_space<hbm>> -> memref<64x64xi32, #tpu.memory_space<hbm>>
      tpu.wait_dma2 semaphore(%run_scoped3A : memref<!tpu.dma_semaphore, #tpu.memory_space<semaphore_mem>>) src(%dma_wait3A_140 : memref<64x64xi32, #tpu.memory_space<hbm>>) dst(%arg11 : memref<64x64xi32, #tpu.memory_space<vmem>>)
      tpu.yield
    }) : () -> ()
    %mul3A_1 = arith.constant 4096 : i32
    %mul3A_2 = arith.muli %add3A, %mul3A_1 : i32
    %dma_start3A = arith.constant 0 : i32
    %dma_start3A_3 = arith.constant 0 : i32
    %dma_start3A_4 = tpu.memref_slice %arg9[%dma_start3A, %dma_start3A_3] : memref<64x64xi32, #tpu.memory_space<vmem>> -> memref<1x64xi32, #tpu.memory_space<vmem>>
    %dma_start3A_5 = tpu.memref_squeeze %dma_start3A_4 : memref<1x64xi32, #tpu.memory_space<vmem>> -> memref<64xi32, #tpu.memory_space<vmem>>
    %dma_start3A_6 = arith.constant 0 : i32
    %dma_start3A_7 = arith.constant 0 : i32
    %dma_start3A_8 = tpu.memref_slice %arg2[%dma_start3A_6, %dma_start3A_7] : memref<4096x128xf32, #tpu.memory_space<hbm>> -> memref<4096x128xf32, #tpu.memory_space<hbm>>
    tpu.enqueue_indirect_dma source(%dma_start3A_8 : memref<4096x128xf32, #tpu.memory_space<hbm>>) target(%arg12 : memref<64x128xf32, #tpu.memory_space<vmem>>) offsets(%dma_start3A_5 : memref<64xi32, #tpu.memory_space<vmem>>) semaphore(%arg24 : memref<!tpu.dma_semaphore, #tpu.memory_space<semaphore_mem>>)
    %dma_start3A_9 = arith.constant 0 : i32
    %dma_start3A_10 = arith.constant 0 : i32
    %dma_start3A_11 = tpu.memref_slice %arg10[%dma_start3A_9, %dma_start3A_10] : memref<64x64xi32, #tpu.memory_space<vmem>> -> memref<1x64xi32, #tpu.memory_space<vmem>>
    %dma_start3A_12 = tpu.memref_squeeze %dma_start3A_11 : memref<1x64xi32, #tpu.memory_space<vmem>> -> memref<64xi32, #tpu.memory_space<vmem>>
    %dma_start3A_13 = arith.constant 0 : i32
    %dma_start3A_14 = arith.constant 0 : i32
    %dma_start3A_15 = tpu.memref_slice %arg2[%dma_start3A_13, %dma_start3A_14] : memref<4096x128xf32, #tpu.memory_space<hbm>> -> memref<4096x128xf32, #tpu.memory_space<hbm>>
    tpu.enqueue_indirect_dma source(%dma_start3A_15 : memref<4096x128xf32, #tpu.memory_space<hbm>>) target(%arg13 : memref<64x128xf32, #tpu.memory_space<vmem>>) offsets(%dma_start3A_12 : memref<64xi32, #tpu.memory_space<vmem>>) semaphore(%arg24 : memref<!tpu.dma_semaphore, #tpu.memory_space<semaphore_mem>>)
    %dma_start3A_16 = arith.constant 0 : i32
    %dma_start3A_17 = arith.constant 0 : i32
    %dma_start3A_18 = tpu.memref_slice %arg11[%dma_start3A_16, %dma_start3A_17] : memref<64x64xi32, #tpu.memory_space<vmem>> -> memref<1x64xi32, #tpu.memory_space<vmem>>
    %dma_start3A_19 = tpu.memref_squeeze %dma_start3A_18 : memref<1x64xi32, #tpu.memory_space<vmem>> -> memref<64xi32, #tpu.memory_space<vmem>>
    %dma_start3A_20 = arith.constant 0 : i32
    %dma_start3A_21 = arith.constant 0 : i32
    %dma_start3A_22 = tpu.memref_slice %arg2[%dma_start3A_20, %dma_start3A_21] : memref<4096x128xf32, #tpu.memory_space<hbm>> -> memref<4096x128xf32, #tpu.memory_space<hbm>>
    tpu.enqueue_indirect_dma source(%dma_start3A_22 : memref<4096x128xf32, #tpu.memory_space<hbm>>) target(%arg14 : memref<64x128xf32, #tpu.memory_space<vmem>>) offsets(%dma_start3A_19 : memref<64xi32, #tpu.memory_space<vmem>>) semaphore(%arg24 : memref<!tpu.dma_semaphore, #tpu.memory_space<semaphore_mem>>)
    %dma_start3A_23 = arith.constant 1 : i32
    %dma_start3A_24 = arith.constant 0 : i32
    %dma_start3A_25 = tpu.memref_slice %arg9[%dma_start3A_23, %dma_start3A_24] : memref<64x64xi32, #tpu.memory_space<vmem>> -> memref<1x64xi32, #tpu.memory_space<vmem>>
    %dma_start3A_26 = tpu.memref_squeeze %dma_start3A_25 : memref<1x64xi32, #tpu.memory_space<vmem>> -> memref<64xi32, #tpu.memory_space<vmem>>
    %dma_start3A_27 = arith.constant 0 : i32
    %dma_start3A_28 = arith.constant 0 : i32
    %dma_start3A_29 = tpu.memref_slice %arg2[%dma_start3A_27, %dma_start3A_28] : memref<4096x128xf32, #tpu.memory_space<hbm>> -> memref<4096x128xf32, #tpu.memory_space<hbm>>
    tpu.enqueue_indirect_dma source(%dma_start3A_29 : memref<4096x128xf32, #tpu.memory_space<hbm>>) target(%arg15 : memref<64x128xf32, #tpu.memory_space<vmem>>) offsets(%dma_start3A_26 : memref<64xi32, #tpu.memory_space<vmem>>) semaphore(%arg25 : memref<!tpu.dma_semaphore, #tpu.memory_space<semaphore_mem>>)
    %dma_start3A_30 = arith.constant 1 : i32
    %dma_start3A_31 = arith.constant 0 : i32
    %dma_start3A_32 = tpu.memref_slice %arg10[%dma_start3A_30, %dma_start3A_31] : memref<64x64xi32, #tpu.memory_space<vmem>> -> memref<1x64xi32, #tpu.memory_space<vmem>>
    %dma_start3A_33 = tpu.memref_squeeze %dma_start3A_32 : memref<1x64xi32, #tpu.memory_space<vmem>> -> memref<64xi32, #tpu.memory_space<vmem>>
    %dma_start3A_34 = arith.constant 0 : i32
    %dma_start3A_35 = arith.constant 0 : i32
    %dma_start3A_36 = tpu.memref_slice %arg2[%dma_start3A_34, %dma_start3A_35] : memref<4096x128xf32, #tpu.memory_space<hbm>> -> memref<4096x128xf32, #tpu.memory_space<hbm>>
    tpu.enqueue_indirect_dma source(%dma_start3A_36 : memref<4096x128xf32, #tpu.memory_space<hbm>>) target(%arg16 : memref<64x128xf32, #tpu.memory_space<vmem>>) offsets(%dma_start3A_33 : memref<64xi32, #tpu.memory_space<vmem>>) semaphore(%arg25 : memref<!tpu.dma_semaphore, #tpu.memory_space<semaphore_mem>>)
    %dma_start3A_37 = arith.constant 1 : i32
    %dma_start3A_38 = arith.constant 0 : i32
    %dma_start3A_39 = tpu.memref_slice %arg11[%dma_start3A_37, %dma_start3A_38] : memref<64x64xi32, #tpu.memory_space<vmem>> -> memref<1x64xi32, #tpu.memory_space<vmem>>
    %dma_start3A_40 = tpu.memref_squeeze %dma_start3A_39 : memref<1x64xi32, #tpu.memory_space<vmem>> -> memref<64xi32, #tpu.memory_space<vmem>>
    %dma_start3A_41 = arith.constant 0 : i32
    %dma_start3A_42 = arith.constant 0 : i32
    %dma_start3A_43 = tpu.memref_slice %arg2[%dma_start3A_41, %dma_start3A_42] : memref<4096x128xf32, #tpu.memory_space<hbm>> -> memref<4096x128xf32, #tpu.memory_space<hbm>>
    tpu.enqueue_indirect_dma source(%dma_start3A_43 : memref<4096x128xf32, #tpu.memory_space<hbm>>) target(%arg17 : memref<64x128xf32, #tpu.memory_space<vmem>>) offsets(%dma_start3A_40 : memref<64xi32, #tpu.memory_space<vmem>>) semaphore(%arg25 : memref<!tpu.dma_semaphore, #tpu.memory_space<semaphore_mem>>)
    %dma_start3A_44 = arith.constant 2 : i32
    %dma_start3A_45 = arith.constant 0 : i32
    %dma_start3A_46 = tpu.memref_slice %arg9[%dma_start3A_44, %dma_start3A_45] : memref<64x64xi32, #tpu.memory_space<vmem>> -> memref<1x64xi32, #tpu.memory_space<vmem>>
    %dma_start3A_47 = tpu.memref_squeeze %dma_start3A_46 : memref<1x64xi32, #tpu.memory_space<vmem>> -> memref<64xi32, #tpu.memory_space<vmem>>
    %dma_start3A_48 = arith.constant 0 : i32
    %dma_start3A_49 = arith.constant 0 : i32
    %dma_start3A_50 = tpu.memref_slice %arg2[%dma_start3A_48, %dma_start3A_49] : memref<4096x128xf32, #tpu.memory_space<hbm>> -> memref<4096x128xf32, #tpu.memory_space<hbm>>
    tpu.enqueue_indirect_dma source(%dma_start3A_50 : memref<4096x128xf32, #tpu.memory_space<hbm>>) target(%arg18 : memref<64x128xf32, #tpu.memory_space<vmem>>) offsets(%dma_start3A_47 : memref<64xi32, #tpu.memory_space<vmem>>) semaphore(%arg26 : memref<!tpu.dma_semaphore, #tpu.memory_space<semaphore_mem>>)
    %dma_start3A_51 = arith.constant 2 : i32
    %dma_start3A_52 = arith.constant 0 : i32
    %dma_start3A_53 = tpu.memref_slice %arg10[%dma_start3A_51, %dma_start3A_52] : memref<64x64xi32, #tpu.memory_space<vmem>> -> memref<1x64xi32, #tpu.memory_space<vmem>>
    %dma_start3A_54 = tpu.memref_squeeze %dma_start3A_53 : memref<1x64xi32, #tpu.memory_space<vmem>> -> memref<64xi32, #tpu.memory_space<vmem>>
    %dma_start3A_55 = arith.constant 0 : i32
    %dma_start3A_56 = arith.constant 0 : i32
    %dma_start3A_57 = tpu.memref_slice %arg2[%dma_start3A_55, %dma_start3A_56] : memref<4096x128xf32, #tpu.memory_space<hbm>> -> memref<4096x128xf32, #tpu.memory_space<hbm>>
    tpu.enqueue_indirect_dma source(%dma_start3A_57 : memref<4096x128xf32, #tpu.memory_space<hbm>>) target(%arg19 : memref<64x128xf32, #tpu.memory_space<vmem>>) offsets(%dma_start3A_54 : memref<64xi32, #tpu.memory_space<vmem>>) semaphore(%arg26 : memref<!tpu.dma_semaphore, #tpu.memory_space<semaphore_mem>>)
    %dma_start3A_58 = arith.constant 2 : i32
    %dma_start3A_59 = arith.constant 0 : i32
    %dma_start3A_60 = tpu.memref_slice %arg11[%dma_start3A_58, %dma_start3A_59] : memref<64x64xi32, #tpu.memory_space<vmem>> -> memref<1x64xi32, #tpu.memory_space<vmem>>
    %dma_start3A_61 = tpu.memref_squeeze %dma_start3A_60 : memref<1x64xi32, #tpu.memory_space<vmem>> -> memref<64xi32, #tpu.memory_space<vmem>>
    %dma_start3A_62 = arith.constant 0 : i32
    %dma_start3A_63 = arith.constant 0 : i32
    %dma_start3A_64 = tpu.memref_slice %arg2[%dma_start3A_62, %dma_start3A_63] : memref<4096x128xf32, #tpu.memory_space<hbm>> -> memref<4096x128xf32, #tpu.memory_space<hbm>>
    tpu.enqueue_indirect_dma source(%dma_start3A_64 : memref<4096x128xf32, #tpu.memory_space<hbm>>) target(%arg20 : memref<64x128xf32, #tpu.memory_space<vmem>>) offsets(%dma_start3A_61 : memref<64xi32, #tpu.memory_space<vmem>>) semaphore(%arg26 : memref<!tpu.dma_semaphore, #tpu.memory_space<semaphore_mem>>)
    %scan3A = arith.constant 0 : i32
    %scan3A_65 = arith.constant 0 : i32
    %scan3A_66 = arith.constant 16 : i32
    %scan3A_67 = arith.addi %scan3A_65, %scan3A_66 : i32
    %scan3A_68 = arith.constant 1 : i32
    scf.for %scan3A_125 = %scan3A_65 to %scan3A_67 step %scan3A_68  : i32 {
      %mul3A_126 = arith.constant 4 : i32
      %mul3A_127 = arith.muli %mul3A_126, %scan3A_125 : i32
      %add3A_128 = arith.constant 0 : i32
      %add3A_129 = arith.addi %mul3A_127, %add3A_128 : i32
      %dma_wait3A_130 = arith.constant 0 : i32
      %dma_wait3A_131 = tpu.memref_slice %arg9[%add3A_129, %dma_wait3A_130] : memref<64x64xi32, #tpu.memory_space<vmem>> -> memref<1x64xi32, #tpu.memory_space<vmem>>
      %dma_wait3A_132 = tpu.memref_squeeze %dma_wait3A_131 : memref<1x64xi32, #tpu.memory_space<vmem>> -> memref<64xi32, #tpu.memory_space<vmem>>
      %dma_wait3A_133 = arith.constant 0 : i32
      %dma_wait3A_134 = arith.constant 0 : i32
      %dma_wait3A_135 = tpu.memref_slice %arg2[%dma_wait3A_133, %dma_wait3A_134] : memref<4096x128xf32, #tpu.memory_space<hbm>> -> memref<4096x128xf32, #tpu.memory_space<hbm>>
      tpu.wait_indirect_dma semaphore(%arg24 : memref<!tpu.dma_semaphore, #tpu.memory_space<semaphore_mem>>) src(%dma_wait3A_135 : memref<4096x128xf32, #tpu.memory_space<hbm>>) dst(%arg12 : memref<64x128xf32, #tpu.memory_space<vmem>>)
      %dma_wait3A_136 = arith.constant 0 : i32
      %dma_wait3A_137 = tpu.memref_slice %arg10[%add3A_129, %dma_wait3A_136] : memref<64x64xi32, #tpu.memory_space<vmem>> -> memref<1x64xi32, #tpu.memory_space<vmem>>
      %dma_wait3A_138 = tpu.memref_squeeze %dma_wait3A_137 : memref<1x64xi32, #tpu.memory_space<vmem>> -> memref<64xi32, #tpu.memory_space<vmem>>
      %dma_wait3A_139 = arith.constant 0 : i32
      %dma_wait3A_140 = arith.constant 0 : i32
      %dma_wait3A_141 = tpu.memref_slice %arg2[%dma_wait3A_139, %dma_wait3A_140] : memref<4096x128xf32, #tpu.memory_space<hbm>> -> memref<4096x128xf32, #tpu.memory_space<hbm>>
      tpu.wait_indirect_dma semaphore(%arg24 : memref<!tpu.dma_semaphore, #tpu.memory_space<semaphore_mem>>) src(%dma_wait3A_141 : memref<4096x128xf32, #tpu.memory_space<hbm>>) dst(%arg13 : memref<64x128xf32, #tpu.memory_space<vmem>>)
      %dma_wait3A_142 = arith.constant 0 : i32
      %dma_wait3A_143 = tpu.memref_slice %arg11[%add3A_129, %dma_wait3A_142] : memref<64x64xi32, #tpu.memory_space<vmem>> -> memref<1x64xi32, #tpu.memory_space<vmem>>
      %dma_wait3A_144 = tpu.memref_squeeze %dma_wait3A_143 : memref<1x64xi32, #tpu.memory_space<vmem>> -> memref<64xi32, #tpu.memory_space<vmem>>
      %dma_wait3A_145 = arith.constant 0 : i32
      %dma_wait3A_146 = arith.constant 0 : i32
      %dma_wait3A_147 = tpu.memref_slice %arg2[%dma_wait3A_145, %dma_wait3A_146] : memref<4096x128xf32, #tpu.memory_space<hbm>> -> memref<4096x128xf32, #tpu.memory_space<hbm>>
      tpu.wait_indirect_dma semaphore(%arg24 : memref<!tpu.dma_semaphore, #tpu.memory_space<semaphore_mem>>) src(%dma_wait3A_147 : memref<4096x128xf32, #tpu.memory_space<hbm>>) dst(%arg14 : memref<64x128xf32, #tpu.memory_space<vmem>>)
      %ge3A = arith.constant 1 : i32
      %ge3A_148 = arith.cmpi sge, %add3A_129, %ge3A : i32
      %add3A_149 = arith.constant 3 : i32
      %add3A_150 = arith.addi %add3A_129, %add3A_149 : i32
      %lt3A = arith.constant 64 : i32
      %lt3A_151 = arith.cmpi slt, %add3A_150, %lt3A : i32
      %and3A = arith.andi %ge3A_148, %lt3A_151 : i1
      %convert_element_type3A = arith.extui %and3A : i1 to i32
      %cond3A = arith.constant 0 : i32
      %cond3A_152 = arith.cmpi ne, %convert_element_type3A, %cond3A : i32
      scf.if %cond3A_152 {
        %sub3A = arith.constant 1 : i32
        %sub3A_337 = arith.subi %add3A_129, %sub3A : i32
        %mul3A_338 = arith.constant 64 : i32
        %mul3A_339 = arith.muli %sub3A_337, %mul3A_338 : i32
        %add3A_340 = arith.addi %mul3A_2, %mul3A_339 : i32
        %dma_wait3A_341 = arith.constant 0 : i32
        %dma_wait3A_342 = tpu.memref_slice %arg6[%add3A_340, %dma_wait3A_341] : memref<131072x128xf32, #tpu.memory_space<hbm>> -> memref<64x128xf32, #tpu.memory_space<hbm>>
        %dma_wait3A_343 = arith.constant 0 : i32
        %dma_wait3A_344 = tpu.memref_slice %arg6[%add3A_340, %dma_wait3A_343] : memref<131072x128xf32, #tpu.memory_space<hbm>> -> memref<64x128xf32, #tpu.memory_space<hbm>>
        tpu.wait_dma2 semaphore(%arg31 : memref<!tpu.dma_semaphore, #tpu.memory_space<semaphore_mem>>) src(%arg21 : memref<64x128xf32, #tpu.memory_space<vmem>>) dst(%dma_wait3A_344 : memref<64x128xf32, #tpu.memory_space<hbm>>)
        %dma_wait3A_345 = arith.constant 0 : i32
        %dma_wait3A_346 = tpu.memref_slice %arg7[%add3A_340, %dma_wait3A_345] : memref<131072x128xf32, #tpu.memory_space<hbm>> -> memref<64x128xf32, #tpu.memory_space<hbm>>
        %dma_wait3A_347 = arith.constant 0 : i32
        %dma_wait3A_348 = tpu.memref_slice %arg7[%add3A_340, %dma_wait3A_347] : memref<131072x128xf32, #tpu.memory_space<hbm>> -> memref<64x128xf32, #tpu.memory_space<hbm>>
        tpu.wait_dma2 semaphore(%arg31 : memref<!tpu.dma_semaphore, #tpu.memory_space<semaphore_mem>>) src(%arg22 : memref<64x128xf32, #tpu.memory_space<vmem>>) dst(%dma_wait3A_348 : memref<64x128xf32, #tpu.memory_space<hbm>>)
        %dma_wait3A_349 = arith.constant 0 : i32
        %dma_wait3A_350 = tpu.memref_slice %arg8[%add3A_340, %dma_wait3A_349] : memref<131072x128xf32, #tpu.memory_space<hbm>> -> memref<64x128xf32, #tpu.memory_space<hbm>>
        %dma_wait3A_351 = arith.constant 0 : i32
        %dma_wait3A_352 = tpu.memref_slice %arg8[%add3A_340, %dma_wait3A_351] : memref<131072x128xf32, #tpu.memory_space<hbm>> -> memref<64x128xf32, #tpu.memory_space<hbm>>
        tpu.wait_dma2 semaphore(%arg31 : memref<!tpu.dma_semaphore, #tpu.memory_space<semaphore_mem>>) src(%arg23 : memref<64x128xf32, #tpu.memory_space<vmem>>) dst(%dma_wait3A_352 : memref<64x128xf32, #tpu.memory_space<hbm>>)
      } else {
      }
      %add3A_153 = arith.constant 3 : i32
      %add3A_154 = arith.addi %add3A_129, %add3A_153 : i32
      %lt3A_155 = arith.constant 64 : i32
      %lt3A_156 = arith.cmpi slt, %add3A_154, %lt3A_155 : i32
      %convert_element_type3A_157 = arith.extui %lt3A_156 : i1 to i32
      %cond3A_158 = arith.constant 0 : i32
      %cond3A_159 = arith.cmpi ne, %convert_element_type3A_157, %cond3A_158 : i32
      scf.if %cond3A_159 {
        %add3A_337 = arith.constant 3 : i32
        %add3A_338 = arith.addi %add3A_129, %add3A_337 : i32
        %dma_start3A_339 = arith.constant 0 : i32
        %dma_start3A_340 = tpu.memref_slice %arg9[%add3A_338, %dma_start3A_339] : memref<64x64xi32, #tpu.memory_space<vmem>> -> memref<1x64xi32, #tpu.memory_space<vmem>>
        %dma_start3A_341 = tpu.memref_squeeze %dma_start3A_340 : memref<1x64xi32, #tpu.memory_space<vmem>> -> memref<64xi32, #tpu.memory_space<vmem>>
        %dma_start3A_342 = arith.constant 0 : i32
        %dma_start3A_343 = arith.constant 0 : i32
        %dma_start3A_344 = tpu.memref_slice %arg2[%dma_start3A_342, %dma_start3A_343] : memref<4096x128xf32, #tpu.memory_space<hbm>> -> memref<4096x128xf32, #tpu.memory_space<hbm>>
        tpu.enqueue_indirect_dma source(%dma_start3A_344 : memref<4096x128xf32, #tpu.memory_space<hbm>>) target(%arg21 : memref<64x128xf32, #tpu.memory_space<vmem>>) offsets(%dma_start3A_341 : memref<64xi32, #tpu.memory_space<vmem>>) semaphore(%arg27 : memref<!tpu.dma_semaphore, #tpu.memory_space<semaphore_mem>>)
        %dma_start3A_345 = arith.constant 0 : i32
        %dma_start3A_346 = tpu.memref_slice %arg10[%add3A_338, %dma_start3A_345] : memref<64x64xi32, #tpu.memory_space<vmem>> -> memref<1x64xi32, #tpu.memory_space<vmem>>
        %dma_start3A_347 = tpu.memref_squeeze %dma_start3A_346 : memref<1x64xi32, #tpu.memory_space<vmem>> -> memref<64xi32, #tpu.memory_space<vmem>>
        %dma_start3A_348 = arith.constant 0 : i32
        %dma_start3A_349 = arith.constant 0 : i32
        %dma_start3A_350 = tpu.memref_slice %arg2[%dma_start3A_348, %dma_start3A_349] : memref<4096x128xf32, #tpu.memory_space<hbm>> -> memref<4096x128xf32, #tpu.memory_space<hbm>>
        tpu.enqueue_indirect_dma source(%dma_start3A_350 : memref<4096x128xf32, #tpu.memory_space<hbm>>) target(%arg22 : memref<64x128xf32, #tpu.memory_space<vmem>>) offsets(%dma_start3A_347 : memref<64xi32, #tpu.memory_space<vmem>>) semaphore(%arg27 : memref<!tpu.dma_semaphore, #tpu.memory_space<semaphore_mem>>)
        %dma_start3A_351 = arith.constant 0 : i32
        %dma_start3A_352 = tpu.memref_slice %arg11[%add3A_338, %dma_start3A_351] : memref<64x64xi32, #tpu.memory_space<vmem>> -> memref<1x64xi32, #tpu.memory_space<vmem>>
        %dma_start3A_353 = tpu.memref_squeeze %dma_start3A_352 : memref<1x64xi32, #tpu.memory_space<vmem>> -> memref<64xi32, #tpu.memory_space<vmem>>
        %dma_start3A_354 = arith.constant 0 : i32
        %dma_start3A_355 = arith.constant 0 : i32
        %dma_start3A_356 = tpu.memref_slice %arg2[%dma_start3A_354, %dma_start3A_355] : memref<4096x128xf32, #tpu.memory_space<hbm>> -> memref<4096x128xf32, #tpu.memory_space<hbm>>
        tpu.enqueue_indirect_dma source(%dma_start3A_356 : memref<4096x128xf32, #tpu.memory_space<hbm>>) target(%arg23 : memref<64x128xf32, #tpu.memory_space<vmem>>) offsets(%dma_start3A_353 : memref<64xi32, #tpu.memory_space<vmem>>) semaphore(%arg27 : memref<!tpu.dma_semaphore, #tpu.memory_space<semaphore_mem>>)
      } else {
      }
      %mul3A_160 = arith.constant 64 : i32
      %mul3A_161 = arith.muli %add3A_129, %mul3A_160 : i32
      %add3A_162 = arith.addi %mul3A_2, %mul3A_161 : i32
      %dma_start3A_163 = arith.constant 0 : i32
      %dma_start3A_164 = tpu.memref_slice %arg6[%add3A_162, %dma_start3A_163] : memref<131072x128xf32, #tpu.memory_space<hbm>> -> memref<64x128xf32, #tpu.memory_space<hbm>>
      %dma_start3A_165 = arith.constant 0 : i32
      %dma_start3A_166 = tpu.memref_slice %arg6[%add3A_162, %dma_start3A_165] : memref<131072x128xf32, #tpu.memory_space<hbm>> -> memref<64x128xf32, #tpu.memory_space<hbm>>
      tpu.enqueue_dma source(%arg12 : memref<64x128xf32, #tpu.memory_space<vmem>>) target(%dma_start3A_166 : memref<64x128xf32, #tpu.memory_space<hbm>>) target_semaphore(%arg28 : memref<!tpu.dma_semaphore, #tpu.memory_space<semaphore_mem>>)
      %dma_start3A_167 = arith.constant 0 : i32
      %dma_start3A_168 = tpu.memref_slice %arg7[%add3A_162, %dma_start3A_167] : memref<131072x128xf32, #tpu.memory_space<hbm>> -> memref<64x128xf32, #tpu.memory_space<hbm>>
      %dma_start3A_169 = arith.constant 0 : i32
      %dma_start3A_170 = tpu.memref_slice %arg7[%add3A_162, %dma_start3A_169] : memref<131072x128xf32, #tpu.memory_space<hbm>> -> memref<64x128xf32, #tpu.memory_space<hbm>>
      tpu.enqueue_dma source(%arg13 : memref<64x128xf32, #tpu.memory_space<vmem>>) target(%dma_start3A_170 : memref<64x128xf32, #tpu.memory_space<hbm>>) target_semaphore(%arg28 : memref<!tpu.dma_semaphore, #tpu.memory_space<semaphore_mem>>)
      %dma_start3A_171 = arith.constant 0 : i32
      %dma_start3A_172 = tpu.memref_slice %arg8[%add3A_162, %dma_start3A_171] : memref<131072x128xf32, #tpu.memory_space<hbm>> -> memref<64x128xf32, #tpu.memory_space<hbm>>
      %dma_start3A_173 = arith.constant 0 : i32
      %dma_start3A_174 = tpu.memref_slice %arg8[%add3A_162, %dma_start3A_173] : memref<131072x128xf32, #tpu.memory_space<hbm>> -> memref<64x128xf32, #tpu.memory_space<hbm>>
      tpu.enqueue_dma source(%arg14 : memref<64x128xf32, #tpu.memory_space<vmem>>) target(%dma_start3A_174 : memref<64x128xf32, #tpu.memory_space<hbm>>) target_semaphore(%arg28 : memref<!tpu.dma_semaphore, #tpu.memory_space<semaphore_mem>>)
      %mul3A_175 = arith.constant 4 : i32
      %mul3A_176 = arith.muli %mul3A_175, %scan3A_125 : i32
      %add3A_177 = arith.constant 1 : i32
      %add3A_178 = arith.addi %mul3A_176, %add3A_177 : i32
      %dma_wait3A_179 = arith.constant 0 : i32
      %dma_wait3A_180 = tpu.memref_slice %arg9[%add3A_178, %dma_wait3A_179] : memref<64x64xi32, #tpu.memory_space<vmem>> -> memref<1x64xi32, #tpu.memory_space<vmem>>
      %dma_wait3A_181 = tpu.memref_squeeze %dma_wait3A_180 : memref<1x64xi32, #tpu.memory_space<vmem>> -> memref<64xi32, #tpu.memory_space<vmem>>
      %dma_wait3A_182 = arith.constant 0 : i32
      %dma_wait3A_183 = arith.constant 0 : i32
      %dma_wait3A_184 = tpu.memref_slice %arg2[%dma_wait3A_182, %dma_wait3A_183] : memref<4096x128xf32, #tpu.memory_space<hbm>> -> memref<4096x128xf32, #tpu.memory_space<hbm>>
      tpu.wait_indirect_dma semaphore(%arg25 : memref<!tpu.dma_semaphore, #tpu.memory_space<semaphore_mem>>) src(%dma_wait3A_184 : memref<4096x128xf32, #tpu.memory_space<hbm>>) dst(%arg15 : memref<64x128xf32, #tpu.memory_space<vmem>>)
      %dma_wait3A_185 = arith.constant 0 : i32
      %dma_wait3A_186 = tpu.memref_slice %arg10[%add3A_178, %dma_wait3A_185] : memref<64x64xi32, #tpu.memory_space<vmem>> -> memref<1x64xi32, #tpu.memory_space<vmem>>
      %dma_wait3A_187 = tpu.memref_squeeze %dma_wait3A_186 : memref<1x64xi32, #tpu.memory_space<vmem>> -> memref<64xi32, #tpu.memory_space<vmem>>
      %dma_wait3A_188 = arith.constant 0 : i32
      %dma_wait3A_189 = arith.constant 0 : i32
      %dma_wait3A_190 = tpu.memref_slice %arg2[%dma_wait3A_188, %dma_wait3A_189] : memref<4096x128xf32, #tpu.memory_space<hbm>> -> memref<4096x128xf32, #tpu.memory_space<hbm>>
      tpu.wait_indirect_dma semaphore(%arg25 : memref<!tpu.dma_semaphore, #tpu.memory_space<semaphore_mem>>) src(%dma_wait3A_190 : memref<4096x128xf32, #tpu.memory_space<hbm>>) dst(%arg16 : memref<64x128xf32, #tpu.memory_space<vmem>>)
      %dma_wait3A_191 = arith.constant 0 : i32
      %dma_wait3A_192 = tpu.memref_slice %arg11[%add3A_178, %dma_wait3A_191] : memref<64x64xi32, #tpu.memory_space<vmem>> -> memref<1x64xi32, #tpu.memory_space<vmem>>
      %dma_wait3A_193 = tpu.memref_squeeze %dma_wait3A_192 : memref<1x64xi32, #tpu.memory_space<vmem>> -> memref<64xi32, #tpu.memory_space<vmem>>
      %dma_wait3A_194 = arith.constant 0 : i32
      %dma_wait3A_195 = arith.constant 0 : i32
      %dma_wait3A_196 = tpu.memref_slice %arg2[%dma_wait3A_194, %dma_wait3A_195] : memref<4096x128xf32, #tpu.memory_space<hbm>> -> memref<4096x128xf32, #tpu.memory_space<hbm>>
      tpu.wait_indirect_dma semaphore(%arg25 : memref<!tpu.dma_semaphore, #tpu.memory_space<semaphore_mem>>) src(%dma_wait3A_196 : memref<4096x128xf32, #tpu.memory_space<hbm>>) dst(%arg17 : memref<64x128xf32, #tpu.memory_space<vmem>>)
      %ge3A_197 = arith.constant 1 : i32
      %ge3A_198 = arith.cmpi sge, %add3A_178, %ge3A_197 : i32
      %add3A_199 = arith.constant 3 : i32
      %add3A_200 = arith.addi %add3A_178, %add3A_199 : i32
      %lt3A_201 = arith.constant 64 : i32
      %lt3A_202 = arith.cmpi slt, %add3A_200, %lt3A_201 : i32
      %and3A_203 = arith.andi %ge3A_198, %lt3A_202 : i1
      %convert_element_type3A_204 = arith.extui %and3A_203 : i1 to i32
      %cond3A_205 = arith.constant 0 : i32
      %cond3A_206 = arith.cmpi ne, %convert_element_type3A_204, %cond3A_205 : i32
      scf.if %cond3A_206 {
        %sub3A = arith.constant 1 : i32
        %sub3A_337 = arith.subi %add3A_178, %sub3A : i32
        %mul3A_338 = arith.constant 64 : i32
        %mul3A_339 = arith.muli %sub3A_337, %mul3A_338 : i32
        %add3A_340 = arith.addi %mul3A_2, %mul3A_339 : i32
        %dma_wait3A_341 = arith.constant 0 : i32
        %dma_wait3A_342 = tpu.memref_slice %arg6[%add3A_340, %dma_wait3A_341] : memref<131072x128xf32, #tpu.memory_space<hbm>> -> memref<64x128xf32, #tpu.memory_space<hbm>>
        %dma_wait3A_343 = arith.constant 0 : i32
        %dma_wait3A_344 = tpu.memref_slice %arg6[%add3A_340, %dma_wait3A_343] : memref<131072x128xf32, #tpu.memory_space<hbm>> -> memref<64x128xf32, #tpu.memory_space<hbm>>
        tpu.wait_dma2 semaphore(%arg28 : memref<!tpu.dma_semaphore, #tpu.memory_space<semaphore_mem>>) src(%arg12 : memref<64x128xf32, #tpu.memory_space<vmem>>) dst(%dma_wait3A_344 : memref<64x128xf32, #tpu.memory_space<hbm>>)
        %dma_wait3A_345 = arith.constant 0 : i32
        %dma_wait3A_346 = tpu.memref_slice %arg7[%add3A_340, %dma_wait3A_345] : memref<131072x128xf32, #tpu.memory_space<hbm>> -> memref<64x128xf32, #tpu.memory_space<hbm>>
        %dma_wait3A_347 = arith.constant 0 : i32
        %dma_wait3A_348 = tpu.memref_slice %arg7[%add3A_340, %dma_wait3A_347] : memref<131072x128xf32, #tpu.memory_space<hbm>> -> memref<64x128xf32, #tpu.memory_space<hbm>>
        tpu.wait_dma2 semaphore(%arg28 : memref<!tpu.dma_semaphore, #tpu.memory_space<semaphore_mem>>) src(%arg13 : memref<64x128xf32, #tpu.memory_space<vmem>>) dst(%dma_wait3A_348 : memref<64x128xf32, #tpu.memory_space<hbm>>)
        %dma_wait3A_349 = arith.constant 0 : i32
        %dma_wait3A_350 = tpu.memref_slice %arg8[%add3A_340, %dma_wait3A_349] : memref<131072x128xf32, #tpu.memory_space<hbm>> -> memref<64x128xf32, #tpu.memory_space<hbm>>
        %dma_wait3A_351 = arith.constant 0 : i32
        %dma_wait3A_352 = tpu.memref_slice %arg8[%add3A_340, %dma_wait3A_351] : memref<131072x128xf32, #tpu.memory_space<hbm>> -> memref<64x128xf32, #tpu.memory_space<hbm>>
        tpu.wait_dma2 semaphore(%arg28 : memref<!tpu.dma_semaphore, #tpu.memory_space<semaphore_mem>>) src(%arg14 : memref<64x128xf32, #tpu.memory_space<vmem>>) dst(%dma_wait3A_352 : memref<64x128xf32, #tpu.memory_space<hbm>>)
      } else {
      }
      %add3A_207 = arith.constant 3 : i32
      %add3A_208 = arith.addi %add3A_178, %add3A_207 : i32
      %lt3A_209 = arith.constant 64 : i32
      %lt3A_210 = arith.cmpi slt, %add3A_208, %lt3A_209 : i32
      %convert_element_type3A_211 = arith.extui %lt3A_210 : i1 to i32
      %cond3A_212 = arith.constant 0 : i32
      %cond3A_213 = arith.cmpi ne, %convert_element_type3A_211, %cond3A_212 : i32
      scf.if %cond3A_213 {
        %add3A_337 = arith.constant 3 : i32
        %add3A_338 = arith.addi %add3A_178, %add3A_337 : i32
        %dma_start3A_339 = arith.constant 0 : i32
        %dma_start3A_340 = tpu.memref_slice %arg9[%add3A_338, %dma_start3A_339] : memref<64x64xi32, #tpu.memory_space<vmem>> -> memref<1x64xi32, #tpu.memory_space<vmem>>
        %dma_start3A_341 = tpu.memref_squeeze %dma_start3A_340 : memref<1x64xi32, #tpu.memory_space<vmem>> -> memref<64xi32, #tpu.memory_space<vmem>>
        %dma_start3A_342 = arith.constant 0 : i32
        %dma_start3A_343 = arith.constant 0 : i32
        %dma_start3A_344 = tpu.memref_slice %arg2[%dma_start3A_342, %dma_start3A_343] : memref<4096x128xf32, #tpu.memory_space<hbm>> -> memref<4096x128xf32, #tpu.memory_space<hbm>>
        tpu.enqueue_indirect_dma source(%dma_start3A_344 : memref<4096x128xf32, #tpu.memory_space<hbm>>) target(%arg12 : memref<64x128xf32, #tpu.memory_space<vmem>>) offsets(%dma_start3A_341 : memref<64xi32, #tpu.memory_space<vmem>>) semaphore(%arg24 : memref<!tpu.dma_semaphore, #tpu.memory_space<semaphore_mem>>)
        %dma_start3A_345 = arith.constant 0 : i32
        %dma_start3A_346 = tpu.memref_slice %arg10[%add3A_338, %dma_start3A_345] : memref<64x64xi32, #tpu.memory_space<vmem>> -> memref<1x64xi32, #tpu.memory_space<vmem>>
        %dma_start3A_347 = tpu.memref_squeeze %dma_start3A_346 : memref<1x64xi32, #tpu.memory_space<vmem>> -> memref<64xi32, #tpu.memory_space<vmem>>
        %dma_start3A_348 = arith.constant 0 : i32
        %dma_start3A_349 = arith.constant 0 : i32
        %dma_start3A_350 = tpu.memref_slice %arg2[%dma_start3A_348, %dma_start3A_349] : memref<4096x128xf32, #tpu.memory_space<hbm>> -> memref<4096x128xf32, #tpu.memory_space<hbm>>
        tpu.enqueue_indirect_dma source(%dma_start3A_350 : memref<4096x128xf32, #tpu.memory_space<hbm>>) target(%arg13 : memref<64x128xf32, #tpu.memory_space<vmem>>) offsets(%dma_start3A_347 : memref<64xi32, #tpu.memory_space<vmem>>) semaphore(%arg24 : memref<!tpu.dma_semaphore, #tpu.memory_space<semaphore_mem>>)
        %dma_start3A_351 = arith.constant 0 : i32
        %dma_start3A_352 = tpu.memref_slice %arg11[%add3A_338, %dma_start3A_351] : memref<64x64xi32, #tpu.memory_space<vmem>> -> memref<1x64xi32, #tpu.memory_space<vmem>>
        %dma_start3A_353 = tpu.memref_squeeze %dma_start3A_352 : memref<1x64xi32, #tpu.memory_space<vmem>> -> memref<64xi32, #tpu.memory_space<vmem>>
        %dma_start3A_354 = arith.constant 0 : i32
        %dma_start3A_355 = arith.constant 0 : i32
        %dma_start3A_356 = tpu.memref_slice %arg2[%dma_start3A_354, %dma_start3A_355] : memref<4096x128xf32, #tpu.memory_space<hbm>> -> memref<4096x128xf32, #tpu.memory_space<hbm>>
        tpu.enqueue_indirect_dma source(%dma_start3A_356 : memref<4096x128xf32, #tpu.memory_space<hbm>>) target(%arg14 : memref<64x128xf32, #tpu.memory_space<vmem>>) offsets(%dma_start3A_353 : memref<64xi32, #tpu.memory_space<vmem>>) semaphore(%arg24 : memref<!tpu.dma_semaphore, #tpu.memory_space<semaphore_mem>>)
      } else {
      }
      %mul3A_214 = arith.constant 64 : i32
      %mul3A_215 = arith.muli %add3A_178, %mul3A_214 : i32
      %add3A_216 = arith.addi %mul3A_2, %mul3A_215 : i32
      %dma_start3A_217 = arith.constant 0 : i32
      %dma_start3A_218 = tpu.memref_slice %arg6[%add3A_216, %dma_start3A_217] : memref<131072x128xf32, #tpu.memory_space<hbm>> -> memref<64x128xf32, #tpu.memory_space<hbm>>
      %dma_start3A_219 = arith.constant 0 : i32
      %dma_start3A_220 = tpu.memref_slice %arg6[%add3A_216, %dma_start3A_219] : memref<131072x128xf32, #tpu.memory_space<hbm>> -> memref<64x128xf32, #tpu.memory_space<hbm>>
      tpu.enqueue_dma source(%arg15 : memref<64x128xf32, #tpu.memory_space<vmem>>) target(%dma_start3A_220 : memref<64x128xf32, #tpu.memory_space<hbm>>) target_semaphore(%arg29 : memref<!tpu.dma_semaphore, #tpu.memory_space<semaphore_mem>>)
      %dma_start3A_221 = arith.constant 0 : i32
      %dma_start3A_222 = tpu.memref_slice %arg7[%add3A_216, %dma_start3A_221] : memref<131072x128xf32, #tpu.memory_space<hbm>> -> memref<64x128xf32, #tpu.memory_space<hbm>>
      %dma_start3A_223 = arith.constant 0 : i32
      %dma_start3A_224 = tpu.memref_slice %arg7[%add3A_216, %dma_start3A_223] : memref<131072x128xf32, #tpu.memory_space<hbm>> -> memref<64x128xf32, #tpu.memory_space<hbm>>
      tpu.enqueue_dma source(%arg16 : memref<64x128xf32, #tpu.memory_space<vmem>>) target(%dma_start3A_224 : memref<64x128xf32, #tpu.memory_space<hbm>>) target_semaphore(%arg29 : memref<!tpu.dma_semaphore, #tpu.memory_space<semaphore_mem>>)
      %dma_start3A_225 = arith.constant 0 : i32
      %dma_start3A_226 = tpu.memref_slice %arg8[%add3A_216, %dma_start3A_225] : memref<131072x128xf32, #tpu.memory_space<hbm>> -> memref<64x128xf32, #tpu.memory_space<hbm>>
      %dma_start3A_227 = arith.constant 0 : i32
      %dma_start3A_228 = tpu.memref_slice %arg8[%add3A_216, %dma_start3A_227] : memref<131072x128xf32, #tpu.memory_space<hbm>> -> memref<64x128xf32, #tpu.memory_space<hbm>>
      tpu.enqueue_dma source(%arg17 : memref<64x128xf32, #tpu.memory_space<vmem>>) target(%dma_start3A_228 : memref<64x128xf32, #tpu.memory_space<hbm>>) target_semaphore(%arg29 : memref<!tpu.dma_semaphore, #tpu.memory_space<semaphore_mem>>)
      %mul3A_229 = arith.constant 4 : i32
      %mul3A_230 = arith.muli %mul3A_229, %scan3A_125 : i32
      %add3A_231 = arith.constant 2 : i32
      %add3A_232 = arith.addi %mul3A_230, %add3A_231 : i32
      %dma_wait3A_233 = arith.constant 0 : i32
      %dma_wait3A_234 = tpu.memref_slice %arg9[%add3A_232, %dma_wait3A_233] : memref<64x64xi32, #tpu.memory_space<vmem>> -> memref<1x64xi32, #tpu.memory_space<vmem>>
      %dma_wait3A_235 = tpu.memref_squeeze %dma_wait3A_234 : memref<1x64xi32, #tpu.memory_space<vmem>> -> memref<64xi32, #tpu.memory_space<vmem>>
      %dma_wait3A_236 = arith.constant 0 : i32
      %dma_wait3A_237 = arith.constant 0 : i32
      %dma_wait3A_238 = tpu.memref_slice %arg2[%dma_wait3A_236, %dma_wait3A_237] : memref<4096x128xf32, #tpu.memory_space<hbm>> -> memref<4096x128xf32, #tpu.memory_space<hbm>>
      tpu.wait_indirect_dma semaphore(%arg26 : memref<!tpu.dma_semaphore, #tpu.memory_space<semaphore_mem>>) src(%dma_wait3A_238 : memref<4096x128xf32, #tpu.memory_space<hbm>>) dst(%arg18 : memref<64x128xf32, #tpu.memory_space<vmem>>)
      %dma_wait3A_239 = arith.constant 0 : i32
      %dma_wait3A_240 = tpu.memref_slice %arg10[%add3A_232, %dma_wait3A_239] : memref<64x64xi32, #tpu.memory_space<vmem>> -> memref<1x64xi32, #tpu.memory_space<vmem>>
      %dma_wait3A_241 = tpu.memref_squeeze %dma_wait3A_240 : memref<1x64xi32, #tpu.memory_space<vmem>> -> memref<64xi32, #tpu.memory_space<vmem>>
      %dma_wait3A_242 = arith.constant 0 : i32
      %dma_wait3A_243 = arith.constant 0 : i32
      %dma_wait3A_244 = tpu.memref_slice %arg2[%dma_wait3A_242, %dma_wait3A_243] : memref<4096x128xf32, #tpu.memory_space<hbm>> -> memref<4096x128xf32, #tpu.memory_space<hbm>>
      tpu.wait_indirect_dma semaphore(%arg26 : memref<!tpu.dma_semaphore, #tpu.memory_space<semaphore_mem>>) src(%dma_wait3A_244 : memref<4096x128xf32, #tpu.memory_space<hbm>>) dst(%arg19 : memref<64x128xf32, #tpu.memory_space<vmem>>)
      %dma_wait3A_245 = arith.constant 0 : i32
      %dma_wait3A_246 = tpu.memref_slice %arg11[%add3A_232, %dma_wait3A_245] : memref<64x64xi32, #tpu.memory_space<vmem>> -> memref<1x64xi32, #tpu.memory_space<vmem>>
      %dma_wait3A_247 = tpu.memref_squeeze %dma_wait3A_246 : memref<1x64xi32, #tpu.memory_space<vmem>> -> memref<64xi32, #tpu.memory_space<vmem>>
      %dma_wait3A_248 = arith.constant 0 : i32
      %dma_wait3A_249 = arith.constant 0 : i32
      %dma_wait3A_250 = tpu.memref_slice %arg2[%dma_wait3A_248, %dma_wait3A_249] : memref<4096x128xf32, #tpu.memory_space<hbm>> -> memref<4096x128xf32, #tpu.memory_space<hbm>>
      tpu.wait_indirect_dma semaphore(%arg26 : memref<!tpu.dma_semaphore, #tpu.memory_space<semaphore_mem>>) src(%dma_wait3A_250 : memref<4096x128xf32, #tpu.memory_space<hbm>>) dst(%arg20 : memref<64x128xf32, #tpu.memory_space<vmem>>)
      %ge3A_251 = arith.constant 1 : i32
      %ge3A_252 = arith.cmpi sge, %add3A_232, %ge3A_251 : i32
      %add3A_253 = arith.constant 3 : i32
      %add3A_254 = arith.addi %add3A_232, %add3A_253 : i32
      %lt3A_255 = arith.constant 64 : i32
      %lt3A_256 = arith.cmpi slt, %add3A_254, %lt3A_255 : i32
      %and3A_257 = arith.andi %ge3A_252, %lt3A_256 : i1
      %convert_element_type3A_258 = arith.extui %and3A_257 : i1 to i32
      %cond3A_259 = arith.constant 0 : i32
      %cond3A_260 = arith.cmpi ne, %convert_element_type3A_258, %cond3A_259 : i32
      scf.if %cond3A_260 {
        %sub3A = arith.constant 1 : i32
        %sub3A_337 = arith.subi %add3A_232, %sub3A : i32
        %mul3A_338 = arith.constant 64 : i32
        %mul3A_339 = arith.muli %sub3A_337, %mul3A_338 : i32
        %add3A_340 = arith.addi %mul3A_2, %mul3A_339 : i32
        %dma_wait3A_341 = arith.constant 0 : i32
        %dma_wait3A_342 = tpu.memref_slice %arg6[%add3A_340, %dma_wait3A_341] : memref<131072x128xf32, #tpu.memory_space<hbm>> -> memref<64x128xf32, #tpu.memory_space<hbm>>
        %dma_wait3A_343 = arith.constant 0 : i32
        %dma_wait3A_344 = tpu.memref_slice %arg6[%add3A_340, %dma_wait3A_343] : memref<131072x128xf32, #tpu.memory_space<hbm>> -> memref<64x128xf32, #tpu.memory_space<hbm>>
        tpu.wait_dma2 semaphore(%arg29 : memref<!tpu.dma_semaphore, #tpu.memory_space<semaphore_mem>>) src(%arg15 : memref<64x128xf32, #tpu.memory_space<vmem>>) dst(%dma_wait3A_344 : memref<64x128xf32, #tpu.memory_space<hbm>>)
        %dma_wait3A_345 = arith.constant 0 : i32
        %dma_wait3A_346 = tpu.memref_slice %arg7[%add3A_340, %dma_wait3A_345] : memref<131072x128xf32, #tpu.memory_space<hbm>> -> memref<64x128xf32, #tpu.memory_space<hbm>>
        %dma_wait3A_347 = arith.constant 0 : i32
        %dma_wait3A_348 = tpu.memref_slice %arg7[%add3A_340, %dma_wait3A_347] : memref<131072x128xf32, #tpu.memory_space<hbm>> -> memref<64x128xf32, #tpu.memory_space<hbm>>
        tpu.wait_dma2 semaphore(%arg29 : memref<!tpu.dma_semaphore, #tpu.memory_space<semaphore_mem>>) src(%arg16 : memref<64x128xf32, #tpu.memory_space<vmem>>) dst(%dma_wait3A_348 : memref<64x128xf32, #tpu.memory_space<hbm>>)
        %dma_wait3A_349 = arith.constant 0 : i32
        %dma_wait3A_350 = tpu.memref_slice %arg8[%add3A_340, %dma_wait3A_349] : memref<131072x128xf32, #tpu.memory_space<hbm>> -> memref<64x128xf32, #tpu.memory_space<hbm>>
        %dma_wait3A_351 = arith.constant 0 : i32
        %dma_wait3A_352 = tpu.memref_slice %arg8[%add3A_340, %dma_wait3A_351] : memref<131072x128xf32, #tpu.memory_space<hbm>> -> memref<64x128xf32, #tpu.memory_space<hbm>>
        tpu.wait_dma2 semaphore(%arg29 : memref<!tpu.dma_semaphore, #tpu.memory_space<semaphore_mem>>) src(%arg17 : memref<64x128xf32, #tpu.memory_space<vmem>>) dst(%dma_wait3A_352 : memref<64x128xf32, #tpu.memory_space<hbm>>)
      } else {
      }
      %add3A_261 = arith.constant 3 : i32
      %add3A_262 = arith.addi %add3A_232, %add3A_261 : i32
      %lt3A_263 = arith.constant 64 : i32
      %lt3A_264 = arith.cmpi slt, %add3A_262, %lt3A_263 : i32
      %convert_element_type3A_265 = arith.extui %lt3A_264 : i1 to i32
      %cond3A_266 = arith.constant 0 : i32
      %cond3A_267 = arith.cmpi ne, %convert_element_type3A_265, %cond3A_266 : i32
      scf.if %cond3A_267 {
        %add3A_337 = arith.constant 3 : i32
        %add3A_338 = arith.addi %add3A_232, %add3A_337 : i32
        %dma_start3A_339 = arith.constant 0 : i32
        %dma_start3A_340 = tpu.memref_slice %arg9[%add3A_338, %dma_start3A_339] : memref<64x64xi32, #tpu.memory_space<vmem>> -> memref<1x64xi32, #tpu.memory_space<vmem>>
        %dma_start3A_341 = tpu.memref_squeeze %dma_start3A_340 : memref<1x64xi32, #tpu.memory_space<vmem>> -> memref<64xi32, #tpu.memory_space<vmem>>
        %dma_start3A_342 = arith.constant 0 : i32
        %dma_start3A_343 = arith.constant 0 : i32
        %dma_start3A_344 = tpu.memref_slice %arg2[%dma_start3A_342, %dma_start3A_343] : memref<4096x128xf32, #tpu.memory_space<hbm>> -> memref<4096x128xf32, #tpu.memory_space<hbm>>
        tpu.enqueue_indirect_dma source(%dma_start3A_344 : memref<4096x128xf32, #tpu.memory_space<hbm>>) target(%arg15 : memref<64x128xf32, #tpu.memory_space<vmem>>) offsets(%dma_start3A_341 : memref<64xi32, #tpu.memory_space<vmem>>) semaphore(%arg25 : memref<!tpu.dma_semaphore, #tpu.memory_space<semaphore_mem>>)
        %dma_start3A_345 = arith.constant 0 : i32
        %dma_start3A_346 = tpu.memref_slice %arg10[%add3A_338, %dma_start3A_345] : memref<64x64xi32, #tpu.memory_space<vmem>> -> memref<1x64xi32, #tpu.memory_space<vmem>>
        %dma_start3A_347 = tpu.memref_squeeze %dma_start3A_346 : memref<1x64xi32, #tpu.memory_space<vmem>> -> memref<64xi32, #tpu.memory_space<vmem>>
        %dma_start3A_348 = arith.constant 0 : i32
        %dma_start3A_349 = arith.constant 0 : i32
        %dma_start3A_350 = tpu.memref_slice %arg2[%dma_start3A_348, %dma_start3A_349] : memref<4096x128xf32, #tpu.memory_space<hbm>> -> memref<4096x128xf32, #tpu.memory_space<hbm>>
        tpu.enqueue_indirect_dma source(%dma_start3A_350 : memref<4096x128xf32, #tpu.memory_space<hbm>>) target(%arg16 : memref<64x128xf32, #tpu.memory_space<vmem>>) offsets(%dma_start3A_347 : memref<64xi32, #tpu.memory_space<vmem>>) semaphore(%arg25 : memref<!tpu.dma_semaphore, #tpu.memory_space<semaphore_mem>>)
        %dma_start3A_351 = arith.constant 0 : i32
        %dma_start3A_352 = tpu.memref_slice %arg11[%add3A_338, %dma_start3A_351] : memref<64x64xi32, #tpu.memory_space<vmem>> -> memref<1x64xi32, #tpu.memory_space<vmem>>
        %dma_start3A_353 = tpu.memref_squeeze %dma_start3A_352 : memref<1x64xi32, #tpu.memory_space<vmem>> -> memref<64xi32, #tpu.memory_space<vmem>>
        %dma_start3A_354 = arith.constant 0 : i32
        %dma_start3A_355 = arith.constant 0 : i32
        %dma_start3A_356 = tpu.memref_slice %arg2[%dma_start3A_354, %dma_start3A_355] : memref<4096x128xf32, #tpu.memory_space<hbm>> -> memref<4096x128xf32, #tpu.memory_space<hbm>>
        tpu.enqueue_indirect_dma source(%dma_start3A_356 : memref<4096x128xf32, #tpu.memory_space<hbm>>) target(%arg17 : memref<64x128xf32, #tpu.memory_space<vmem>>) offsets(%dma_start3A_353 : memref<64xi32, #tpu.memory_space<vmem>>) semaphore(%arg25 : memref<!tpu.dma_semaphore, #tpu.memory_space<semaphore_mem>>)
      } else {
      }
      %mul3A_268 = arith.constant 64 : i32
      %mul3A_269 = arith.muli %add3A_232, %mul3A_268 : i32
      %add3A_270 = arith.addi %mul3A_2, %mul3A_269 : i32
      %dma_start3A_271 = arith.constant 0 : i32
      %dma_start3A_272 = tpu.memref_slice %arg6[%add3A_270, %dma_start3A_271] : memref<131072x128xf32, #tpu.memory_space<hbm>> -> memref<64x128xf32, #tpu.memory_space<hbm>>
      %dma_start3A_273 = arith.constant 0 : i32
      %dma_start3A_274 = tpu.memref_slice %arg6[%add3A_270, %dma_start3A_273] : memref<131072x128xf32, #tpu.memory_space<hbm>> -> memref<64x128xf32, #tpu.memory_space<hbm>>
      tpu.enqueue_dma source(%arg18 : memref<64x128xf32, #tpu.memory_space<vmem>>) target(%dma_start3A_274 : memref<64x128xf32, #tpu.memory_space<hbm>>) target_semaphore(%arg30 : memref<!tpu.dma_semaphore, #tpu.memory_space<semaphore_mem>>)
      %dma_start3A_275 = arith.constant 0 : i32
      %dma_start3A_276 = tpu.memref_slice %arg7[%add3A_270, %dma_start3A_275] : memref<131072x128xf32, #tpu.memory_space<hbm>> -> memref<64x128xf32, #tpu.memory_space<hbm>>
      %dma_start3A_277 = arith.constant 0 : i32
      %dma_start3A_278 = tpu.memref_slice %arg7[%add3A_270, %dma_start3A_277] : memref<131072x128xf32, #tpu.memory_space<hbm>> -> memref<64x128xf32, #tpu.memory_space<hbm>>
      tpu.enqueue_dma source(%arg19 : memref<64x128xf32, #tpu.memory_space<vmem>>) target(%dma_start3A_278 : memref<64x128xf32, #tpu.memory_space<hbm>>) target_semaphore(%arg30 : memref<!tpu.dma_semaphore, #tpu.memory_space<semaphore_mem>>)
      %dma_start3A_279 = arith.constant 0 : i32
      %dma_start3A_280 = tpu.memref_slice %arg8[%add3A_270, %dma_start3A_279] : memref<131072x128xf32, #tpu.memory_space<hbm>> -> memref<64x128xf32, #tpu.memory_space<hbm>>
      %dma_start3A_281 = arith.constant 0 : i32
      %dma_start3A_282 = tpu.memref_slice %arg8[%add3A_270, %dma_start3A_281] : memref<131072x128xf32, #tpu.memory_space<hbm>> -> memref<64x128xf32, #tpu.memory_space<hbm>>
      tpu.enqueue_dma source(%arg20 : memref<64x128xf32, #tpu.memory_space<vmem>>) target(%dma_start3A_282 : memref<64x128xf32, #tpu.memory_space<hbm>>) target_semaphore(%arg30 : memref<!tpu.dma_semaphore, #tpu.memory_space<semaphore_mem>>)
      %mul3A_283 = arith.constant 4 : i32
      %mul3A_284 = arith.muli %mul3A_283, %scan3A_125 : i32
      %add3A_285 = arith.constant 3 : i32
      %add3A_286 = arith.addi %mul3A_284, %add3A_285 : i32
      %dma_wait3A_287 = arith.constant 0 : i32
      %dma_wait3A_288 = tpu.memref_slice %arg9[%add3A_286, %dma_wait3A_287] : memref<64x64xi32, #tpu.memory_space<vmem>> -> memref<1x64xi32, #tpu.memory_space<vmem>>
      %dma_wait3A_289 = tpu.memref_squeeze %dma_wait3A_288 : memref<1x64xi32, #tpu.memory_space<vmem>> -> memref<64xi32, #tpu.memory_space<vmem>>
      %dma_wait3A_290 = arith.constant 0 : i32
      %dma_wait3A_291 = arith.constant 0 : i32
      %dma_wait3A_292 = tpu.memref_slice %arg2[%dma_wait3A_290, %dma_wait3A_291] : memref<4096x128xf32, #tpu.memory_space<hbm>> -> memref<4096x128xf32, #tpu.memory_space<hbm>>
      tpu.wait_indirect_dma semaphore(%arg27 : memref<!tpu.dma_semaphore, #tpu.memory_space<semaphore_mem>>) src(%dma_wait3A_292 : memref<4096x128xf32, #tpu.memory_space<hbm>>) dst(%arg21 : memref<64x128xf32, #tpu.memory_space<vmem>>)
      %dma_wait3A_293 = arith.constant 0 : i32
      %dma_wait3A_294 = tpu.memref_slice %arg10[%add3A_286, %dma_wait3A_293] : memref<64x64xi32, #tpu.memory_space<vmem>> -> memref<1x64xi32, #tpu.memory_space<vmem>>
      %dma_wait3A_295 = tpu.memref_squeeze %dma_wait3A_294 : memref<1x64xi32, #tpu.memory_space<vmem>> -> memref<64xi32, #tpu.memory_space<vmem>>
      %dma_wait3A_296 = arith.constant 0 : i32
      %dma_wait3A_297 = arith.constant 0 : i32
      %dma_wait3A_298 = tpu.memref_slice %arg2[%dma_wait3A_296, %dma_wait3A_297] : memref<4096x128xf32, #tpu.memory_space<hbm>> -> memref<4096x128xf32, #tpu.memory_space<hbm>>
      tpu.wait_indirect_dma semaphore(%arg27 : memref<!tpu.dma_semaphore, #tpu.memory_space<semaphore_mem>>) src(%dma_wait3A_298 : memref<4096x128xf32, #tpu.memory_space<hbm>>) dst(%arg22 : memref<64x128xf32, #tpu.memory_space<vmem>>)
      %dma_wait3A_299 = arith.constant 0 : i32
      %dma_wait3A_300 = tpu.memref_slice %arg11[%add3A_286, %dma_wait3A_299] : memref<64x64xi32, #tpu.memory_space<vmem>> -> memref<1x64xi32, #tpu.memory_space<vmem>>
      %dma_wait3A_301 = tpu.memref_squeeze %dma_wait3A_300 : memref<1x64xi32, #tpu.memory_space<vmem>> -> memref<64xi32, #tpu.memory_space<vmem>>
      %dma_wait3A_302 = arith.constant 0 : i32
      %dma_wait3A_303 = arith.constant 0 : i32
      %dma_wait3A_304 = tpu.memref_slice %arg2[%dma_wait3A_302, %dma_wait3A_303] : memref<4096x128xf32, #tpu.memory_space<hbm>> -> memref<4096x128xf32, #tpu.memory_space<hbm>>
      tpu.wait_indirect_dma semaphore(%arg27 : memref<!tpu.dma_semaphore, #tpu.memory_space<semaphore_mem>>) src(%dma_wait3A_304 : memref<4096x128xf32, #tpu.memory_space<hbm>>) dst(%arg23 : memref<64x128xf32, #tpu.memory_space<vmem>>)
      %ge3A_305 = arith.constant 1 : i32
      %ge3A_306 = arith.cmpi sge, %add3A_286, %ge3A_305 : i32
      %add3A_307 = arith.constant 3 : i32
      %add3A_308 = arith.addi %add3A_286, %add3A_307 : i32
      %lt3A_309 = arith.constant 64 : i32
      %lt3A_310 = arith.cmpi slt, %add3A_308, %lt3A_309 : i32
      %and3A_311 = arith.andi %ge3A_306, %lt3A_310 : i1
      %convert_element_type3A_312 = arith.extui %and3A_311 : i1 to i32
      %cond3A_313 = arith.constant 0 : i32
      %cond3A_314 = arith.cmpi ne, %convert_element_type3A_312, %cond3A_313 : i32
      scf.if %cond3A_314 {
        %sub3A = arith.constant 1 : i32
        %sub3A_337 = arith.subi %add3A_286, %sub3A : i32
        %mul3A_338 = arith.constant 64 : i32
        %mul3A_339 = arith.muli %sub3A_337, %mul3A_338 : i32
        %add3A_340 = arith.addi %mul3A_2, %mul3A_339 : i32
        %dma_wait3A_341 = arith.constant 0 : i32
        %dma_wait3A_342 = tpu.memref_slice %arg6[%add3A_340, %dma_wait3A_341] : memref<131072x128xf32, #tpu.memory_space<hbm>> -> memref<64x128xf32, #tpu.memory_space<hbm>>
        %dma_wait3A_343 = arith.constant 0 : i32
        %dma_wait3A_344 = tpu.memref_slice %arg6[%add3A_340, %dma_wait3A_343] : memref<131072x128xf32, #tpu.memory_space<hbm>> -> memref<64x128xf32, #tpu.memory_space<hbm>>
        tpu.wait_dma2 semaphore(%arg30 : memref<!tpu.dma_semaphore, #tpu.memory_space<semaphore_mem>>) src(%arg18 : memref<64x128xf32, #tpu.memory_space<vmem>>) dst(%dma_wait3A_344 : memref<64x128xf32, #tpu.memory_space<hbm>>)
        %dma_wait3A_345 = arith.constant 0 : i32
        %dma_wait3A_346 = tpu.memref_slice %arg7[%add3A_340, %dma_wait3A_345] : memref<131072x128xf32, #tpu.memory_space<hbm>> -> memref<64x128xf32, #tpu.memory_space<hbm>>
        %dma_wait3A_347 = arith.constant 0 : i32
        %dma_wait3A_348 = tpu.memref_slice %arg7[%add3A_340, %dma_wait3A_347] : memref<131072x128xf32, #tpu.memory_space<hbm>> -> memref<64x128xf32, #tpu.memory_space<hbm>>
        tpu.wait_dma2 semaphore(%arg30 : memref<!tpu.dma_semaphore, #tpu.memory_space<semaphore_mem>>) src(%arg19 : memref<64x128xf32, #tpu.memory_space<vmem>>) dst(%dma_wait3A_348 : memref<64x128xf32, #tpu.memory_space<hbm>>)
        %dma_wait3A_349 = arith.constant 0 : i32
        %dma_wait3A_350 = tpu.memref_slice %arg8[%add3A_340, %dma_wait3A_349] : memref<131072x128xf32, #tpu.memory_space<hbm>> -> memref<64x128xf32, #tpu.memory_space<hbm>>
        %dma_wait3A_351 = arith.constant 0 : i32
        %dma_wait3A_352 = tpu.memref_slice %arg8[%add3A_340, %dma_wait3A_351] : memref<131072x128xf32, #tpu.memory_space<hbm>> -> memref<64x128xf32, #tpu.memory_space<hbm>>
        tpu.wait_dma2 semaphore(%arg30 : memref<!tpu.dma_semaphore, #tpu.memory_space<semaphore_mem>>) src(%arg20 : memref<64x128xf32, #tpu.memory_space<vmem>>) dst(%dma_wait3A_352 : memref<64x128xf32, #tpu.memory_space<hbm>>)
      } else {
      }
      %add3A_315 = arith.constant 3 : i32
      %add3A_316 = arith.addi %add3A_286, %add3A_315 : i32
      %lt3A_317 = arith.constant 64 : i32
      %lt3A_318 = arith.cmpi slt, %add3A_316, %lt3A_317 : i32
      %convert_element_type3A_319 = arith.extui %lt3A_318 : i1 to i32
      %cond3A_320 = arith.constant 0 : i32
      %cond3A_321 = arith.cmpi ne, %convert_element_type3A_319, %cond3A_320 : i32
      scf.if %cond3A_321 {
        %add3A_337 = arith.constant 3 : i32
        %add3A_338 = arith.addi %add3A_286, %add3A_337 : i32
        %dma_start3A_339 = arith.constant 0 : i32
        %dma_start3A_340 = tpu.memref_slice %arg9[%add3A_338, %dma_start3A_339] : memref<64x64xi32, #tpu.memory_space<vmem>> -> memref<1x64xi32, #tpu.memory_space<vmem>>
        %dma_start3A_341 = tpu.memref_squeeze %dma_start3A_340 : memref<1x64xi32, #tpu.memory_space<vmem>> -> memref<64xi32, #tpu.memory_space<vmem>>
        %dma_start3A_342 = arith.constant 0 : i32
        %dma_start3A_343 = arith.constant 0 : i32
        %dma_start3A_344 = tpu.memref_slice %arg2[%dma_start3A_342, %dma_start3A_343] : memref<4096x128xf32, #tpu.memory_space<hbm>> -> memref<4096x128xf32, #tpu.memory_space<hbm>>
        tpu.enqueue_indirect_dma source(%dma_start3A_344 : memref<4096x128xf32, #tpu.memory_space<hbm>>) target(%arg18 : memref<64x128xf32, #tpu.memory_space<vmem>>) offsets(%dma_start3A_341 : memref<64xi32, #tpu.memory_space<vmem>>) semaphore(%arg26 : memref<!tpu.dma_semaphore, #tpu.memory_space<semaphore_mem>>)
        %dma_start3A_345 = arith.constant 0 : i32
        %dma_start3A_346 = tpu.memref_slice %arg10[%add3A_338, %dma_start3A_345] : memref<64x64xi32, #tpu.memory_space<vmem>> -> memref<1x64xi32, #tpu.memory_space<vmem>>
        %dma_start3A_347 = tpu.memref_squeeze %dma_start3A_346 : memref<1x64xi32, #tpu.memory_space<vmem>> -> memref<64xi32, #tpu.memory_space<vmem>>
        %dma_start3A_348 = arith.constant 0 : i32
        %dma_start3A_349 = arith.constant 0 : i32
        %dma_start3A_350 = tpu.memref_slice %arg2[%dma_start3A_348, %dma_start3A_349] : memref<4096x128xf32, #tpu.memory_space<hbm>> -> memref<4096x128xf32, #tpu.memory_space<hbm>>
        tpu.enqueue_indirect_dma source(%dma_start3A_350 : memref<4096x128xf32, #tpu.memory_space<hbm>>) target(%arg19 : memref<64x128xf32, #tpu.memory_space<vmem>>) offsets(%dma_start3A_347 : memref<64xi32, #tpu.memory_space<vmem>>) semaphore(%arg26 : memref<!tpu.dma_semaphore, #tpu.memory_space<semaphore_mem>>)
        %dma_start3A_351 = arith.constant 0 : i32
        %dma_start3A_352 = tpu.memref_slice %arg11[%add3A_338, %dma_start3A_351] : memref<64x64xi32, #tpu.memory_space<vmem>> -> memref<1x64xi32, #tpu.memory_space<vmem>>
        %dma_start3A_353 = tpu.memref_squeeze %dma_start3A_352 : memref<1x64xi32, #tpu.memory_space<vmem>> -> memref<64xi32, #tpu.memory_space<vmem>>
        %dma_start3A_354 = arith.constant 0 : i32
        %dma_start3A_355 = arith.constant 0 : i32
        %dma_start3A_356 = tpu.memref_slice %arg2[%dma_start3A_354, %dma_start3A_355] : memref<4096x128xf32, #tpu.memory_space<hbm>> -> memref<4096x128xf32, #tpu.memory_space<hbm>>
        tpu.enqueue_indirect_dma source(%dma_start3A_356 : memref<4096x128xf32, #tpu.memory_space<hbm>>) target(%arg20 : memref<64x128xf32, #tpu.memory_space<vmem>>) offsets(%dma_start3A_353 : memref<64xi32, #tpu.memory_space<vmem>>) semaphore(%arg26 : memref<!tpu.dma_semaphore, #tpu.memory_space<semaphore_mem>>)
      } else {
      }
      %mul3A_322 = arith.constant 64 : i32
      %mul3A_323 = arith.muli %add3A_286, %mul3A_322 : i32
      %add3A_324 = arith.addi %mul3A_2, %mul3A_323 : i32
      %dma_start3A_325 = arith.constant 0 : i32
      %dma_start3A_326 = tpu.memref_slice %arg6[%add3A_324, %dma_start3A_325] : memref<131072x128xf32, #tpu.memory_space<hbm>> -> memref<64x128xf32, #tpu.memory_space<hbm>>
      %dma_start3A_327 = arith.constant 0 : i32
      %dma_start3A_328 = tpu.memref_slice %arg6[%add3A_324, %dma_start3A_327] : memref<131072x128xf32, #tpu.memory_space<hbm>> -> memref<64x128xf32, #tpu.memory_space<hbm>>
      tpu.enqueue_dma source(%arg21 : memref<64x128xf32, #tpu.memory_space<vmem>>) target(%dma_start3A_328 : memref<64x128xf32, #tpu.memory_space<hbm>>) target_semaphore(%arg31 : memref<!tpu.dma_semaphore, #tpu.memory_space<semaphore_mem>>)
      %dma_start3A_329 = arith.constant 0 : i32
      %dma_start3A_330 = tpu.memref_slice %arg7[%add3A_324, %dma_start3A_329] : memref<131072x128xf32, #tpu.memory_space<hbm>> -> memref<64x128xf32, #tpu.memory_space<hbm>>
      %dma_start3A_331 = arith.constant 0 : i32
      %dma_start3A_332 = tpu.memref_slice %arg7[%add3A_324, %dma_start3A_331] : memref<131072x128xf32, #tpu.memory_space<hbm>> -> memref<64x128xf32, #tpu.memory_space<hbm>>
      tpu.enqueue_dma source(%arg22 : memref<64x128xf32, #tpu.memory_space<vmem>>) target(%dma_start3A_332 : memref<64x128xf32, #tpu.memory_space<hbm>>) target_semaphore(%arg31 : memref<!tpu.dma_semaphore, #tpu.memory_space<semaphore_mem>>)
      %dma_start3A_333 = arith.constant 0 : i32
      %dma_start3A_334 = tpu.memref_slice %arg8[%add3A_324, %dma_start3A_333] : memref<131072x128xf32, #tpu.memory_space<hbm>> -> memref<64x128xf32, #tpu.memory_space<hbm>>
      %dma_start3A_335 = arith.constant 0 : i32
      %dma_start3A_336 = tpu.memref_slice %arg8[%add3A_324, %dma_start3A_335] : memref<131072x128xf32, #tpu.memory_space<hbm>> -> memref<64x128xf32, #tpu.memory_space<hbm>>
      tpu.enqueue_dma source(%arg23 : memref<64x128xf32, #tpu.memory_space<vmem>>) target(%dma_start3A_336 : memref<64x128xf32, #tpu.memory_space<hbm>>) target_semaphore(%arg31 : memref<!tpu.dma_semaphore, #tpu.memory_space<semaphore_mem>>)
    }
    %scan3A_69 = arith.constant 16 : i32
    %add3A_70 = arith.constant 3840 : i32
    %add3A_71 = arith.addi %mul3A_2, %add3A_70 : i32
    %dma_wait3A = arith.constant 0 : i32
    %dma_wait3A_72 = tpu.memref_slice %arg6[%add3A_71, %dma_wait3A] : memref<131072x128xf32, #tpu.memory_space<hbm>> -> memref<64x128xf32, #tpu.memory_space<hbm>>
    %dma_wait3A_73 = arith.constant 0 : i32
    %dma_wait3A_74 = tpu.memref_slice %arg6[%add3A_71, %dma_wait3A_73] : memref<131072x128xf32, #tpu.memory_space<hbm>> -> memref<64x128xf32, #tpu.memory_space<hbm>>
    tpu.wait_dma2 semaphore(%arg28 : memref<!tpu.dma_semaphore, #tpu.memory_space<semaphore_mem>>) src(%arg12 : memref<64x128xf32, #tpu.memory_space<vmem>>) dst(%dma_wait3A_74 : memref<64x128xf32, #tpu.memory_space<hbm>>)
    %dma_wait3A_75 = arith.constant 0 : i32
    %dma_wait3A_76 = tpu.memref_slice %arg7[%add3A_71, %dma_wait3A_75] : memref<131072x128xf32, #tpu.memory_space<hbm>> -> memref<64x128xf32, #tpu.memory_space<hbm>>
    %dma_wait3A_77 = arith.constant 0 : i32
    %dma_wait3A_78 = tpu.memref_slice %arg7[%add3A_71, %dma_wait3A_77] : memref<131072x128xf32, #tpu.memory_space<hbm>> -> memref<64x128xf32, #tpu.memory_space<hbm>>
    tpu.wait_dma2 semaphore(%arg28 : memref<!tpu.dma_semaphore, #tpu.memory_space<semaphore_mem>>) src(%arg13 : memref<64x128xf32, #tpu.memory_space<vmem>>) dst(%dma_wait3A_78 : memref<64x128xf32, #tpu.memory_space<hbm>>)
    %dma_wait3A_79 = arith.constant 0 : i32
    %dma_wait3A_80 = tpu.memref_slice %arg8[%add3A_71, %dma_wait3A_79] : memref<131072x128xf32, #tpu.memory_space<hbm>> -> memref<64x128xf32, #tpu.memory_space<hbm>>
    %dma_wait3A_81 = arith.constant 0 : i32
    %dma_wait3A_82 = tpu.memref_slice %arg8[%add3A_71, %dma_wait3A_81] : memref<131072x128xf32, #tpu.memory_space<hbm>> -> memref<64x128xf32, #tpu.memory_space<hbm>>
    tpu.wait_dma2 semaphore(%arg28 : memref<!tpu.dma_semaphore, #tpu.memory_space<semaphore_mem>>) src(%arg14 : memref<64x128xf32, #tpu.memory_space<vmem>>) dst(%dma_wait3A_82 : memref<64x128xf32, #tpu.memory_space<hbm>>)
    %add3A_83 = arith.constant 3904 : i32
    %add3A_84 = arith.addi %mul3A_2, %add3A_83 : i32
    %dma_wait3A_85 = arith.constant 0 : i32
    %dma_wait3A_86 = tpu.memref_slice %arg6[%add3A_84, %dma_wait3A_85] : memref<131072x128xf32, #tpu.memory_space<hbm>> -> memref<64x128xf32, #tpu.memory_space<hbm>>
    %dma_wait3A_87 = arith.constant 0 : i32
    %dma_wait3A_88 = tpu.memref_slice %arg6[%add3A_84, %dma_wait3A_87] : memref<131072x128xf32, #tpu.memory_space<hbm>> -> memref<64x128xf32, #tpu.memory_space<hbm>>
    tpu.wait_dma2 semaphore(%arg29 : memref<!tpu.dma_semaphore, #tpu.memory_space<semaphore_mem>>) src(%arg15 : memref<64x128xf32, #tpu.memory_space<vmem>>) dst(%dma_wait3A_88 : memref<64x128xf32, #tpu.memory_space<hbm>>)
    %dma_wait3A_89 = arith.constant 0 : i32
    %dma_wait3A_90 = tpu.memref_slice %arg7[%add3A_84, %dma_wait3A_89] : memref<131072x128xf32, #tpu.memory_space<hbm>> -> memref<64x128xf32, #tpu.memory_space<hbm>>
    %dma_wait3A_91 = arith.constant 0 : i32
    %dma_wait3A_92 = tpu.memref_slice %arg7[%add3A_84, %dma_wait3A_91] : memref<131072x128xf32, #tpu.memory_space<hbm>> -> memref<64x128xf32, #tpu.memory_space<hbm>>
    tpu.wait_dma2 semaphore(%arg29 : memref<!tpu.dma_semaphore, #tpu.memory_space<semaphore_mem>>) src(%arg16 : memref<64x128xf32, #tpu.memory_space<vmem>>) dst(%dma_wait3A_92 : memref<64x128xf32, #tpu.memory_space<hbm>>)
    %dma_wait3A_93 = arith.constant 0 : i32
    %dma_wait3A_94 = tpu.memref_slice %arg8[%add3A_84, %dma_wait3A_93] : memref<131072x128xf32, #tpu.memory_space<hbm>> -> memref<64x128xf32, #tpu.memory_space<hbm>>
    %dma_wait3A_95 = arith.constant 0 : i32
    %dma_wait3A_96 = tpu.memref_slice %arg8[%add3A_84, %dma_wait3A_95] : memref<131072x128xf32, #tpu.memory_space<hbm>> -> memref<64x128xf32, #tpu.memory_space<hbm>>
    tpu.wait_dma2 semaphore(%arg29 : memref<!tpu.dma_semaphore, #tpu.memory_space<semaphore_mem>>) src(%arg17 : memref<64x128xf32, #tpu.memory_space<vmem>>) dst(%dma_wait3A_96 : memref<64x128xf32, #tpu.memory_space<hbm>>)
    %add3A_97 = arith.constant 3968 : i32
    %add3A_98 = arith.addi %mul3A_2, %add3A_97 : i32
    %dma_wait3A_99 = arith.constant 0 : i32
    %dma_wait3A_100 = tpu.memref_slice %arg6[%add3A_98, %dma_wait3A_99] : memref<131072x128xf32, #tpu.memory_space<hbm>> -> memref<64x128xf32, #tpu.memory_space<hbm>>
    %dma_wait3A_101 = arith.constant 0 : i32
    %dma_wait3A_102 = tpu.memref_slice %arg6[%add3A_98, %dma_wait3A_101] : memref<131072x128xf32, #tpu.memory_space<hbm>> -> memref<64x128xf32, #tpu.memory_space<hbm>>
    tpu.wait_dma2 semaphore(%arg30 : memref<!tpu.dma_semaphore, #tpu.memory_space<semaphore_mem>>) src(%arg18 : memref<64x128xf32, #tpu.memory_space<vmem>>) dst(%dma_wait3A_102 : memref<64x128xf32, #tpu.memory_space<hbm>>)
    %dma_wait3A_103 = arith.constant 0 : i32
    %dma_wait3A_104 = tpu.memref_slice %arg7[%add3A_98, %dma_wait3A_103] : memref<131072x128xf32, #tpu.memory_space<hbm>> -> memref<64x128xf32, #tpu.memory_space<hbm>>
    %dma_wait3A_105 = arith.constant 0 : i32
    %dma_wait3A_106 = tpu.memref_slice %arg7[%add3A_98, %dma_wait3A_105] : memref<131072x128xf32, #tpu.memory_space<hbm>> -> memref<64x128xf32, #tpu.memory_space<hbm>>
    tpu.wait_dma2 semaphore(%arg30 : memref<!tpu.dma_semaphore, #tpu.memory_space<semaphore_mem>>) src(%arg19 : memref<64x128xf32, #tpu.memory_space<vmem>>) dst(%dma_wait3A_106 : memref<64x128xf32, #tpu.memory_space<hbm>>)
    %dma_wait3A_107 = arith.constant 0 : i32
    %dma_wait3A_108 = tpu.memref_slice %arg8[%add3A_98, %dma_wait3A_107] : memref<131072x128xf32, #tpu.memory_space<hbm>> -> memref<64x128xf32, #tpu.memory_space<hbm>>
    %dma_wait3A_109 = arith.constant 0 : i32
    %dma_wait3A_110 = tpu.memref_slice %arg8[%add3A_98, %dma_wait3A_109] : memref<131072x128xf32, #tpu.memory_space<hbm>> -> memref<64x128xf32, #tpu.memory_space<hbm>>
    tpu.wait_dma2 semaphore(%arg30 : memref<!tpu.dma_semaphore, #tpu.memory_space<semaphore_mem>>) src(%arg20 : memref<64x128xf32, #tpu.memory_space<vmem>>) dst(%dma_wait3A_110 : memref<64x128xf32, #tpu.memory_space<hbm>>)
    %add3A_111 = arith.constant 4032 : i32
    %add3A_112 = arith.addi %mul3A_2, %add3A_111 : i32
    %dma_wait3A_113 = arith.constant 0 : i32
    %dma_wait3A_114 = tpu.memref_slice %arg6[%add3A_112, %dma_wait3A_113] : memref<131072x128xf32, #tpu.memory_space<hbm>> -> memref<64x128xf32, #tpu.memory_space<hbm>>
    %dma_wait3A_115 = arith.constant 0 : i32
    %dma_wait3A_116 = tpu.memref_slice %arg6[%add3A_112, %dma_wait3A_115] : memref<131072x128xf32, #tpu.memory_space<hbm>> -> memref<64x128xf32, #tpu.memory_space<hbm>>
    tpu.wait_dma2 semaphore(%arg31 : memref<!tpu.dma_semaphore, #tpu.memory_space<semaphore_mem>>) src(%arg21 : memref<64x128xf32, #tpu.memory_space<vmem>>) dst(%dma_wait3A_116 : memref<64x128xf32, #tpu.memory_space<hbm>>)
    %dma_wait3A_117 = arith.constant 0 : i32
    %dma_wait3A_118 = tpu.memref_slice %arg7[%add3A_112, %dma_wait3A_117] : memref<131072x128xf32, #tpu.memory_space<hbm>> -> memref<64x128xf32, #tpu.memory_space<hbm>>
    %dma_wait3A_119 = arith.constant 0 : i32
    %dma_wait3A_120 = tpu.memref_slice %arg7[%add3A_112, %dma_wait3A_119] : memref<131072x128xf32, #tpu.memory_space<hbm>> -> memref<64x128xf32, #tpu.memory_space<hbm>>
    tpu.wait_dma2 semaphore(%arg31 : memref<!tpu.dma_semaphore, #tpu.memory_space<semaphore_mem>>) src(%arg22 : memref<64x128xf32, #tpu.memory_space<vmem>>) dst(%dma_wait3A_120 : memref<64x128xf32, #tpu.memory_space<hbm>>)
    %dma_wait3A_121 = arith.constant 0 : i32
    %dma_wait3A_122 = tpu.memref_slice %arg8[%add3A_112, %dma_wait3A_121] : memref<131072x128xf32, #tpu.memory_space<hbm>> -> memref<64x128xf32, #tpu.memory_space<hbm>>
    %dma_wait3A_123 = arith.constant 0 : i32
    %dma_wait3A_124 = tpu.memref_slice %arg8[%add3A_112, %dma_wait3A_123] : memref<131072x128xf32, #tpu.memory_space<hbm>> -> memref<64x128xf32, #tpu.memory_space<hbm>>
    tpu.wait_dma2 semaphore(%arg31 : memref<!tpu.dma_semaphore, #tpu.memory_space<semaphore_mem>>) src(%arg23 : memref<64x128xf32, #tpu.memory_space<vmem>>) dst(%dma_wait3A_124 : memref<64x128xf32, #tpu.memory_space<hbm>>)
    return
  }
}

module attributes {stable_mosaic.version = 14 : i64} {
  func.func @_in2f_body(%arg0: memref<4096x128xf32, #tpu.memory_space<vmem>>, %arg1: memref<128x128xf32, #tpu.memory_space<vmem>>, %arg2: memref<4096x128xf32, #tpu.memory_space<vmem>>) attributes {dimension_semantics = [], scalar_prefetch = 0 : i64, scratch_operands = 0 : i64, tpu.core_type = #tpu.core_type<tc>} {
    %get3A = arith.constant 0 : index
    %get3A_0 = arith.constant 0 : index
    %get3A_1 = vector.load %arg0[%get3A, %get3A_0] : memref<4096x128xf32, #tpu.memory_space<vmem>>, vector<4096x128xf32>
    %get3A_2 = arith.constant 0 : index
    %get3A_3 = arith.constant 0 : index
    %get3A_4 = vector.load %arg1[%get3A_2, %get3A_3] : memref<128x128xf32, #tpu.memory_space<vmem>>, vector<128x128xf32>
    %dot_general3A = arith.constant dense<0.000000e+00> : vector<4096x128xf32>
    %dot_general3A_5 = tpu.matmul %get3A_1, %get3A_4, %dot_general3A {dimension_numbers = #tpu.dot_dimension_numbers<[1], [0], [0], [1], [0, 0, 1, 1], [], []>, transpose_lhs_hint = false} : vector<4096x128xf32>, vector<128x128xf32>, vector<4096x128xf32> -> vector<4096x128xf32>
    %swap3A = arith.constant 0 : index
    %swap3A_6 = arith.constant 0 : index
    %swap3A_7 = vector.load %arg2[%swap3A, %swap3A_6] : memref<4096x128xf32, #tpu.memory_space<vmem>>, vector<4096x128xf32>
    tpu.vector_store %arg2[%swap3A, %swap3A_6], %dot_general3A_5 {strides = array<i32>} : memref<4096x128xf32, #tpu.memory_space<vmem>>, vector<4096x128xf32>,
    return
  }
}

module attributes {stable_mosaic.version = 14 : i64} {
  func.func @_main_body(%arg0: i32, %arg1: memref<4096x25xbf16, #tpu.memory_space<vmem>>, %arg2: memref<4096x100xbf16, #tpu.memory_space<vmem>>, %arg3: memref<4096x128xf32, #tpu.memory_space<vmem>>, %arg4: memref<4096x128xf32, #tpu.memory_space<vmem>>, %arg5: memref<4096x128xf32, #tpu.memory_space<vmem>>, %arg6: memref<64x64xf32, #tpu.memory_space<vmem>>, %arg7: memref<64x64xf32, #tpu.memory_space<vmem>>, %arg8: memref<64x64xf32, #tpu.memory_space<vmem>>, %arg9: memref<64x64xf32, #tpu.memory_space<vmem>>, %arg10: memref<64x64xf32, #tpu.memory_space<vmem>>, %arg11: memref<25x128xbf16, #tpu.memory_space<vmem>>, %arg12: memref<1x128xf32, #tpu.memory_space<vmem>>, %arg13: memref<128x128xbf16, #tpu.memory_space<vmem>>, %arg14: memref<1x128xf32, #tpu.memory_space<vmem>>, %arg15: memref<100x128xbf16, #tpu.memory_space<vmem>>, %arg16: memref<1x128xf32, #tpu.memory_space<vmem>>, %arg17: memref<128x128xbf16, #tpu.memory_space<vmem>>, %arg18: memref<1x128xf32, #tpu.memory_space<vmem>>, %arg19: memref<128x128xf32, #tpu.memory_space<vmem>>, %arg20: memref<1x128xf32, #tpu.memory_space<vmem>>, %arg21: memref<128x128xf32, #tpu.memory_space<vmem>>, %arg22: memref<1x128xf32, #tpu.memory_space<vmem>>, %arg23: memref<64x128xf32, #tpu.memory_space<vmem>>) attributes {dimension_semantics = [#tpu.dimension_semantics<arbitrary>], iteration_bounds = array<i64: 32>, scalar_prefetch = 0 : i64, scratch_operands = 0 : i64, tpu.core_type = #tpu.core_type<tc>, window_params = [{transform_indices = @transform_0, window_bounds = array<i64: 4096, 25>}, {transform_indices = @transform_1, window_bounds = array<i64: 4096, 100>}, {transform_indices = @transform_2, window_bounds = array<i64: 4096, 128>}, {transform_indices = @transform_3, window_bounds = array<i64: 4096, 128>}, {transform_indices = @transform_4, window_bounds = array<i64: 4096, 128>}, {transform_indices = @transform_5, window_bounds = array<i64: 64, 64>}, {transform_indices = @transform_6, window_bounds = array<i64: 64, 64>}, {transform_indices = @transform_7, window_bounds = array<i64: 64, 64>}, {transform_indices = @transform_8, window_bounds = array<i64: 64, 64>}, {transform_indices = @transform_9, window_bounds = array<i64: 64, 64>}, {pipeline_mode = #tpu.pipeline_mode<synchronous>, transform_indices = @transform_10, window_bounds = array<i64: 25, 128>}, {pipeline_mode = #tpu.pipeline_mode<synchronous>, transform_indices = @transform_11, window_bounds = array<i64: 1, 128>}, {pipeline_mode = #tpu.pipeline_mode<synchronous>, transform_indices = @transform_12, window_bounds = array<i64: 128, 128>}, {pipeline_mode = #tpu.pipeline_mode<synchronous>, transform_indices = @transform_13, window_bounds = array<i64: 1, 128>}, {pipeline_mode = #tpu.pipeline_mode<synchronous>, transform_indices = @transform_14, window_bounds = array<i64: 100, 128>}, {pipeline_mode = #tpu.pipeline_mode<synchronous>, transform_indices = @transform_15, window_bounds = array<i64: 1, 128>}, {pipeline_mode = #tpu.pipeline_mode<synchronous>, transform_indices = @transform_16, window_bounds = array<i64: 128, 128>}, {pipeline_mode = #tpu.pipeline_mode<synchronous>, transform_indices = @transform_17, window_bounds = array<i64: 1, 128>}, {pipeline_mode = #tpu.pipeline_mode<synchronous>, transform_indices = @transform_18, window_bounds = array<i64: 128, 128>}, {pipeline_mode = #tpu.pipeline_mode<synchronous>, transform_indices = @transform_19, window_bounds = array<i64: 1, 128>}, {pipeline_mode = #tpu.pipeline_mode<synchronous>, transform_indices = @transform_20, window_bounds = array<i64: 128, 128>}, {pipeline_mode = #tpu.pipeline_mode<synchronous>, transform_indices = @transform_21, window_bounds = array<i64: 1, 128>}, {transform_indices = @transform_22, window_bounds = array<i64: 64, 128>}]} {
    %get3A = arith.constant 0 : index
    %get3A_0 = arith.constant 0 : index
    %get3A_1 = vector.load %arg1[%get3A, %get3A_0] : memref<4096x25xbf16, #tpu.memory_space<vmem>>, vector<4096x25xbf16>
    %get3A_2 = arith.constant 0 : index
    %get3A_3 = arith.constant 0 : index
    %get3A_4 = vector.load %arg11[%get3A_2, %get3A_3] : memref<25x128xbf16, #tpu.memory_space<vmem>>, vector<25x128xbf16>
    %dot_general3A = arith.constant dense<0.000000e+00> : vector<4096x128xf32>
    %dot_general3A_5 = tpu.matmul %get3A_1, %get3A_4, %dot_general3A {dimension_numbers = #tpu.dot_dimension_numbers<[1], [0], [0], [1], [0, 0, 1, 1], [], []>, transpose_lhs_hint = false} : vector<4096x25xbf16>, vector<25x128xbf16>, vector<4096x128xf32> -> vector<4096x128xf32>
    %get3A_6 = arith.constant 0 : index
    %get3A_7 = arith.constant 0 : index
    %get3A_8 = vector.load %arg12[%get3A_6, %get3A_7] : memref<1x128xf32, #tpu.memory_space<vmem>>, vector<1x128xf32>
    %add3A = vector.broadcast %get3A_8 : vector<1x128xf32> to vector<4096x128xf32>
    %add3A_9 = arith.addf %dot_general3A_5, %add3A : vector<4096x128xf32>
    %min3A = arith.constant 6.000000e+01 : f32
    %min3A_10 = vector.broadcast %min3A : f32 to vector<4096x128xf32>
    %min3A_11 = arith.minimumf %add3A_9, %min3A_10 : vector<4096x128xf32>
    %exp3A = math.exp %min3A_11 : vector<4096x128xf32>
    %add3A_12 = arith.constant 1.000000e+00 : f32
    %add3A_13 = vector.broadcast %add3A_12 : f32 to vector<4096x128xf32>
    %add3A_14 = arith.addf %add3A_13, %exp3A : vector<4096x128xf32>
    %log3A = math.log %add3A_14 : vector<4096x128xf32>
    %max3A = arith.maximumf %log3A, %add3A_9 : vector<4096x128xf32>
    %sub3A = arith.constant 0.693147182 : f32
    %sub3A_15 = vector.broadcast %sub3A : f32 to vector<4096x128xf32>
    %sub3A_16 = arith.subf %max3A, %sub3A_15 : vector<4096x128xf32>
    %convert_element_type3A = arith.truncf %sub3A_16 : vector<4096x128xf32> to vector<4096x128xbf16>
    %get3A_17 = arith.constant 0 : index
    %get3A_18 = arith.constant 0 : index
    %get3A_19 = vector.load %arg13[%get3A_17, %get3A_18] : memref<128x128xbf16, #tpu.memory_space<vmem>>, vector<128x128xbf16>
    %dot_general3A_20 = arith.constant dense<0.000000e+00> : vector<4096x128xf32>
    %dot_general3A_21 = tpu.matmul %convert_element_type3A, %get3A_19, %dot_general3A_20 {dimension_numbers = #tpu.dot_dimension_numbers<[1], [0], [0], [1], [0, 0, 1, 1], [], []>, transpose_lhs_hint = false} : vector<4096x128xbf16>, vector<128x128xbf16>, vector<4096x128xf32> -> vector<4096x128xf32>
    %get3A_22 = arith.constant 0 : index
    %get3A_23 = arith.constant 0 : index
    %get3A_24 = vector.load %arg14[%get3A_22, %get3A_23] : memref<1x128xf32, #tpu.memory_space<vmem>>, vector<1x128xf32>
    %add3A_25 = vector.broadcast %get3A_24 : vector<1x128xf32> to vector<4096x128xf32>
    %add3A_26 = arith.addf %dot_general3A_21, %add3A_25 : vector<4096x128xf32>
    %min3A_27 = arith.constant 6.000000e+01 : f32
    %min3A_28 = vector.broadcast %min3A_27 : f32 to vector<4096x128xf32>
    %min3A_29 = arith.minimumf %add3A_26, %min3A_28 : vector<4096x128xf32>
    %exp3A_30 = math.exp %min3A_29 : vector<4096x128xf32>
    %add3A_31 = arith.constant 1.000000e+00 : f32
    %add3A_32 = vector.broadcast %add3A_31 : f32 to vector<4096x128xf32>
    %add3A_33 = arith.addf %add3A_32, %exp3A_30 : vector<4096x128xf32>
    %log3A_34 = math.log %add3A_33 : vector<4096x128xf32>
    %max3A_35 = arith.maximumf %log3A_34, %add3A_26 : vector<4096x128xf32>
    %sub3A_36 = arith.constant 0.693147182 : f32
    %sub3A_37 = vector.broadcast %sub3A_36 : f32 to vector<4096x128xf32>
    %sub3A_38 = arith.subf %max3A_35, %sub3A_37 : vector<4096x128xf32>
    %get3A_39 = arith.constant 0 : index
    %get3A_40 = arith.constant 0 : index
    %get3A_41 = vector.load %arg2[%get3A_39, %get3A_40] : memref<4096x100xbf16, #tpu.memory_space<vmem>>, vector<4096x100xbf16>
    %get3A_42 = arith.constant 0 : index
    %get3A_43 = arith.constant 0 : index
    %get3A_44 = vector.load %arg15[%get3A_42, %get3A_43] : memref<100x128xbf16, #tpu.memory_space<vmem>>, vector<100x128xbf16>
    %dot_general3A_45 = arith.constant dense<0.000000e+00> : vector<4096x128xf32>
    %dot_general3A_46 = tpu.matmul %get3A_41, %get3A_44, %dot_general3A_45 {dimension_numbers = #tpu.dot_dimension_numbers<[1], [0], [0], [1], [0, 0, 1, 1], [], []>, transpose_lhs_hint = false} : vector<4096x100xbf16>, vector<100x128xbf16>, vector<4096x128xf32> -> vector<4096x128xf32>
    %get3A_47 = arith.constant 0 : index
    %get3A_48 = arith.constant 0 : index
    %get3A_49 = vector.load %arg16[%get3A_47, %get3A_48] : memref<1x128xf32, #tpu.memory_space<vmem>>, vector<1x128xf32>
    %add3A_50 = vector.broadcast %get3A_49 : vector<1x128xf32> to vector<4096x128xf32>
    %add3A_51 = arith.addf %dot_general3A_46, %add3A_50 : vector<4096x128xf32>
    %min3A_52 = arith.constant 6.000000e+01 : f32
    %min3A_53 = vector.broadcast %min3A_52 : f32 to vector<4096x128xf32>
    %min3A_54 = arith.minimumf %add3A_51, %min3A_53 : vector<4096x128xf32>
    %exp3A_55 = math.exp %min3A_54 : vector<4096x128xf32>
    %add3A_56 = arith.constant 1.000000e+00 : f32
    %add3A_57 = vector.broadcast %add3A_56 : f32 to vector<4096x128xf32>
    %add3A_58 = arith.addf %add3A_57, %exp3A_55 : vector<4096x128xf32>
    %log3A_59 = math.log %add3A_58 : vector<4096x128xf32>
    %max3A_60 = arith.maximumf %log3A_59, %add3A_51 : vector<4096x128xf32>
    %sub3A_61 = arith.constant 0.693147182 : f32
    %sub3A_62 = vector.broadcast %sub3A_61 : f32 to vector<4096x128xf32>
    %sub3A_63 = arith.subf %max3A_60, %sub3A_62 : vector<4096x128xf32>
    %convert_element_type3A_64 = arith.truncf %sub3A_63 : vector<4096x128xf32> to vector<4096x128xbf16>
    %get3A_65 = arith.constant 0 : index
    %get3A_66 = arith.constant 0 : index
    %get3A_67 = vector.load %arg17[%get3A_65, %get3A_66] : memref<128x128xbf16, #tpu.memory_space<vmem>>, vector<128x128xbf16>
    %dot_general3A_68 = arith.constant dense<0.000000e+00> : vector<4096x128xf32>
    %dot_general3A_69 = tpu.matmul %convert_element_type3A_64, %get3A_67, %dot_general3A_68 {dimension_numbers = #tpu.dot_dimension_numbers<[1], [0], [0], [1], [0, 0, 1, 1], [], []>, transpose_lhs_hint = false} : vector<4096x128xbf16>, vector<128x128xbf16>, vector<4096x128xf32> -> vector<4096x128xf32>
    %get3A_70 = arith.constant 0 : index
    %get3A_71 = arith.constant 0 : index
    %get3A_72 = vector.load %arg18[%get3A_70, %get3A_71] : memref<1x128xf32, #tpu.memory_space<vmem>>, vector<1x128xf32>
    %add3A_73 = vector.broadcast %get3A_72 : vector<1x128xf32> to vector<4096x128xf32>
    %add3A_74 = arith.addf %dot_general3A_69, %add3A_73 : vector<4096x128xf32>
    %min3A_75 = arith.constant 6.000000e+01 : f32
    %min3A_76 = vector.broadcast %min3A_75 : f32 to vector<4096x128xf32>
    %min3A_77 = arith.minimumf %add3A_74, %min3A_76 : vector<4096x128xf32>
    %exp3A_78 = math.exp %min3A_77 : vector<4096x128xf32>
    %add3A_79 = arith.constant 1.000000e+00 : f32
    %add3A_80 = vector.broadcast %add3A_79 : f32 to vector<4096x128xf32>
    %add3A_81 = arith.addf %add3A_80, %exp3A_78 : vector<4096x128xf32>
    %log3A_82 = math.log %add3A_81 : vector<4096x128xf32>
    %max3A_83 = arith.maximumf %log3A_82, %add3A_74 : vector<4096x128xf32>
    %sub3A_84 = arith.constant 0.693147182 : f32
    %sub3A_85 = vector.broadcast %sub3A_84 : f32 to vector<4096x128xf32>
    %sub3A_86 = arith.subf %max3A_83, %sub3A_85 : vector<4096x128xf32>
    %get3A_87 = arith.constant 0 : index
    %get3A_88 = arith.constant 0 : index
    %get3A_89 = vector.load %arg6[%get3A_87, %get3A_88] : memref<64x64xf32, #tpu.memory_space<vmem>>, vector<64x64xf32>
    %mul3A = arith.constant 0.628318548 : f32
    %mul3A_90 = vector.broadcast %mul3A : f32 to vector<64x64xf32>
    %mul3A_91 = arith.mulf %get3A_89, %mul3A_90 : vector<64x64xf32>
    %cos3A = math.cos %mul3A_91 : vector<64x64xf32>
    %add3A_92 = arith.constant 1.000000e+00 : f32
    %add3A_93 = vector.broadcast %add3A_92 : f32 to vector<64x64xf32>
    %add3A_94 = arith.addf %cos3A, %add3A_93 : vector<64x64xf32>
    %mul3A_95 = arith.constant 5.000000e-01 : f32
    %mul3A_96 = vector.broadcast %mul3A_95 : f32 to vector<64x64xf32>
    %mul3A_97 = arith.mulf %mul3A_96, %add3A_94 : vector<64x64xf32>
    %lt3A = arith.constant 5.000000e+00 : f32
    %lt3A_98 = vector.broadcast %lt3A : f32 to vector<64x64xf32>
    %lt3A_99 = arith.cmpf olt, %get3A_89, %lt3A_98 : vector<64x64xf32>
    %convert_element_type3A_100 = arith.extui %lt3A_99 : vector<64x64xi1> to vector<64x64xi32>
    %convert_element_type3A_101 = arith.sitofp %convert_element_type3A_100 : vector<64x64xi32> to vector<64x64xf32>
    %mul3A_102 = arith.mulf %mul3A_97, %convert_element_type3A_101 : vector<64x64xf32>
    %get3A_103 = arith.constant 0 : index
    %get3A_104 = arith.constant 0 : index
    %get3A_105 = vector.load %arg9[%get3A_103, %get3A_104] : memref<64x64xf32, #tpu.memory_space<vmem>>, vector<64x64xf32>
    %mul3A_106 = arith.mulf %mul3A_102, %get3A_105 : vector<64x64xf32>
    %get3A_107 = arith.constant 0 : index
    %get3A_108 = arith.constant 0 : index
    %get3A_109 = vector.load %arg7[%get3A_107, %get3A_108] : memref<64x64xf32, #tpu.memory_space<vmem>>, vector<64x64xf32>
    %mul3A_110 = arith.constant 0.628318548 : f32
    %mul3A_111 = vector.broadcast %mul3A_110 : f32 to vector<64x64xf32>
    %mul3A_112 = arith.mulf %get3A_109, %mul3A_111 : vector<64x64xf32>
    %cos3A_113 = math.cos %mul3A_112 : vector<64x64xf32>
    %add3A_114 = arith.constant 1.000000e+00 : f32
    %add3A_115 = vector.broadcast %add3A_114 : f32 to vector<64x64xf32>
    %add3A_116 = arith.addf %cos3A_113, %add3A_115 : vector<64x64xf32>
    %mul3A_117 = arith.constant 5.000000e-01 : f32
    %mul3A_118 = vector.broadcast %mul3A_117 : f32 to vector<64x64xf32>
    %mul3A_119 = arith.mulf %mul3A_118, %add3A_116 : vector<64x64xf32>
    %lt3A_120 = arith.constant 5.000000e+00 : f32
    %lt3A_121 = vector.broadcast %lt3A_120 : f32 to vector<64x64xf32>
    %lt3A_122 = arith.cmpf olt, %get3A_109, %lt3A_121 : vector<64x64xf32>
    %convert_element_type3A_123 = arith.extui %lt3A_122 : vector<64x64xi1> to vector<64x64xi32>
    %convert_element_type3A_124 = arith.sitofp %convert_element_type3A_123 : vector<64x64xi32> to vector<64x64xf32>
    %mul3A_125 = arith.mulf %mul3A_119, %convert_element_type3A_124 : vector<64x64xf32>
    %get3A_126 = arith.constant 0 : index
    %get3A_127 = arith.constant 0 : index
    %get3A_128 = vector.load %arg8[%get3A_126, %get3A_127] : memref<64x64xf32, #tpu.memory_space<vmem>>, vector<64x64xf32>
    %mul3A_129 = arith.constant 0.628318548 : f32
    %mul3A_130 = vector.broadcast %mul3A_129 : f32 to vector<64x64xf32>
    %mul3A_131 = arith.mulf %get3A_128, %mul3A_130 : vector<64x64xf32>
    %cos3A_132 = math.cos %mul3A_131 : vector<64x64xf32>
    %add3A_133 = arith.constant 1.000000e+00 : f32
    %add3A_134 = vector.broadcast %add3A_133 : f32 to vector<64x64xf32>
    %add3A_135 = arith.addf %cos3A_132, %add3A_134 : vector<64x64xf32>
    %mul3A_136 = arith.constant 5.000000e-01 : f32
    %mul3A_137 = vector.broadcast %mul3A_136 : f32 to vector<64x64xf32>
    %mul3A_138 = arith.mulf %mul3A_137, %add3A_135 : vector<64x64xf32>
    %lt3A_139 = arith.constant 5.000000e+00 : f32
    %lt3A_140 = vector.broadcast %lt3A_139 : f32 to vector<64x64xf32>
    %lt3A_141 = arith.cmpf olt, %get3A_128, %lt3A_140 : vector<64x64xf32>
    %convert_element_type3A_142 = arith.extui %lt3A_141 : vector<64x64xi1> to vector<64x64xi32>
    %convert_element_type3A_143 = arith.sitofp %convert_element_type3A_142 : vector<64x64xi32> to vector<64x64xf32>
    %mul3A_144 = arith.mulf %mul3A_138, %convert_element_type3A_143 : vector<64x64xf32>
    %mul3A_145 = arith.mulf %mul3A_125, %mul3A_144 : vector<64x64xf32>
    %get3A_146 = arith.constant 0 : index
    %get3A_147 = arith.constant 0 : index
    %get3A_148 = vector.load %arg10[%get3A_146, %get3A_147] : memref<64x64xf32, #tpu.memory_space<vmem>>, vector<64x64xf32>
    %mul3A_149 = arith.mulf %mul3A_145, %get3A_148 : vector<64x64xf32>
    %get3A_150 = arith.constant 0 : index
    %get3A_151 = arith.constant 0 : index
    %get3A_152 = vector.load %arg3[%get3A_150, %get3A_151] : memref<4096x128xf32, #tpu.memory_space<vmem>>, vector<4096x128xf32>
    %mul3A_153 = arith.mulf %get3A_152, %sub3A_38 : vector<4096x128xf32>
    %reshape3A = vector.shape_cast %mul3A_153 : vector<4096x128xf32> to vector<64x64x128xf32>
    %broadcast_in_dim3A = vector.shape_cast %mul3A_106 : vector<64x64xf32> to vector<64x64x1xf32>
    %mul3A_154 = vector.broadcast %broadcast_in_dim3A : vector<64x64x1xf32> to vector<64x64x128xf32>
    %mul3A_155 = arith.mulf %reshape3A, %mul3A_154 : vector<64x64x128xf32>
    %get3A_156 = arith.constant 0 : index
    %get3A_157 = arith.constant 0 : index
    %get3A_158 = vector.load %arg4[%get3A_156, %get3A_157] : memref<4096x128xf32, #tpu.memory_space<vmem>>, vector<4096x128xf32>
    %get3A_159 = arith.constant 0 : index
    %get3A_160 = arith.constant 0 : index
    %get3A_161 = vector.load %arg5[%get3A_159, %get3A_160] : memref<4096x128xf32, #tpu.memory_space<vmem>>, vector<4096x128xf32>
    %mul3A_162 = arith.mulf %get3A_158, %get3A_161 : vector<4096x128xf32>
    %mul3A_163 = arith.mulf %mul3A_162, %sub3A_86 : vector<4096x128xf32>
    %reshape3A_164 = vector.shape_cast %mul3A_163 : vector<4096x128xf32> to vector<64x64x128xf32>
    %broadcast_in_dim3A_165 = vector.shape_cast %mul3A_149 : vector<64x64xf32> to vector<64x64x1xf32>
    %mul3A_166 = vector.broadcast %broadcast_in_dim3A_165 : vector<64x64x1xf32> to vector<64x64x128xf32>
    %mul3A_167 = arith.mulf %reshape3A_164, %mul3A_166 : vector<64x64x128xf32>
    %add3A_168 = arith.addf %mul3A_155, %mul3A_167 : vector<64x64x128xf32>
    %reduce_sum3A = arith.constant dense<0.000000e+00> : vector<64x128xf32>
    %reduce_sum3A_169 = vector.multi_reduction <add>, %add3A_168, %reduce_sum3A [1] : vector<64x64x128xf32> to vector<64x128xf32>
    %get3A_170 = arith.constant 0 : index
    %get3A_171 = arith.constant 0 : index
    %get3A_172 = vector.load %arg19[%get3A_170, %get3A_171] : memref<128x128xf32, #tpu.memory_space<vmem>>, vector<128x128xf32>
    %dot_general3A_173 = arith.constant dense<0.000000e+00> : vector<64x128xf32>
    %dot_general3A_174 = tpu.matmul %reduce_sum3A_169, %get3A_172, %dot_general3A_173 {dimension_numbers = #tpu.dot_dimension_numbers<[1], [0], [0], [1], [0, 0, 1, 1], [], []>, transpose_lhs_hint = false} : vector<64x128xf32>, vector<128x128xf32>, vector<64x128xf32> -> vector<64x128xf32>
    %get3A_175 = arith.constant 0 : index
    %get3A_176 = arith.constant 0 : index
    %get3A_177 = vector.load %arg20[%get3A_175, %get3A_176] : memref<1x128xf32, #tpu.memory_space<vmem>>, vector<1x128xf32>
    %add3A_178 = vector.broadcast %get3A_177 : vector<1x128xf32> to vector<64x128xf32>
    %add3A_179 = arith.addf %dot_general3A_174, %add3A_178 : vector<64x128xf32>
    %min3A_180 = arith.constant 6.000000e+01 : f32
    %min3A_181 = vector.broadcast %min3A_180 : f32 to vector<64x128xf32>
    %min3A_182 = arith.minimumf %add3A_179, %min3A_181 : vector<64x128xf32>
    %exp3A_183 = math.exp %min3A_182 : vector<64x128xf32>
    %add3A_184 = arith.constant 1.000000e+00 : f32
    %add3A_185 = vector.broadcast %add3A_184 : f32 to vector<64x128xf32>
    %add3A_186 = arith.addf %add3A_185, %exp3A_183 : vector<64x128xf32>
    %log3A_187 = math.log %add3A_186 : vector<64x128xf32>
    %max3A_188 = arith.maximumf %log3A_187, %add3A_179 : vector<64x128xf32>
    %sub3A_189 = arith.constant 0.693147182 : f32
    %sub3A_190 = vector.broadcast %sub3A_189 : f32 to vector<64x128xf32>
    %sub3A_191 = arith.subf %max3A_188, %sub3A_190 : vector<64x128xf32>
    %get3A_192 = arith.constant 0 : index
    %get3A_193 = arith.constant 0 : index
    %get3A_194 = vector.load %arg21[%get3A_192, %get3A_193] : memref<128x128xf32, #tpu.memory_space<vmem>>, vector<128x128xf32>
    %dot_general3A_195 = arith.constant dense<0.000000e+00> : vector<64x128xf32>
    %dot_general3A_196 = tpu.matmul %sub3A_191, %get3A_194, %dot_general3A_195 {dimension_numbers = #tpu.dot_dimension_numbers<[1], [0], [0], [1], [0, 0, 1, 1], [], []>, transpose_lhs_hint = false} : vector<64x128xf32>, vector<128x128xf32>, vector<64x128xf32> -> vector<64x128xf32>
    %get3A_197 = arith.constant 0 : index
    %get3A_198 = arith.constant 0 : index
    %get3A_199 = vector.load %arg22[%get3A_197, %get3A_198] : memref<1x128xf32, #tpu.memory_space<vmem>>, vector<1x128xf32>
    %add3A_200 = vector.broadcast %get3A_199 : vector<1x128xf32> to vector<64x128xf32>
    %add3A_201 = arith.addf %dot_general3A_196, %add3A_200 : vector<64x128xf32>
    %swap3A = arith.constant 0 : index
    %swap3A_202 = arith.constant 0 : index
    %swap3A_203 = vector.load %arg23[%swap3A, %swap3A_202] : memref<64x128xf32, #tpu.memory_space<vmem>>, vector<64x128xf32>
    tpu.vector_store %arg23[%swap3A, %swap3A_202], %add3A_201 {strides = array<i32>} : memref<64x128xf32, #tpu.memory_space<vmem>>, vector<64x128xf32>,
    return
  }
  func.func @transform_0(%arg0: i32) -> (i32, i32) {
    %add3A = arith.constant 32 : i32
    %add3A_0 = arith.addi %add3A, %arg0 : i32
    %c0_i32 = arith.constant 0 : i32
    %c0_i32_1 = arith.constant 0 : i32
    return %add3A_0, %c0_i32 : i32, i32
  }
  func.func @transform_1(%arg0: i32) -> (i32, i32) {
    %add3A = arith.constant 32 : i32
    %add3A_0 = arith.addi %add3A, %arg0 : i32
    %c0_i32 = arith.constant 0 : i32
    %c0_i32_1 = arith.constant 0 : i32
    return %add3A_0, %c0_i32 : i32, i32
  }
  func.func @transform_2(%arg0: i32) -> (i32, i32) {
    %c0_i32 = arith.constant 0 : i32
    %c0_i32_0 = arith.constant 0 : i32
    return %arg0, %c0_i32 : i32, i32
  }
  func.func @transform_3(%arg0: i32) -> (i32, i32) {
    %c0_i32 = arith.constant 0 : i32
    %c0_i32_0 = arith.constant 0 : i32
    return %arg0, %c0_i32 : i32, i32
  }
  func.func @transform_4(%arg0: i32) -> (i32, i32) {
    %c0_i32 = arith.constant 0 : i32
    %c0_i32_0 = arith.constant 0 : i32
    return %arg0, %c0_i32 : i32, i32
  }
  func.func @transform_5(%arg0: i32) -> (i32, i32) {
    %add3A = arith.constant 32 : i32
    %add3A_0 = arith.addi %add3A, %arg0 : i32
    %c0_i32 = arith.constant 0 : i32
    %c0_i32_1 = arith.constant 0 : i32
    return %add3A_0, %c0_i32 : i32, i32
  }
  func.func @transform_6(%arg0: i32) -> (i32, i32) {
    %add3A = arith.constant 32 : i32
    %add3A_0 = arith.addi %add3A, %arg0 : i32
    %c0_i32 = arith.constant 0 : i32
    %c0_i32_1 = arith.constant 0 : i32
    return %add3A_0, %c0_i32 : i32, i32
  }
  func.func @transform_7(%arg0: i32) -> (i32, i32) {
    %add3A = arith.constant 32 : i32
    %add3A_0 = arith.addi %add3A, %arg0 : i32
    %c0_i32 = arith.constant 0 : i32
    %c0_i32_1 = arith.constant 0 : i32
    return %add3A_0, %c0_i32 : i32, i32
  }
  func.func @transform_8(%arg0: i32) -> (i32, i32) {
    %add3A = arith.constant 32 : i32
    %add3A_0 = arith.addi %add3A, %arg0 : i32
    %c0_i32 = arith.constant 0 : i32
    %c0_i32_1 = arith.constant 0 : i32
    return %add3A_0, %c0_i32 : i32, i32
  }
  func.func @transform_9(%arg0: i32) -> (i32, i32) {
    %add3A = arith.constant 32 : i32
    %add3A_0 = arith.addi %add3A, %arg0 : i32
    %c0_i32 = arith.constant 0 : i32
    %c0_i32_1 = arith.constant 0 : i32
    return %add3A_0, %c0_i32 : i32, i32
  }
  func.func @transform_10(%arg0: i32) -> (i32, i32) {
    %c0_i32 = arith.constant 0 : i32
    %c0_i32_0 = arith.constant 0 : i32
    %c0_i32_1 = arith.constant 0 : i32
    return %c0_i32, %c0_i32_0 : i32, i32
  }
  func.func @transform_11(%arg0: i32) -> (i32, i32) {
    %c0_i32 = arith.constant 0 : i32
    %c0_i32_0 = arith.constant 0 : i32
    %c0_i32_1 = arith.constant 0 : i32
    return %c0_i32, %c0_i32_0 : i32, i32
  }
  func.func @transform_12(%arg0: i32) -> (i32, i32) {
    %c0_i32 = arith.constant 0 : i32
    %c0_i32_0 = arith.constant 0 : i32
    %c0_i32_1 = arith.constant 0 : i32
    return %c0_i32, %c0_i32_0 : i32, i32
  }
  func.func @transform_13(%arg0: i32) -> (i32, i32) {
    %c0_i32 = arith.constant 0 : i32
    %c0_i32_0 = arith.constant 0 : i32
    %c0_i32_1 = arith.constant 0 : i32
    return %c0_i32, %c0_i32_0 : i32, i32
  }
  func.func @transform_14(%arg0: i32) -> (i32, i32) {
    %c0_i32 = arith.constant 0 : i32
    %c0_i32_0 = arith.constant 0 : i32
    %c0_i32_1 = arith.constant 0 : i32
    return %c0_i32, %c0_i32_0 : i32, i32
  }
  func.func @transform_15(%arg0: i32) -> (i32, i32) {
    %c0_i32 = arith.constant 0 : i32
    %c0_i32_0 = arith.constant 0 : i32
    %c0_i32_1 = arith.constant 0 : i32
    return %c0_i32, %c0_i32_0 : i32, i32
  }
  func.func @transform_16(%arg0: i32) -> (i32, i32) {
    %c0_i32 = arith.constant 0 : i32
    %c0_i32_0 = arith.constant 0 : i32
    %c0_i32_1 = arith.constant 0 : i32
    return %c0_i32, %c0_i32_0 : i32, i32
  }
  func.func @transform_17(%arg0: i32) -> (i32, i32) {
    %c0_i32 = arith.constant 0 : i32
    %c0_i32_0 = arith.constant 0 : i32
    %c0_i32_1 = arith.constant 0 : i32
    return %c0_i32, %c0_i32_0 : i32, i32
  }
  func.func @transform_18(%arg0: i32) -> (i32, i32) {
    %c0_i32 = arith.constant 0 : i32
    %c0_i32_0 = arith.constant 0 : i32
    %c0_i32_1 = arith.constant 0 : i32
    return %c0_i32, %c0_i32_0 : i32, i32
  }
  func.func @transform_19(%arg0: i32) -> (i32, i32) {
    %c0_i32 = arith.constant 0 : i32
    %c0_i32_0 = arith.constant 0 : i32
    %c0_i32_1 = arith.constant 0 : i32
    return %c0_i32, %c0_i32_0 : i32, i32
  }
  func.func @transform_20(%arg0: i32) -> (i32, i32) {
    %c0_i32 = arith.constant 0 : i32
    %c0_i32_0 = arith.constant 0 : i32
    %c0_i32_1 = arith.constant 0 : i32
    return %c0_i32, %c0_i32_0 : i32, i32
  }
  func.func @transform_21(%arg0: i32) -> (i32, i32) {
    %c0_i32 = arith.constant 0 : i32
    %c0_i32_0 = arith.constant 0 : i32
    %c0_i32_1 = arith.constant 0 : i32
    return %c0_i32, %c0_i32_0 : i32, i32
  }
  func.func @transform_22(%arg0: i32) -> (i32, i32) {
    %c0_i32 = arith.constant 0 : i32
    %c0_i32_0 = arith.constant 0 : i32
    return %arg0, %c0_i32 : i32, i32
  }
}

module attributes {stable_mosaic.version = 14 : i64} {
  func.func @_main_body(%arg0: i32, %arg1: memref<4096x25xbf16, #tpu.memory_space<vmem>>, %arg2: memref<4096x100xbf16, #tpu.memory_space<vmem>>, %arg3: memref<4096x128xf32, #tpu.memory_space<vmem>>, %arg4: memref<4096x128xf32, #tpu.memory_space<vmem>>, %arg5: memref<4096x128xf32, #tpu.memory_space<vmem>>, %arg6: memref<64x64xf32, #tpu.memory_space<vmem>>, %arg7: memref<64x64xf32, #tpu.memory_space<vmem>>, %arg8: memref<64x64xf32, #tpu.memory_space<vmem>>, %arg9: memref<64x64xf32, #tpu.memory_space<vmem>>, %arg10: memref<64x64xf32, #tpu.memory_space<vmem>>, %arg11: memref<25x128xbf16, #tpu.memory_space<vmem>>, %arg12: memref<1x128xf32, #tpu.memory_space<vmem>>, %arg13: memref<128x128xbf16, #tpu.memory_space<vmem>>, %arg14: memref<1x128xf32, #tpu.memory_space<vmem>>, %arg15: memref<100x128xbf16, #tpu.memory_space<vmem>>, %arg16: memref<1x128xf32, #tpu.memory_space<vmem>>, %arg17: memref<128x128xbf16, #tpu.memory_space<vmem>>, %arg18: memref<1x128xf32, #tpu.memory_space<vmem>>, %arg19: memref<128x128xf32, #tpu.memory_space<vmem>>, %arg20: memref<1x128xf32, #tpu.memory_space<vmem>>, %arg21: memref<128x128xf32, #tpu.memory_space<vmem>>, %arg22: memref<1x128xf32, #tpu.memory_space<vmem>>, %arg23: memref<64x128xf32, #tpu.memory_space<vmem>>) attributes {dimension_semantics = [#tpu.dimension_semantics<arbitrary>], iteration_bounds = array<i64: 32>, scalar_prefetch = 0 : i64, scratch_operands = 0 : i64, tpu.core_type = #tpu.core_type<tc>, window_params = [{transform_indices = @transform_0, window_bounds = array<i64: 4096, 25>}, {transform_indices = @transform_1, window_bounds = array<i64: 4096, 100>}, {transform_indices = @transform_2, window_bounds = array<i64: 4096, 128>}, {transform_indices = @transform_3, window_bounds = array<i64: 4096, 128>}, {transform_indices = @transform_4, window_bounds = array<i64: 4096, 128>}, {transform_indices = @transform_5, window_bounds = array<i64: 64, 64>}, {transform_indices = @transform_6, window_bounds = array<i64: 64, 64>}, {transform_indices = @transform_7, window_bounds = array<i64: 64, 64>}, {transform_indices = @transform_8, window_bounds = array<i64: 64, 64>}, {transform_indices = @transform_9, window_bounds = array<i64: 64, 64>}, {pipeline_mode = #tpu.pipeline_mode<synchronous>, transform_indices = @transform_10, window_bounds = array<i64: 25, 128>}, {pipeline_mode = #tpu.pipeline_mode<synchronous>, transform_indices = @transform_11, window_bounds = array<i64: 1, 128>}, {pipeline_mode = #tpu.pipeline_mode<synchronous>, transform_indices = @transform_12, window_bounds = array<i64: 128, 128>}, {pipeline_mode = #tpu.pipeline_mode<synchronous>, transform_indices = @transform_13, window_bounds = array<i64: 1, 128>}, {pipeline_mode = #tpu.pipeline_mode<synchronous>, transform_indices = @transform_14, window_bounds = array<i64: 100, 128>}, {pipeline_mode = #tpu.pipeline_mode<synchronous>, transform_indices = @transform_15, window_bounds = array<i64: 1, 128>}, {pipeline_mode = #tpu.pipeline_mode<synchronous>, transform_indices = @transform_16, window_bounds = array<i64: 128, 128>}, {pipeline_mode = #tpu.pipeline_mode<synchronous>, transform_indices = @transform_17, window_bounds = array<i64: 1, 128>}, {pipeline_mode = #tpu.pipeline_mode<synchronous>, transform_indices = @transform_18, window_bounds = array<i64: 128, 128>}, {pipeline_mode = #tpu.pipeline_mode<synchronous>, transform_indices = @transform_19, window_bounds = array<i64: 1, 128>}, {pipeline_mode = #tpu.pipeline_mode<synchronous>, transform_indices = @transform_20, window_bounds = array<i64: 128, 128>}, {pipeline_mode = #tpu.pipeline_mode<synchronous>, transform_indices = @transform_21, window_bounds = array<i64: 1, 128>}, {transform_indices = @transform_22, window_bounds = array<i64: 64, 128>}]} {
    %get3A = arith.constant 0 : index
    %get3A_0 = arith.constant 0 : index
    %get3A_1 = vector.load %arg1[%get3A, %get3A_0] : memref<4096x25xbf16, #tpu.memory_space<vmem>>, vector<4096x25xbf16>
    %get3A_2 = arith.constant 0 : index
    %get3A_3 = arith.constant 0 : index
    %get3A_4 = vector.load %arg11[%get3A_2, %get3A_3] : memref<25x128xbf16, #tpu.memory_space<vmem>>, vector<25x128xbf16>
    %dot_general3A = arith.constant dense<0.000000e+00> : vector<4096x128xf32>
    %dot_general3A_5 = tpu.matmul %get3A_1, %get3A_4, %dot_general3A {dimension_numbers = #tpu.dot_dimension_numbers<[1], [0], [0], [1], [0, 0, 1, 1], [], []>, transpose_lhs_hint = false} : vector<4096x25xbf16>, vector<25x128xbf16>, vector<4096x128xf32> -> vector<4096x128xf32>
    %get3A_6 = arith.constant 0 : index
    %get3A_7 = arith.constant 0 : index
    %get3A_8 = vector.load %arg12[%get3A_6, %get3A_7] : memref<1x128xf32, #tpu.memory_space<vmem>>, vector<1x128xf32>
    %add3A = vector.broadcast %get3A_8 : vector<1x128xf32> to vector<4096x128xf32>
    %add3A_9 = arith.addf %dot_general3A_5, %add3A : vector<4096x128xf32>
    %min3A = arith.constant 6.000000e+01 : f32
    %min3A_10 = vector.broadcast %min3A : f32 to vector<4096x128xf32>
    %min3A_11 = arith.minimumf %add3A_9, %min3A_10 : vector<4096x128xf32>
    %exp3A = math.exp %min3A_11 : vector<4096x128xf32>
    %add3A_12 = arith.constant 1.000000e+00 : f32
    %add3A_13 = vector.broadcast %add3A_12 : f32 to vector<4096x128xf32>
    %add3A_14 = arith.addf %add3A_13, %exp3A : vector<4096x128xf32>
    %log3A = math.log %add3A_14 : vector<4096x128xf32>
    %max3A = arith.maximumf %log3A, %add3A_9 : vector<4096x128xf32>
    %sub3A = arith.constant 0.693147182 : f32
    %sub3A_15 = vector.broadcast %sub3A : f32 to vector<4096x128xf32>
    %sub3A_16 = arith.subf %max3A, %sub3A_15 : vector<4096x128xf32>
    %convert_element_type3A = arith.truncf %sub3A_16 : vector<4096x128xf32> to vector<4096x128xbf16>
    %get3A_17 = arith.constant 0 : index
    %get3A_18 = arith.constant 0 : index
    %get3A_19 = vector.load %arg13[%get3A_17, %get3A_18] : memref<128x128xbf16, #tpu.memory_space<vmem>>, vector<128x128xbf16>
    %dot_general3A_20 = arith.constant dense<0.000000e+00> : vector<4096x128xf32>
    %dot_general3A_21 = tpu.matmul %convert_element_type3A, %get3A_19, %dot_general3A_20 {dimension_numbers = #tpu.dot_dimension_numbers<[1], [0], [0], [1], [0, 0, 1, 1], [], []>, transpose_lhs_hint = false} : vector<4096x128xbf16>, vector<128x128xbf16>, vector<4096x128xf32> -> vector<4096x128xf32>
    %get3A_22 = arith.constant 0 : index
    %get3A_23 = arith.constant 0 : index
    %get3A_24 = vector.load %arg14[%get3A_22, %get3A_23] : memref<1x128xf32, #tpu.memory_space<vmem>>, vector<1x128xf32>
    %add3A_25 = vector.broadcast %get3A_24 : vector<1x128xf32> to vector<4096x128xf32>
    %add3A_26 = arith.addf %dot_general3A_21, %add3A_25 : vector<4096x128xf32>
    %min3A_27 = arith.constant 6.000000e+01 : f32
    %min3A_28 = vector.broadcast %min3A_27 : f32 to vector<4096x128xf32>
    %min3A_29 = arith.minimumf %add3A_26, %min3A_28 : vector<4096x128xf32>
    %exp3A_30 = math.exp %min3A_29 : vector<4096x128xf32>
    %add3A_31 = arith.constant 1.000000e+00 : f32
    %add3A_32 = vector.broadcast %add3A_31 : f32 to vector<4096x128xf32>
    %add3A_33 = arith.addf %add3A_32, %exp3A_30 : vector<4096x128xf32>
    %log3A_34 = math.log %add3A_33 : vector<4096x128xf32>
    %max3A_35 = arith.maximumf %log3A_34, %add3A_26 : vector<4096x128xf32>
    %sub3A_36 = arith.constant 0.693147182 : f32
    %sub3A_37 = vector.broadcast %sub3A_36 : f32 to vector<4096x128xf32>
    %sub3A_38 = arith.subf %max3A_35, %sub3A_37 : vector<4096x128xf32>
    %get3A_39 = arith.constant 0 : index
    %get3A_40 = arith.constant 0 : index
    %get3A_41 = vector.load %arg2[%get3A_39, %get3A_40] : memref<4096x100xbf16, #tpu.memory_space<vmem>>, vector<4096x100xbf16>
    %get3A_42 = arith.constant 0 : index
    %get3A_43 = arith.constant 0 : index
    %get3A_44 = vector.load %arg15[%get3A_42, %get3A_43] : memref<100x128xbf16, #tpu.memory_space<vmem>>, vector<100x128xbf16>
    %dot_general3A_45 = arith.constant dense<0.000000e+00> : vector<4096x128xf32>
    %dot_general3A_46 = tpu.matmul %get3A_41, %get3A_44, %dot_general3A_45 {dimension_numbers = #tpu.dot_dimension_numbers<[1], [0], [0], [1], [0, 0, 1, 1], [], []>, transpose_lhs_hint = false} : vector<4096x100xbf16>, vector<100x128xbf16>, vector<4096x128xf32> -> vector<4096x128xf32>
    %get3A_47 = arith.constant 0 : index
    %get3A_48 = arith.constant 0 : index
    %get3A_49 = vector.load %arg16[%get3A_47, %get3A_48] : memref<1x128xf32, #tpu.memory_space<vmem>>, vector<1x128xf32>
    %add3A_50 = vector.broadcast %get3A_49 : vector<1x128xf32> to vector<4096x128xf32>
    %add3A_51 = arith.addf %dot_general3A_46, %add3A_50 : vector<4096x128xf32>
    %min3A_52 = arith.constant 6.000000e+01 : f32
    %min3A_53 = vector.broadcast %min3A_52 : f32 to vector<4096x128xf32>
    %min3A_54 = arith.minimumf %add3A_51, %min3A_53 : vector<4096x128xf32>
    %exp3A_55 = math.exp %min3A_54 : vector<4096x128xf32>
    %add3A_56 = arith.constant 1.000000e+00 : f32
    %add3A_57 = vector.broadcast %add3A_56 : f32 to vector<4096x128xf32>
    %add3A_58 = arith.addf %add3A_57, %exp3A_55 : vector<4096x128xf32>
    %log3A_59 = math.log %add3A_58 : vector<4096x128xf32>
    %max3A_60 = arith.maximumf %log3A_59, %add3A_51 : vector<4096x128xf32>
    %sub3A_61 = arith.constant 0.693147182 : f32
    %sub3A_62 = vector.broadcast %sub3A_61 : f32 to vector<4096x128xf32>
    %sub3A_63 = arith.subf %max3A_60, %sub3A_62 : vector<4096x128xf32>
    %convert_element_type3A_64 = arith.truncf %sub3A_63 : vector<4096x128xf32> to vector<4096x128xbf16>
    %get3A_65 = arith.constant 0 : index
    %get3A_66 = arith.constant 0 : index
    %get3A_67 = vector.load %arg17[%get3A_65, %get3A_66] : memref<128x128xbf16, #tpu.memory_space<vmem>>, vector<128x128xbf16>
    %dot_general3A_68 = arith.constant dense<0.000000e+00> : vector<4096x128xf32>
    %dot_general3A_69 = tpu.matmul %convert_element_type3A_64, %get3A_67, %dot_general3A_68 {dimension_numbers = #tpu.dot_dimension_numbers<[1], [0], [0], [1], [0, 0, 1, 1], [], []>, transpose_lhs_hint = false} : vector<4096x128xbf16>, vector<128x128xbf16>, vector<4096x128xf32> -> vector<4096x128xf32>
    %get3A_70 = arith.constant 0 : index
    %get3A_71 = arith.constant 0 : index
    %get3A_72 = vector.load %arg18[%get3A_70, %get3A_71] : memref<1x128xf32, #tpu.memory_space<vmem>>, vector<1x128xf32>
    %add3A_73 = vector.broadcast %get3A_72 : vector<1x128xf32> to vector<4096x128xf32>
    %add3A_74 = arith.addf %dot_general3A_69, %add3A_73 : vector<4096x128xf32>
    %min3A_75 = arith.constant 6.000000e+01 : f32
    %min3A_76 = vector.broadcast %min3A_75 : f32 to vector<4096x128xf32>
    %min3A_77 = arith.minimumf %add3A_74, %min3A_76 : vector<4096x128xf32>
    %exp3A_78 = math.exp %min3A_77 : vector<4096x128xf32>
    %add3A_79 = arith.constant 1.000000e+00 : f32
    %add3A_80 = vector.broadcast %add3A_79 : f32 to vector<4096x128xf32>
    %add3A_81 = arith.addf %add3A_80, %exp3A_78 : vector<4096x128xf32>
    %log3A_82 = math.log %add3A_81 : vector<4096x128xf32>
    %max3A_83 = arith.maximumf %log3A_82, %add3A_74 : vector<4096x128xf32>
    %sub3A_84 = arith.constant 0.693147182 : f32
    %sub3A_85 = vector.broadcast %sub3A_84 : f32 to vector<4096x128xf32>
    %sub3A_86 = arith.subf %max3A_83, %sub3A_85 : vector<4096x128xf32>
    %get3A_87 = arith.constant 0 : index
    %get3A_88 = arith.constant 0 : index
    %get3A_89 = vector.load %arg6[%get3A_87, %get3A_88] : memref<64x64xf32, #tpu.memory_space<vmem>>, vector<64x64xf32>
    %mul3A = arith.constant 0.628318548 : f32
    %mul3A_90 = vector.broadcast %mul3A : f32 to vector<64x64xf32>
    %mul3A_91 = arith.mulf %get3A_89, %mul3A_90 : vector<64x64xf32>
    %cos3A = math.cos %mul3A_91 : vector<64x64xf32>
    %add3A_92 = arith.constant 1.000000e+00 : f32
    %add3A_93 = vector.broadcast %add3A_92 : f32 to vector<64x64xf32>
    %add3A_94 = arith.addf %cos3A, %add3A_93 : vector<64x64xf32>
    %mul3A_95 = arith.constant 5.000000e-01 : f32
    %mul3A_96 = vector.broadcast %mul3A_95 : f32 to vector<64x64xf32>
    %mul3A_97 = arith.mulf %mul3A_96, %add3A_94 : vector<64x64xf32>
    %lt3A = arith.constant 5.000000e+00 : f32
    %lt3A_98 = vector.broadcast %lt3A : f32 to vector<64x64xf32>
    %lt3A_99 = arith.cmpf olt, %get3A_89, %lt3A_98 : vector<64x64xf32>
    %convert_element_type3A_100 = arith.extui %lt3A_99 : vector<64x64xi1> to vector<64x64xi32>
    %convert_element_type3A_101 = arith.sitofp %convert_element_type3A_100 : vector<64x64xi32> to vector<64x64xf32>
    %mul3A_102 = arith.mulf %mul3A_97, %convert_element_type3A_101 : vector<64x64xf32>
    %get3A_103 = arith.constant 0 : index
    %get3A_104 = arith.constant 0 : index
    %get3A_105 = vector.load %arg9[%get3A_103, %get3A_104] : memref<64x64xf32, #tpu.memory_space<vmem>>, vector<64x64xf32>
    %mul3A_106 = arith.mulf %mul3A_102, %get3A_105 : vector<64x64xf32>
    %get3A_107 = arith.constant 0 : index
    %get3A_108 = arith.constant 0 : index
    %get3A_109 = vector.load %arg7[%get3A_107, %get3A_108] : memref<64x64xf32, #tpu.memory_space<vmem>>, vector<64x64xf32>
    %mul3A_110 = arith.constant 0.628318548 : f32
    %mul3A_111 = vector.broadcast %mul3A_110 : f32 to vector<64x64xf32>
    %mul3A_112 = arith.mulf %get3A_109, %mul3A_111 : vector<64x64xf32>
    %cos3A_113 = math.cos %mul3A_112 : vector<64x64xf32>
    %add3A_114 = arith.constant 1.000000e+00 : f32
    %add3A_115 = vector.broadcast %add3A_114 : f32 to vector<64x64xf32>
    %add3A_116 = arith.addf %cos3A_113, %add3A_115 : vector<64x64xf32>
    %mul3A_117 = arith.constant 5.000000e-01 : f32
    %mul3A_118 = vector.broadcast %mul3A_117 : f32 to vector<64x64xf32>
    %mul3A_119 = arith.mulf %mul3A_118, %add3A_116 : vector<64x64xf32>
    %lt3A_120 = arith.constant 5.000000e+00 : f32
    %lt3A_121 = vector.broadcast %lt3A_120 : f32 to vector<64x64xf32>
    %lt3A_122 = arith.cmpf olt, %get3A_109, %lt3A_121 : vector<64x64xf32>
    %convert_element_type3A_123 = arith.extui %lt3A_122 : vector<64x64xi1> to vector<64x64xi32>
    %convert_element_type3A_124 = arith.sitofp %convert_element_type3A_123 : vector<64x64xi32> to vector<64x64xf32>
    %mul3A_125 = arith.mulf %mul3A_119, %convert_element_type3A_124 : vector<64x64xf32>
    %get3A_126 = arith.constant 0 : index
    %get3A_127 = arith.constant 0 : index
    %get3A_128 = vector.load %arg8[%get3A_126, %get3A_127] : memref<64x64xf32, #tpu.memory_space<vmem>>, vector<64x64xf32>
    %mul3A_129 = arith.constant 0.628318548 : f32
    %mul3A_130 = vector.broadcast %mul3A_129 : f32 to vector<64x64xf32>
    %mul3A_131 = arith.mulf %get3A_128, %mul3A_130 : vector<64x64xf32>
    %cos3A_132 = math.cos %mul3A_131 : vector<64x64xf32>
    %add3A_133 = arith.constant 1.000000e+00 : f32
    %add3A_134 = vector.broadcast %add3A_133 : f32 to vector<64x64xf32>
    %add3A_135 = arith.addf %cos3A_132, %add3A_134 : vector<64x64xf32>
    %mul3A_136 = arith.constant 5.000000e-01 : f32
    %mul3A_137 = vector.broadcast %mul3A_136 : f32 to vector<64x64xf32>
    %mul3A_138 = arith.mulf %mul3A_137, %add3A_135 : vector<64x64xf32>
    %lt3A_139 = arith.constant 5.000000e+00 : f32
    %lt3A_140 = vector.broadcast %lt3A_139 : f32 to vector<64x64xf32>
    %lt3A_141 = arith.cmpf olt, %get3A_128, %lt3A_140 : vector<64x64xf32>
    %convert_element_type3A_142 = arith.extui %lt3A_141 : vector<64x64xi1> to vector<64x64xi32>
    %convert_element_type3A_143 = arith.sitofp %convert_element_type3A_142 : vector<64x64xi32> to vector<64x64xf32>
    %mul3A_144 = arith.mulf %mul3A_138, %convert_element_type3A_143 : vector<64x64xf32>
    %mul3A_145 = arith.mulf %mul3A_125, %mul3A_144 : vector<64x64xf32>
    %get3A_146 = arith.constant 0 : index
    %get3A_147 = arith.constant 0 : index
    %get3A_148 = vector.load %arg10[%get3A_146, %get3A_147] : memref<64x64xf32, #tpu.memory_space<vmem>>, vector<64x64xf32>
    %mul3A_149 = arith.mulf %mul3A_145, %get3A_148 : vector<64x64xf32>
    %get3A_150 = arith.constant 0 : index
    %get3A_151 = arith.constant 0 : index
    %get3A_152 = vector.load %arg3[%get3A_150, %get3A_151] : memref<4096x128xf32, #tpu.memory_space<vmem>>, vector<4096x128xf32>
    %mul3A_153 = arith.mulf %get3A_152, %sub3A_38 : vector<4096x128xf32>
    %reshape3A = vector.shape_cast %mul3A_153 : vector<4096x128xf32> to vector<64x64x128xf32>
    %broadcast_in_dim3A = vector.shape_cast %mul3A_106 : vector<64x64xf32> to vector<64x64x1xf32>
    %mul3A_154 = vector.broadcast %broadcast_in_dim3A : vector<64x64x1xf32> to vector<64x64x128xf32>
    %mul3A_155 = arith.mulf %reshape3A, %mul3A_154 : vector<64x64x128xf32>
    %get3A_156 = arith.constant 0 : index
    %get3A_157 = arith.constant 0 : index
    %get3A_158 = vector.load %arg4[%get3A_156, %get3A_157] : memref<4096x128xf32, #tpu.memory_space<vmem>>, vector<4096x128xf32>
    %get3A_159 = arith.constant 0 : index
    %get3A_160 = arith.constant 0 : index
    %get3A_161 = vector.load %arg5[%get3A_159, %get3A_160] : memref<4096x128xf32, #tpu.memory_space<vmem>>, vector<4096x128xf32>
    %mul3A_162 = arith.mulf %get3A_158, %get3A_161 : vector<4096x128xf32>
    %mul3A_163 = arith.mulf %mul3A_162, %sub3A_86 : vector<4096x128xf32>
    %reshape3A_164 = vector.shape_cast %mul3A_163 : vector<4096x128xf32> to vector<64x64x128xf32>
    %broadcast_in_dim3A_165 = vector.shape_cast %mul3A_149 : vector<64x64xf32> to vector<64x64x1xf32>
    %mul3A_166 = vector.broadcast %broadcast_in_dim3A_165 : vector<64x64x1xf32> to vector<64x64x128xf32>
    %mul3A_167 = arith.mulf %reshape3A_164, %mul3A_166 : vector<64x64x128xf32>
    %add3A_168 = arith.addf %mul3A_155, %mul3A_167 : vector<64x64x128xf32>
    %reduce_sum3A = arith.constant dense<0.000000e+00> : vector<64x128xf32>
    %reduce_sum3A_169 = vector.multi_reduction <add>, %add3A_168, %reduce_sum3A [1] : vector<64x64x128xf32> to vector<64x128xf32>
    %get3A_170 = arith.constant 0 : index
    %get3A_171 = arith.constant 0 : index
    %get3A_172 = vector.load %arg19[%get3A_170, %get3A_171] : memref<128x128xf32, #tpu.memory_space<vmem>>, vector<128x128xf32>
    %dot_general3A_173 = arith.constant dense<0.000000e+00> : vector<64x128xf32>
    %dot_general3A_174 = tpu.matmul %reduce_sum3A_169, %get3A_172, %dot_general3A_173 {dimension_numbers = #tpu.dot_dimension_numbers<[1], [0], [0], [1], [0, 0, 1, 1], [], []>, transpose_lhs_hint = false} : vector<64x128xf32>, vector<128x128xf32>, vector<64x128xf32> -> vector<64x128xf32>
    %get3A_175 = arith.constant 0 : index
    %get3A_176 = arith.constant 0 : index
    %get3A_177 = vector.load %arg20[%get3A_175, %get3A_176] : memref<1x128xf32, #tpu.memory_space<vmem>>, vector<1x128xf32>
    %add3A_178 = vector.broadcast %get3A_177 : vector<1x128xf32> to vector<64x128xf32>
    %add3A_179 = arith.addf %dot_general3A_174, %add3A_178 : vector<64x128xf32>
    %min3A_180 = arith.constant 6.000000e+01 : f32
    %min3A_181 = vector.broadcast %min3A_180 : f32 to vector<64x128xf32>
    %min3A_182 = arith.minimumf %add3A_179, %min3A_181 : vector<64x128xf32>
    %exp3A_183 = math.exp %min3A_182 : vector<64x128xf32>
    %add3A_184 = arith.constant 1.000000e+00 : f32
    %add3A_185 = vector.broadcast %add3A_184 : f32 to vector<64x128xf32>
    %add3A_186 = arith.addf %add3A_185, %exp3A_183 : vector<64x128xf32>
    %log3A_187 = math.log %add3A_186 : vector<64x128xf32>
    %max3A_188 = arith.maximumf %log3A_187, %add3A_179 : vector<64x128xf32>
    %sub3A_189 = arith.constant 0.693147182 : f32
    %sub3A_190 = vector.broadcast %sub3A_189 : f32 to vector<64x128xf32>
    %sub3A_191 = arith.subf %max3A_188, %sub3A_190 : vector<64x128xf32>
    %get3A_192 = arith.constant 0 : index
    %get3A_193 = arith.constant 0 : index
    %get3A_194 = vector.load %arg21[%get3A_192, %get3A_193] : memref<128x128xf32, #tpu.memory_space<vmem>>, vector<128x128xf32>
    %dot_general3A_195 = arith.constant dense<0.000000e+00> : vector<64x128xf32>
    %dot_general3A_196 = tpu.matmul %sub3A_191, %get3A_194, %dot_general3A_195 {dimension_numbers = #tpu.dot_dimension_numbers<[1], [0], [0], [1], [0, 0, 1, 1], [], []>, transpose_lhs_hint = false} : vector<64x128xf32>, vector<128x128xf32>, vector<64x128xf32> -> vector<64x128xf32>
    %get3A_197 = arith.constant 0 : index
    %get3A_198 = arith.constant 0 : index
    %get3A_199 = vector.load %arg22[%get3A_197, %get3A_198] : memref<1x128xf32, #tpu.memory_space<vmem>>, vector<1x128xf32>
    %add3A_200 = vector.broadcast %get3A_199 : vector<1x128xf32> to vector<64x128xf32>
    %add3A_201 = arith.addf %dot_general3A_196, %add3A_200 : vector<64x128xf32>
    %swap3A = arith.constant 0 : index
    %swap3A_202 = arith.constant 0 : index
    %swap3A_203 = vector.load %arg23[%swap3A, %swap3A_202] : memref<64x128xf32, #tpu.memory_space<vmem>>, vector<64x128xf32>
    tpu.vector_store %arg23[%swap3A, %swap3A_202], %add3A_201 {strides = array<i32>} : memref<64x128xf32, #tpu.memory_space<vmem>>, vector<64x128xf32>,
    return
  }
  func.func @transform_0(%arg0: i32) -> (i32, i32) {
    %add3A = arith.constant 0 : i32
    %add3A_0 = arith.addi %add3A, %arg0 : i32
    %c0_i32 = arith.constant 0 : i32
    %c0_i32_1 = arith.constant 0 : i32
    return %add3A_0, %c0_i32 : i32, i32
  }
  func.func @transform_1(%arg0: i32) -> (i32, i32) {
    %add3A = arith.constant 0 : i32
    %add3A_0 = arith.addi %add3A, %arg0 : i32
    %c0_i32 = arith.constant 0 : i32
    %c0_i32_1 = arith.constant 0 : i32
    return %add3A_0, %c0_i32 : i32, i32
  }
  func.func @transform_2(%arg0: i32) -> (i32, i32) {
    %c0_i32 = arith.constant 0 : i32
    %c0_i32_0 = arith.constant 0 : i32
    return %arg0, %c0_i32 : i32, i32
  }
  func.func @transform_3(%arg0: i32) -> (i32, i32) {
    %c0_i32 = arith.constant 0 : i32
    %c0_i32_0 = arith.constant 0 : i32
    return %arg0, %c0_i32 : i32, i32
  }
  func.func @transform_4(%arg0: i32) -> (i32, i32) {
    %c0_i32 = arith.constant 0 : i32
    %c0_i32_0 = arith.constant 0 : i32
    return %arg0, %c0_i32 : i32, i32
  }
  func.func @transform_5(%arg0: i32) -> (i32, i32) {
    %add3A = arith.constant 0 : i32
    %add3A_0 = arith.addi %add3A, %arg0 : i32
    %c0_i32 = arith.constant 0 : i32
    %c0_i32_1 = arith.constant 0 : i32
    return %add3A_0, %c0_i32 : i32, i32
  }
  func.func @transform_6(%arg0: i32) -> (i32, i32) {
    %add3A = arith.constant 0 : i32
    %add3A_0 = arith.addi %add3A, %arg0 : i32
    %c0_i32 = arith.constant 0 : i32
    %c0_i32_1 = arith.constant 0 : i32
    return %add3A_0, %c0_i32 : i32, i32
  }
  func.func @transform_7(%arg0: i32) -> (i32, i32) {
    %add3A = arith.constant 0 : i32
    %add3A_0 = arith.addi %add3A, %arg0 : i32
    %c0_i32 = arith.constant 0 : i32
    %c0_i32_1 = arith.constant 0 : i32
    return %add3A_0, %c0_i32 : i32, i32
  }
  func.func @transform_8(%arg0: i32) -> (i32, i32) {
    %add3A = arith.constant 0 : i32
    %add3A_0 = arith.addi %add3A, %arg0 : i32
    %c0_i32 = arith.constant 0 : i32
    %c0_i32_1 = arith.constant 0 : i32
    return %add3A_0, %c0_i32 : i32, i32
  }
  func.func @transform_9(%arg0: i32) -> (i32, i32) {
    %add3A = arith.constant 0 : i32
    %add3A_0 = arith.addi %add3A, %arg0 : i32
    %c0_i32 = arith.constant 0 : i32
    %c0_i32_1 = arith.constant 0 : i32
    return %add3A_0, %c0_i32 : i32, i32
  }
  func.func @transform_10(%arg0: i32) -> (i32, i32) {
    %c0_i32 = arith.constant 0 : i32
    %c0_i32_0 = arith.constant 0 : i32
    %c0_i32_1 = arith.constant 0 : i32
    return %c0_i32, %c0_i32_0 : i32, i32
  }
  func.func @transform_11(%arg0: i32) -> (i32, i32) {
    %c0_i32 = arith.constant 0 : i32
    %c0_i32_0 = arith.constant 0 : i32
    %c0_i32_1 = arith.constant 0 : i32
    return %c0_i32, %c0_i32_0 : i32, i32
  }
  func.func @transform_12(%arg0: i32) -> (i32, i32) {
    %c0_i32 = arith.constant 0 : i32
    %c0_i32_0 = arith.constant 0 : i32
    %c0_i32_1 = arith.constant 0 : i32
    return %c0_i32, %c0_i32_0 : i32, i32
  }
  func.func @transform_13(%arg0: i32) -> (i32, i32) {
    %c0_i32 = arith.constant 0 : i32
    %c0_i32_0 = arith.constant 0 : i32
    %c0_i32_1 = arith.constant 0 : i32
    return %c0_i32, %c0_i32_0 : i32, i32
  }
  func.func @transform_14(%arg0: i32) -> (i32, i32) {
    %c0_i32 = arith.constant 0 : i32
    %c0_i32_0 = arith.constant 0 : i32
    %c0_i32_1 = arith.constant 0 : i32
    return %c0_i32, %c0_i32_0 : i32, i32
  }
  func.func @transform_15(%arg0: i32) -> (i32, i32) {
    %c0_i32 = arith.constant 0 : i32
    %c0_i32_0 = arith.constant 0 : i32
    %c0_i32_1 = arith.constant 0 : i32
    return %c0_i32, %c0_i32_0 : i32, i32
  }
  func.func @transform_16(%arg0: i32) -> (i32, i32) {
    %c0_i32 = arith.constant 0 : i32
    %c0_i32_0 = arith.constant 0 : i32
    %c0_i32_1 = arith.constant 0 : i32
    return %c0_i32, %c0_i32_0 : i32, i32
  }
  func.func @transform_17(%arg0: i32) -> (i32, i32) {
    %c0_i32 = arith.constant 0 : i32
    %c0_i32_0 = arith.constant 0 : i32
    %c0_i32_1 = arith.constant 0 : i32
    return %c0_i32, %c0_i32_0 : i32, i32
  }
  func.func @transform_18(%arg0: i32) -> (i32, i32) {
    %c0_i32 = arith.constant 0 : i32
    %c0_i32_0 = arith.constant 0 : i32
    %c0_i32_1 = arith.constant 0 : i32
    return %c0_i32, %c0_i32_0 : i32, i32
  }
  func.func @transform_19(%arg0: i32) -> (i32, i32) {
    %c0_i32 = arith.constant 0 : i32
    %c0_i32_0 = arith.constant 0 : i32
    %c0_i32_1 = arith.constant 0 : i32
    return %c0_i32, %c0_i32_0 : i32, i32
  }
  func.func @transform_20(%arg0: i32) -> (i32, i32) {
    %c0_i32 = arith.constant 0 : i32
    %c0_i32_0 = arith.constant 0 : i32
    %c0_i32_1 = arith.constant 0 : i32
    return %c0_i32, %c0_i32_0 : i32, i32
  }
  func.func @transform_21(%arg0: i32) -> (i32, i32) {
    %c0_i32 = arith.constant 0 : i32
    %c0_i32_0 = arith.constant 0 : i32
    %c0_i32_1 = arith.constant 0 : i32
    return %c0_i32, %c0_i32_0 : i32, i32
  }
  func.func @transform_22(%arg0: i32) -> (i32, i32) {
    %c0_i32 = arith.constant 0 : i32
    %c0_i32_0 = arith.constant 0 : i32
    return %arg0, %c0_i32 : i32, i32
  }
}

</mosaic_0001>

<sc_bundles>
// kernel: kernel.10.cloned.1.call-start
scs
__scs_entry_jumppad:
0x0: {  	(pc) =	sbr.rel $0x88, $3  }
0x1: {  	(tag) =	ssettag $0x0;
	lr =	simm.s32 $0x1  }
0x2: {  	[smem:$0x3F89] =	sst lr;
	_ =	strace $0xD0000000  }
0x3: {  	_ = 	snop  }
0x4: {  	_ = 	snop  }
0x5: {  	_ = 	snop  }
0x6: {  	_ = 	snop  }
0x7: {  	_ = 	snop  }
__scs_overlays_trampoline_lowered:
0x8: {  	[smem:$0x3F98] =	sst s0  }
0x9: {  	[smem:$0x3F99] =	sst s1  }
0xa: {  	[smem:$0x3F9A] =	sst s2  }
0xb: {  	[smem:$0x3F9B] =	sst s3  }
0xc: {  	[smem:$0x3F9C] =	sst s4  }
0xd: {  	[smem:$0x3F9D] =	sst s5  }
0xe: {  	[smem:$0x3F9E] =	sst s6  }
0xf: {  	[smem:$0x3F9F] =	sst s7  }
0x10: {  	[smem:$0x3FA0] =	sst s8  }
0x11: {  	[smem:$0x3FA1] =	sst s9;
	s0 =	simm.s32 @!p0 $0x0  }
0x12: {  	s1 =	sld [smem:$0x3F87];
	s0 =	simm.s32 @p0 $0x1  }
0x13: {  	[smem:$0x3FA2] =	sst s0;
	s0 =	simm.s32 @!p1 $0x0  }
0x14: {  	s2 =	sld [smem:$0x3F86];
	s0 =	simm.s32 @p1 $0x1  }
0x15: {  	[smem:$0x3FA3] =	sst s0;
	s0 =	simm.s32 @!p2 $0x0  }
0x16: {  	s3 =	sld [smem:$0x3FDB];
	s0 =	simm.s32 @p2 $0x1  }
0x17: {  	s4 =	simm.s32 $0x1BF5;
	[smem:$0x3FA5] =	sst s0  }
0x18: {  	s0 =	sld [smem:$0x3F88];
	_ =	swait.ge [sflag:s4], $0x0  }
0x19: {  	s7 =	sld [smem:$0x3F89]  }
0x1a: {  	s8 =	sadd.s32 $0xFFFFE003, lr  }
0x1b: {  	s9 =	sadd.s32 $0xFFFFFEF7, lr;
	s5 =	simm.s32 $0xFFFFFFFF;
	p2 =	slt.u32 s8, $0xFFFFF086  }
0x1c: {  	p1 =	slt.u32 s9, $0xF7A;
	s5 =	simm.s32 @!p2 $0x0  }
0x1d: {  	s5 =	simm.s32 @p1 $0x1;
	p0 =	seq.s32 s7, s2  }
0x1e: {  	s7 =	smul.u32 @!p0 $0xF7A, s2;
	p2 =	seq.s32 @!p0 s5, $0x0  }
0x1f: {  	s9 =	smul.u32 $0xF7A, s1;
	s8 =	simm.s32 @!p0 $0x1BF5;
	p2 =	por !p2, p0  }
0x20: {  	[sflag:s8] =	ssyncset.s32 @!p0 $0xFFFFF086;
	s6 =	sadd.s32 @!p0 s3, s7;
	s7 =	simm.s32 @!p0 $0x108  }
0x21: {  	s3 =	sadd.s32 s3, s9;
	s6 =	sadd.s32 @!p0 $0x88, s6;
	s7 =	simm.s32 @p2 $0x1082  }
0x22: {  	[simem:s7], [sflag:s8] =	dma.local @!p0 [hbm:s6], $0xF7A  }
0x23: {  	s9 =	sor.u32 $0xD0000000, s2;
	s6 =	simm.s32 $0x108;
	_ =	swait.ge @!p0 [sflag:s8], $0x0  }
0x24: {  	s3 =	sadd.s32 $0x88, s3;
	s6 =	simm.s32 @!p1 $0x1082;
	[sflag:s4] =	ssyncset.s32 $0xFFFFF086  }
0x25: {  	[simem:s6], [sflag:s4] =	dma.local [hbm:s3], $0xF7A  }
0x26: {  	[smem:$0x3F89] =	sst s1;
	(tag) =	ssettag s2;
	_ =	strace s9  }
0x27: {  	s1 =	sld [smem:$0x3F99]  }
0x28: {  	s2 =	sld [smem:$0x3F9A]  }
0x29: {  	s4 =	sld [smem:$0x3F9C]  }
0x2a: {  	p0 =	seq.s32 s5, $0x0;
	s5 =	sld [smem:$0x3F9D]  }
0x2b: {  	s6 =	sld [smem:$0x3F9E]  }
0x2c: {  	s7 =	sld [smem:$0x3F9F]  }
0x2d: {  	s3 =	simm.s32 $0x108;
	s8 =	sld [smem:$0x3FA0]  }
0x2e: {  	s3 =	simm.s32 @!p0 $0x1082;
	s9 =	sld [smem:$0x3FA1]  }
0x2f: {  	lr =	sadd.s32 s0, s3;
	s0 =	sld [smem:$0x3F98]  }
0x30: {  	s3 =	sld [smem:$0x3F9B]  }
0x31: {  	[smem:$0x3FA4] =	sst s10  }
0x32: {  	s10 =	sld [smem:$0x3FA2];
	_ =	sdelay $0x3  }
0x33: {  	p0 =	seq.s32 s10, $0x1;
	s10 =	sld [smem:$0x3FA4];
	_ =	sdelay $0x3  }
0x34: {  	[smem:$0x3FA4] =	sst s10  }
0x35: {  	s10 =	sld [smem:$0x3FA3];
	_ =	sdelay $0x3  }
0x36: {  	p1 =	seq.s32 s10, $0x1;
	s10 =	sld [smem:$0x3FA4];
	_ =	sdelay $0x3  }
0x37: {  	[smem:$0x3FA4] =	sst s10  }
0x38: {  	s10 =	sld [smem:$0x3FA5]  }
0x39: {  	_ = 	snop;
	(pc) =	sbr.ind lr, $3  }
0x3a: {  	_ = 	snop  }
0x3b: {  	_ = 	snop  }
0x3c: {  	p2 =	seq.s32 s10, $0x1;
	s10 =	sld [smem:$0x3FA4]  }
0x3d: {  	_ =	shalt  }
0x3e: {  	_ =	shalt  }
0x3f: {  	_ =	shalt  }
0x40: {  	_ =	shalt  }
0x41: {  	_ =	shalt  }
0x42: {  	_ =	shalt  }
0x43: {  	_ =	shalt  }
0x44: {  	_ =	shalt  }
0x45: {  	_ =	shalt  }
0x46: {  	_ =	shalt  }
0x47: {  	_ =	shalt  }
0x48: {  	_ =	shalt  }
0x49: {  	_ =	shalt  }
0x4a: {  	_ =	shalt  }
0x4b: {  	_ =	shalt  }
0x4c: {  	_ =	shalt  }
0x4d: {  	_ =	shalt  }
0x4e: {  	_ =	shalt  }
0x4f: {  	_ =	shalt  }
0x50: {  	_ =	shalt  }
0x51: {  	_ =	shalt  }
0x52: {  	_ =	shalt  }
0x53: {  	_ =	shalt  }
0x54: {  	_ =	shalt  }
0x55: {  	_ =	shalt  }
0x56: {  	_ =	shalt  }
0x57: {  	_ =	shalt  }
0x58: {  	_ =	shalt  }
0x59: {  	_ =	shalt  }
0x5a: {  	_ =	shalt  }
0x5b: {  	_ =	shalt  }
0x5c: {  	_ =	shalt  }
0x5d: {  	_ =	shalt  }
0x5e: {  	_ =	shalt  }
0x5f: {  	_ =	shalt  }
0x60: {  	_ =	shalt  }
0x61: {  	_ =	shalt  }
0x62: {  	_ =	shalt  }
0x63: {  	_ =	shalt  }
0x64: {  	_ =	shalt  }
0x65: {  	_ =	shalt  }
0x66: {  	_ =	shalt  }
0x67: {  	_ =	shalt  }
0x68: {  	_ =	shalt  }
0x69: {  	_ =	shalt  }
0x6a: {  	_ =	shalt  }
0x6b: {  	_ =	shalt  }
0x6c: {  	_ =	shalt  }
0x6d: {  	_ =	shalt  }
0x6e: {  	_ =	shalt  }
0x6f: {  	_ =	shalt  }
0x70: {  	_ =	shalt  }
0x71: {  	_ =	shalt  }
0x72: {  	_ =	shalt  }
0x73: {  	_ =	shalt  }
0x74: {  	_ =	shalt  }
0x75: {  	_ =	shalt  }
0x76: {  	_ =	shalt  }
0x77: {  	_ =	shalt  }
0x78: {  	_ =	shalt  }
0x79: {  	_ =	shalt  }
0x7a: {  	_ =	shalt  }
0x7b: {  	_ =	shalt  }
0x7c: {  	_ =	shalt  }
0x7d: {  	_ =	shalt  }
0x7e: {  	_ =	shalt  }
0x7f: {  	_ =	shalt  }
0x80: {  	_ =	shalt  }
0x81: {  	_ =	shalt  }
0x82: {  	_ =	shalt  }
0x83: {  	_ =	shalt  }
0x84: {  	_ =	shalt  }
0x85: {  	_ =	shalt  }
0x86: {  	_ =	shalt  }
0x87: {  	_ =	shalt  }
.Lfunc_end0:
.L_simem_size_0:
called_computation.2_lowered:
.L_overlay_start_0:
0x88: {  	s2 =	sld [smem:$0x3FD9]  }
0x89: {  	s3 =	sld [smem:$0x3FFE];
	_ =	sdelay $0x1  }
0x8a: {  	s1 =	srdreg.scid  }
0x8b: {  	s0 =	sand.u32 $0x1, s1  }
0x8c: {  	s17 =	sshll.u32 s0, $0xA;
	s2 =	sadd.s32 s3, s2  }
0x8d: {  	s2 =	sadd.s32 s2, s17  }
0x8e: {  	[smem:$0x3FB0] =	sst s2  }
0x8f: {  	_ = 	snop  }
0x90: {  	s18 =	sld [smem:$0x3FD0];
	(tm) =	ssettm $0x1  }
0x91: {  	s19 =	sld [smem:$0x3FFB];
	_ =	sdelay $0x3  }
0x92: {  	_ =	strace s19  }
0x93: {  	s2 =	sld [smem:$0x3FFC];
	_ =	sdelay $0x3  }
0x94: {  	_ =	strace s2  }
0x95: {  	s2 =	sld [smem:$0x3FFD];
	_ =	sdelay $0x3  }
0x96: {  	_ =	strace s2  }
0x97: {  	_ =	strace $0x8FFFFFFF  }
0x98: {  	s20 =	sld [smem:$0x3FDB];
	_ =	sdelay $0x1  }
0x99: {  	s4 =	simm.s32 $_scs_section_size  }
0x9a: {  	s5 =	simm.s32 $_size__tile_overlayer_lowered;
	s6 =	simm.s32 $_tile_overlayer_lowered  }
0x9b: {  	s7 =	simm.s32 $0x1BFF;
	s21 =	sshll.u32 s6, $0x1;
	s4 =	sadd.s32 s4, s20  }
0x9c: {  	s22 =	simm.s32 $0x0;
	s5 =	sshll.u32 s5, $0x1;
	s6 =	sadd.s32 s21, s4  }
0x9d: {  	[timem:s22], [sflag:s7] =	dma.local [hbm:s6], s5  }
0x9e: {  	_ =	swait.ge [sflag:s7], s5  }
0x9f: {  	s5 =	ssub.s32 $0x0, s5;
	[sflag:s7] =	ssyncset.done $0x0  }
0xa0: {  	[sflag:s7] =	ssyncadd.s32 s5;
	_ =	sdelay $0x1  }
0xa1: {  	s23 =	simm.s32 $0x1B8B  }
0xa2: {  	_ =	swait.ge [sflag:s23], $0x1  }
0xa3: {  	[sflag:s23] =	ssyncset.done $0x0  }
0xa4: {  	[sflag:s23] =	ssyncadd.s32 $0xFFFFFFFF  }
0xa5: {  	s5 =	sld [smem:$0x0]  }
0xa6: {  	s6 =	sand.u32 $0xFFFFFFFE, s1  }
0xa7: {  	p0 =	sne.s32 s1, s6  }
0xa8: {  	s6 =	sshll.u32 @p0 s6, $0xE  }
0xa9: {  	s6 =	sadd.s32 @p0 $0x11B8D, s6;
	s7 =	sshll.u32 @p0 s5, $0x11  }
0xaa: {  	s6 =	sor.u32 @p0 s7, s6  }
0xab: {  	[sflag:s6] =	ssyncadd.remote.s32 @p0 $0x1;
	_ =	sdelay $0x1  }
0xac: {  	s6 =	simm.s32 @p0 $0x1B8D  }
0xad: {  	_ =	swait.eq @p0 [sflag:s6], $0x1  }
0xae: {  	[sflag:s6] =	ssyncadd.s32 @p0 $0xFFFFFFFF  }
0xaf: {  	s7 =	sshll.u32 @!p0 s1, $0xE  }
0xb0: {  	s7 =	sor.u32 @!p0 $0x4000, s7;
	s6 =	simm.s32 @!p0 $0x1B8D  }
0xb1: {  	s5 =	sshll.u32 @!p0 s5, $0x11;
	s7 =	sadd.s32 @!p0 $0x11B8D, s7;
	_ =	swait.eq @!p0 [sflag:s6], $0x1  }
0xb2: {  	s5 =	sor.u32 @!p0 s5, s7;
	[sflag:s6] =	ssyncadd.s32 @!p0 $0xFFFFFFFF  }
0xb3: {  	s25 =	simm.s32 $0x1B8E;
	s24 =	sld [smem:$0x3FFE];
	[sflag:s5] =	ssyncadd.remote.s32 @!p0 $0x1  }
0xb4: {  	s26 =	simm.s32 $execute0_lowered;
	[smem:$0x3FD2] =	sst s25  }
0xb5: {  	s6 =	sshll.u32 s26, $0x1;
	_ =	strace $0x80000049;
	[dreg:$0x1] =	wrdreg $0xFFFFFFFF  }
0xb6: {  	s28 =	simm.s32 $_size_execute0_lowered;
	s4 =	sadd.s32 s4, s6;
	[dreg:$0x0] =	wrdreg $0x0  }
0xb7: {  	s6 =	sshll.u32 s28, $0x1;
	[dreg:$0x2] =	wrdreg s4  }
0xb8: {  	[dreg:$0x3] =	wrdreg s6  }
0xb9: {  	[dreg:$0x4] =	wrdreg $0xC0  }
0xba: {  	_ =	task [dreg:s22], $0x5FFFF  }
0xbb: {  	[dreg:$0x1] =	wrdreg $0xFFFFFFFF  }
0xbc: {  	[dreg:$0x0] =	wrdreg $0x60  }
0xbd: {  	[dreg:$0x2] =	wrdreg s18  }
0xbe: {  	[dreg:$0x3] =	wrdreg s24  }
0xbf: {  	[dreg:$0x4] =	wrdreg $0xB  }
0xc0: {  	_ =	task.clear_ibuf [dreg:s22], $0x5FFFF;
	_ =	strace $0x90000049  }
0xc1: {  	s29 =	simm.s32 $0xB;
	_ =	strace $0x8000004B  }
0xc2: {  	_ =	swait.ge [sflag:s29], $0x1  }
0xc3: {  	[sflag:s29] =	ssyncadd.s32 $0xFFFFFFFF  }
0xc4: {  	_ =	strace $0x9000004B  }
0xc5: {  	_ =	sfence  }
0xc6: {  	s30 =	sld [smem:$0x0];
	_ =	sdelay $0x2  }
0xc7: {  	s31 =	sshll.u32 s1, $0xD;
	s1 =	sshrl.u32 s1, $0x2  }
0xc8: {  	s4 =	sand.u32 $0x4000, s31;
	s1 =	sadd.s32 s1, s30  }
0xc9: {  	s0 =	sor.u32 s4, s0;
	s1 =	sshll.u32 s1, $0x11  }
0xca: {  	s0 =	sor.u32 s1, s0  }
0xcb: {  	s0 =	sadd.s32 $0x8F2B, s0  }
0xcc: {  	[sflag:s0] =	ssyncadd.remote.s32 $0x1  }
0xcd: {  	_ =	sfence.sel $0xFFFF  }
0xce: {  	[dreg:$0x0] =	wrdreg $0xFFFFFFFF;
	(pc) =	sbr.abs _section_cstart, $3  }
0xcf: {  	[dreg:$0x1] =	wrdreg $0xFFFFFFFF  }
0xd0: {  	_ =	task.clear_ibuf [dreg:s22], $0x2FFFF;
	_ =	strace $0x9FFFFFFF  }
0xd1: {  	(tm) =	ssettm $0x7FFFFFFF  }
tec
execute0_lowered:
.L_overlay_start_1:
0x0: {  	(tag) =	ssettag $0x1  }
0x1: {  	s1 =	rddreg [dreg:$0x0]  }
0x2: {  	s0 =	rddreg [dreg:$0x1]  }
0x3: {  	s2 =	srdreg.scid;
	s3 =	simm.s32 $0x0;
	s6 =	stileid.u32  }
0x4: {  	s15 =	simm.s32 $0x40;
	s16 =	simm.s32 $0x6000;
	s17 =	simm.s32 $0x8000  }
0x5: {  	s18 =	simm.s32 $0xA000;
	s20 =	simm.s32 $0x12000;
	s29 =	simm.s32 $0x14000  }
0x6: {  	s31 =	simm.s32 $0x16000;
	s19 =	simm.s32 $0x1A000;
	s2 =	sand.u32 $0x1, s2  }
0x7: {  	s28 =	simm.s32 $0x4;
	s4 =	sshll.u32 s6, $0xB;
	s5 =	sshll.u32 s2, $0xA  }
0x8: {  	[smem:$0x7FF] =	sst s3;
	s21 =	sshll.u32 s6, $0x11;
	s4 =	sor.u32 s5, s4  }
0x9: {  	s6 =	simm.s32 $0x0;
	_ =	strace $0x8000004A;
	s4 =	sadd.s32 s4, s0  }
0xa: {  	s22 =	ssub.s32 $0x2, s2;
	s10 =	sshll.u32 s2, $0x10;
	s7 =	sadd.s32 $0x394600, s4  }
0xb: {  	s23 =	sshrl.u32 s22, $0x1;
	s24 =	sadd.s32 $0x3A4600, s4;
	[dreg:$0x3] =	wrdreg s7  }
0xc: {  	s5 =	ssub.s32 s22, s23;
	s4 =	sadd.s32 $0x39C600, s4;
	[dreg:$0x4] =	wrdreg s24  }
0xd: {  	s0 =	sadd.s32 s21, s0;
	s25 =	smax.u32 s5, $0x1;
	[dreg:$0x5] =	wrdreg s4  }
0xe: {  	s2 =	simm.s32 $0x18000;
	s26 =	sadd.s32 $0x7AC600, s0;
	[dreg:$0x6] =	wrdreg s25  }
0xf: {  	s22 =	simm.s32 $0xC000;
	s30 =	sadd.s32 $0x5AC600, s0;
	[dreg:$0x7] =	wrdreg s26  }
0x10: {  	s21 =	simm.s32 $0x1C000;
	s0 =	sadd.s32 $0x3AC600, s0;
	[dreg:$0x8] =	wrdreg s30  }
0x11: {  	s23 =	simm.s32 $0x2;
	[dreg:$0x9] =	wrdreg s0;
	s24 =	simm.s32 $0xE000  }
0x12: {  	s26 =	simm.s32 $0x10000;
	s0 =	simm.s32 $0x1;
	s25 =	simm.s32 $0x3  }
.LBB2_1:
0x13: {  	[dreg:$0xa] =	wrdreg s6  }
0x14: {  	s4 =	rddreg [dreg:$0x3];
	s5 =	simm.s32 $0x9  }
0x15: {  	[tilespmem:s3], [sflag:$0x9] =	stream.linear.gather [hbm4b:s4+s3], $0x2000, $0x38;
	[tilespmem:$0x1E000] =	vst v63  }
0x16: {  	_ =	swait.ge [sflag:s5], $0x2000  }
0x17: {  	[sflag:s5] =	ssyncset.done $0x0  }
0x18: {  	s14 =	simm.s32 $0x2000;
	s13 =	rddreg [dreg:$0x4];
	[sflag:s5] =	ssyncadd.s32 $0xFFFFE000  }
0x19: {  	[tilespmem:s14], [sflag:$0x9] =	stream.linear.gather [hbm4b:s13+s3], $0x2000, $0x38;
	[tilespmem:$0x1E000] =	vst v63  }
0x1a: {  	_ =	swait.ge [sflag:s5], $0x2000  }
0x1b: {  	[sflag:s5] =	ssyncset.done $0x0  }
0x1c: {  	s7 =	simm.s32 $0x4000;
	s30 =	rddreg [dreg:$0x5];
	[sflag:s5] =	ssyncadd.s32 $0xFFFFE000  }
0x1d: {  	[tilespmem:s7], [sflag:$0x9] =	stream.linear.gather [hbm4b:s30+s3], $0x2000, $0x38;
	[tilespmem:$0x1E000] =	vst v63  }
0x1e: {  	_ =	swait.ge [sflag:s5], $0x2000  }
0x1f: {  	[sflag:s5] =	ssyncset.done $0x0  }
0x20: {  	[sflag:s5] =	ssyncadd.s32 $0xFFFFE000  }
0x21: {  	[tilespmem:s16], [sflag:$0x1] =	stream.indirect.gather [hbm4b:s1+s15], $0x80, s3, s15, $0xb8;
	[tilespmem:$0x1E000] =	vst v63  }
0x22: {  	_ = 	snop  }
0x23: {  	[tilespmem:s17], [sflag:$0x1] =	stream.indirect.gather [hbm4b:s1+s15], $0x80, s14, s15, $0xb8;
	[tilespmem:$0x1E000] =	vst v63  }
0x24: {  	_ = 	snop  }
0x25: {  	[tilespmem:s18], [sflag:$0x1] =	stream.indirect.gather [hbm4b:s1+s15], $0x80, s7, s15, $0xb8;
	[tilespmem:$0x1E000] =	vst v63  }
0x26: {  	s5 =	simm.s32 $0x80  }
0x27: {  	[tilespmem:s22], [sflag:$0x2] =	stream.indirect.gather [hbm4b:s1+s15], $0x80, s5, s15, $0xb8;
	[tilespmem:$0x1E000] =	vst v63  }
0x28: {  	s6 =	simm.s32 $0x2080  }
0x29: {  	[tilespmem:s24], [sflag:$0x2] =	stream.indirect.gather [hbm4b:s1+s15], $0x80, s6, s15, $0xb8;
	[tilespmem:$0x1E000] =	vst v63  }
0x2a: {  	s7 =	simm.s32 $0x4080  }
0x2b: {  	[tilespmem:s26], [sflag:$0x2] =	stream.indirect.gather [hbm4b:s1+s15], $0x80, s7, s15, $0xb8;
	[tilespmem:$0x1E000] =	vst v63  }
0x2c: {  	s8 =	simm.s32 $0x100  }
0x2d: {  	[tilespmem:s20], [sflag:$0x3] =	stream.indirect.gather [hbm4b:s1+s15], $0x80, s8, s15, $0xb8;
	[tilespmem:$0x1E000] =	vst v63  }
0x2e: {  	s9 =	simm.s32 $0x2100  }
0x2f: {  	[tilespmem:s29], [sflag:$0x3] =	stream.indirect.gather [hbm4b:s1+s15], $0x80, s9, s15, $0xb8;
	[tilespmem:$0x1E000] =	vst v63  }
0x30: {  	s11 =	simm.s32 $0x4100  }
0x31: {  	[tilespmem:s31], [sflag:$0x3] =	stream.indirect.gather [hbm4b:s1+s15], $0x80, s11, s15, $0xb8;
	[tilespmem:$0x1E000] =	vst v63  }
0x32: {  	_ =	swait.ge [sflag:s0], $0x2000  }
0x33: {  	[sflag:s0] =	ssyncset.done $0x0  }
0x34: {  	[sflag:s0] =	ssyncadd.s32 $0xFFFFE000  }
0x35: {  	_ =	swait.ge [sflag:s0], $0x2000  }
0x36: {  	[sflag:s0] =	ssyncset.done $0x0  }
0x37: {  	[sflag:s0] =	ssyncadd.s32 $0xFFFFE000  }
0x38: {  	_ =	swait.ge [sflag:s0], $0x2000  }
0x39: {  	p0 =	por $0x1, $0x1;
	[sflag:s0] =	ssyncset.done $0x0  }
0x3a: {  	s4 =	simm.s32 @!p0 $0x8;
	[sflag:s0] =	ssyncadd.s32 $0xFFFFE000  }
0x3b: {  	_ =	swait.ge @!p0 [sflag:s4], $0x2000  }
0x3c: {  	[sflag:s4] =	ssyncset.done @!p0 $0x0  }
0x3d: {  	[sflag:s4] =	ssyncadd.s32 @!p0 $0xFFFFE000  }
0x3e: {  	_ =	swait.ge @!p0 [sflag:s4], $0x2000  }
0x3f: {  	[sflag:s4] =	ssyncset.done @!p0 $0x0  }
0x40: {  	[sflag:s4] =	ssyncadd.s32 @!p0 $0xFFFFE000  }
0x41: {  	_ =	swait.ge @!p0 [sflag:s4], $0x2000  }
0x42: {  	[sflag:s4] =	ssyncset.done @!p0 $0x0  }
0x43: {  	s12 =	simm.s32 $0x180;
	[sflag:s4] =	ssyncadd.s32 @!p0 $0xFFFFE000  }
0x44: {  	[tilespmem:s2], [sflag:$0x4] =	stream.indirect.gather [hbm4b:s1+s15], $0x80, s12, s15, $0xb8;
	[tilespmem:$0x1E000] =	vst v63  }
0x45: {  	s13 =	simm.s32 $0x2180  }
0x46: {  	[tilespmem:s19], [sflag:$0x4] =	stream.indirect.gather [hbm4b:s1+s15], $0x80, s13, s15, $0xb8;
	[tilespmem:$0x1E000] =	vst v63  }
0x47: {  	s14 =	simm.s32 $0x4180;
	s13 =	rddreg [dreg:$0x9]  }
0x48: {  	[tilespmem:s21], [sflag:$0x4] =	stream.indirect.gather [hbm4b:s1+s15], $0x80, s14, s15, $0xb8;
	[tilespmem:$0x1E000] =	vst v63  }
0x49: {  	s12 =	rddreg [dreg:$0x8];
	s5 =	sadd.s32 s13, s10  }
0x4a: {  	[hbm4b:s5+s3] =	stream.linear.scatter [tilespmem:s16], [sflag:$0x5], $0x2000, $0x38;
	[tilespmem:$0x1E000] =	vst v63  }
0x4b: {  	s11 =	rddreg [dreg:$0x7];
	s6 =	sadd.s32 s12, s10  }
0x4c: {  	[hbm4b:s6+s3] =	stream.linear.scatter [tilespmem:s17], [sflag:$0x5], $0x2000, $0x38;
	[tilespmem:$0x1E000] =	vst v63  }
0x4d: {  	s4 =	sadd.s32 s11, s10  }
0x4e: {  	[hbm4b:s4+s3] =	stream.linear.scatter [tilespmem:s18], [sflag:$0x5], $0x2000, $0x38;
	[tilespmem:$0x1E000] =	vst v63  }
0x4f: {  	_ =	swait.ge [sflag:s23], $0x2000  }
0x50: {  	[sflag:s23] =	ssyncset.done $0x0  }
0x51: {  	[sflag:s23] =	ssyncadd.s32 $0xFFFFE000  }
0x52: {  	_ =	swait.ge [sflag:s23], $0x2000  }
0x53: {  	[sflag:s23] =	ssyncset.done $0x0  }
0x54: {  	[sflag:s23] =	ssyncadd.s32 $0xFFFFE000  }
0x55: {  	_ =	swait.ge [sflag:s23], $0x2000  }
0x56: {  	p0 =	por $0x0, $0x0;
	[sflag:s23] =	ssyncset.done $0x0  }
0x57: {  	s7 =	simm.s32 @!p0 $0x5;
	[sflag:s23] =	ssyncadd.s32 $0xFFFFE000  }
0x58: {  	_ =	swait.ge @!p0 [sflag:s7], $0x2000  }
0x59: {  	[sflag:s7] =	ssyncset.done @!p0 $0x0  }
0x5a: {  	[sflag:s7] =	ssyncadd.s32 @!p0 $0xFFFFE000  }
0x5b: {  	_ =	swait.ge @!p0 [sflag:s7], $0x2000  }
0x5c: {  	[sflag:s7] =	ssyncset.done @!p0 $0x0  }
0x5d: {  	[sflag:s7] =	ssyncadd.s32 @!p0 $0xFFFFE000  }
0x5e: {  	_ =	swait.ge @!p0 [sflag:s7], $0x2000  }
0x5f: {  	s8 =	simm.s32 @!p0 $0x200;
	[sflag:s7] =	ssyncset.done @!p0 $0x0  }
0x60: {  	s9 =	simm.s32 @!p0 $0x6000;
	[sflag:s7] =	ssyncadd.s32 @!p0 $0xFFFFE000;
	s7 =	simm.s32 @!p0 $0x40  }
0x61: {  	[tilespmem:s9], [sflag:$0x1] =	stream.indirect.gather @!p0 [hbm4b:s1+s7], $0x80, s8, s7, $0xb8;
	[tilespmem:$0x1E000] =	vst v63  }
0x62: {  	s8 =	simm.s32 @!p0 $0x2200;
	s9 =	simm.s32 @!p0 $0x8000  }
0x63: {  	[tilespmem:s9], [sflag:$0x1] =	stream.indirect.gather @!p0 [hbm4b:s1+s7], $0x80, s8, s7, $0xb8;
	[tilespmem:$0x1E000] =	vst v63  }
0x64: {  	s8 =	simm.s32 @!p0 $0x4200;
	s9 =	simm.s32 @!p0 $0xA000  }
0x65: {  	[tilespmem:s9], [sflag:$0x1] =	stream.indirect.gather @!p0 [hbm4b:s1+s7], $0x80, s8, s7, $0xb8;
	[tilespmem:$0x1E000] =	vst v63  }
0x66: {  	s30 =	sadd.s32 $0x400, s5  }
0x67: {  	[hbm4b:s30+s3] =	stream.linear.scatter [tilespmem:s22], [sflag:$0x6], $0x2000, $0x38;
	[tilespmem:$0x1E000] =	vst v63  }
0x68: {  	s9 =	sadd.s32 $0x400, s6  }
0x69: {  	[hbm4b:s9+s3] =	stream.linear.scatter [tilespmem:s24], [sflag:$0x6], $0x2000, $0x38;
	[tilespmem:$0x1E000] =	vst v63  }
0x6a: {  	s14 =	sadd.s32 $0x400, s4  }
0x6b: {  	[hbm4b:s14+s3] =	stream.linear.scatter [tilespmem:s26], [sflag:$0x6], $0x2000, $0x38;
	[tilespmem:$0x1E000] =	vst v63  }
0x6c: {  	_ =	swait.ge [sflag:s25], $0x2000  }
0x6d: {  	[sflag:s25] =	ssyncset.done $0x0  }
0x6e: {  	[sflag:s25] =	ssyncadd.s32 $0xFFFFE000  }
0x6f: {  	_ =	swait.ge [sflag:s25], $0x2000  }
0x70: {  	[sflag:s25] =	ssyncset.done $0x0  }
0x71: {  	[sflag:s25] =	ssyncadd.s32 $0xFFFFE000  }
0x72: {  	_ =	swait.ge [sflag:s25], $0x2000  }
0x73: {  	[sflag:s25] =	ssyncset.done $0x0  }
0x74: {  	s8 =	simm.s32 @!p0 $0x6;
	[sflag:s25] =	ssyncadd.s32 $0xFFFFE000  }
0x75: {  	_ =	swait.ge @!p0 [sflag:s8], $0x2000  }
0x76: {  	[sflag:s8] =	ssyncset.done @!p0 $0x0  }
0x77: {  	[sflag:s8] =	ssyncadd.s32 @!p0 $0xFFFFE000  }
0x78: {  	_ =	swait.ge @!p0 [sflag:s8], $0x2000  }
0x79: {  	[sflag:s8] =	ssyncset.done @!p0 $0x0  }
0x7a: {  	[sflag:s8] =	ssyncadd.s32 @!p0 $0xFFFFE000  }
0x7b: {  	_ =	swait.ge @!p0 [sflag:s8], $0x2000  }
0x7c: {  	[sflag:s8] =	ssyncset.done @!p0 $0x0  }
0x7d: {  	s9 =	simm.s32 @!p0 $0x280;
	[sflag:s8] =	ssyncadd.s32 @!p0 $0xFFFFE000;
	s8 =	simm.s32 @!p0 $0xC000  }
0x7e: {  	[tilespmem:s8], [sflag:$0x2] =	stream.indirect.gather @!p0 [hbm4b:s1+s7], $0x80, s9, s7, $0xb8;
	[tilespmem:$0x1E000] =	vst v63  }
0x7f: {  	s8 =	simm.s32 @!p0 $0x2280;
	s9 =	simm.s32 @!p0 $0xE000  }
0x80: {  	[tilespmem:s9], [sflag:$0x2] =	stream.indirect.gather @!p0 [hbm4b:s1+s7], $0x80, s8, s7, $0xb8;
	[tilespmem:$0x1E000] =	vst v63  }
0x81: {  	s8 =	simm.s32 @!p0 $0x4280;
	s9 =	simm.s32 @!p0 $0x10000  }
0x82: {  	[tilespmem:s9], [sflag:$0x2] =	stream.indirect.gather @!p0 [hbm4b:s1+s7], $0x80, s8, s7, $0xb8;
	[tilespmem:$0x1E000] =	vst v63  }
0x83: {  	s22 =	sadd.s32 $0x800, s5  }
0x84: {  	[hbm4b:s22+s3] =	stream.linear.scatter [tilespmem:s20], [sflag:$0x7], $0x2000, $0x38;
	[tilespmem:$0x1E000] =	vst v63  }
0x85: {  	s24 =	sadd.s32 $0x800, s6  }
0x86: {  	[hbm4b:s24+s3] =	stream.linear.scatter [tilespmem:s29], [sflag:$0x7], $0x2000, $0x38;
	[tilespmem:$0x1E000] =	vst v63  }
0x87: {  	s26 =	sadd.s32 $0x800, s4  }
0x88: {  	[hbm4b:s26+s3] =	stream.linear.scatter [tilespmem:s31], [sflag:$0x7], $0x2000, $0x38;
	[tilespmem:$0x1E000] =	vst v63  }
0x89: {  	_ =	swait.ge [sflag:s28], $0x2000  }
0x8a: {  	[sflag:s28] =	ssyncset.done $0x0  }
0x8b: {  	[sflag:s28] =	ssyncadd.s32 $0xFFFFE000  }
0x8c: {  	_ =	swait.ge [sflag:s28], $0x2000  }
0x8d: {  	[sflag:s28] =	ssyncset.done $0x0  }
0x8e: {  	[sflag:s28] =	ssyncadd.s32 $0xFFFFE000  }
0x8f: {  	_ =	swait.ge [sflag:s28], $0x2000  }
0x90: {  	[sflag:s28] =	ssyncset.done $0x0  }
0x91: {  	s8 =	simm.s32 @!p0 $0x7;
	[sflag:s28] =	ssyncadd.s32 $0xFFFFE000  }
0x92: {  	_ =	swait.ge @!p0 [sflag:s8], $0x2000  }
0x93: {  	[sflag:s8] =	ssyncset.done @!p0 $0x0  }
0x94: {  	[sflag:s8] =	ssyncadd.s32 @!p0 $0xFFFFE000  }
0x95: {  	_ =	swait.ge @!p0 [sflag:s8], $0x2000  }
0x96: {  	[sflag:s8] =	ssyncset.done @!p0 $0x0  }
0x97: {  	[sflag:s8] =	ssyncadd.s32 @!p0 $0xFFFFE000  }
0x98: {  	_ =	swait.ge @!p0 [sflag:s8], $0x2000  }
0x99: {  	[sflag:s8] =	ssyncset.done @!p0 $0x0  }
0x9a: {  	s9 =	simm.s32 @!p0 $0x300;
	[sflag:s8] =	ssyncadd.s32 @!p0 $0xFFFFE000;
	s8 =	simm.s32 @!p0 $0x12000  }
0x9b: {  	[tilespmem:s8], [sflag:$0x3] =	stream.indirect.gather @!p0 [hbm4b:s1+s7], $0x80, s9, s7, $0xb8;
	[tilespmem:$0x1E000] =	vst v63  }
0x9c: {  	s8 =	simm.s32 @!p0 $0x2300;
	s9 =	simm.s32 @!p0 $0x14000  }
0x9d: {  	[tilespmem:s9], [sflag:$0x3] =	stream.indirect.gather @!p0 [hbm4b:s1+s7], $0x80, s8, s7, $0xb8;
	[tilespmem:$0x1E000] =	vst v63  }
0x9e: {  	s5 =	sadd.s32 $0xC00, s5;
	s8 =	simm.s32 @!p0 $0x4300;
	s9 =	simm.s32 @!p0 $0x16000  }
0x9f: {  	[tilespmem:s9], [sflag:$0x3] =	stream.indirect.gather @!p0 [hbm4b:s1+s7], $0x80, s8, s7, $0xb8;
	[tilespmem:$0x1E000] =	vst v63  }
0xa0: {  	s30 =	sadd.s32 $0xC00, s6;
	s14 =	simm.s32 $0x800;
	s4 =	sadd.s32 $0xC00, s4  }
0xa1: {  	[hbm4b:s5+s3] =	stream.linear.scatter [tilespmem:s2], [sflag:$0x8], $0x2000, $0x38;
	[tilespmem:$0x1E000] =	vst v63  }
0xa2: {  	s7 =	sadd.s32 $0x1000, s13;
	s8 =	sadd.s32 $0x1000, s11;
	s9 =	sadd.s32 $0x1000, s12  }
0xa3: {  	[hbm4b:s30+s3] =	stream.linear.scatter [tilespmem:s19], [sflag:$0x8], $0x2000, $0x38;
	[tilespmem:$0x1E000] =	vst v63  }
.LBB2_2:
0xa4: {  	[hbm4b:s4+s3] =	stream.linear.scatter [tilespmem:s21], [sflag:$0x8], $0x2000, $0x38;
	[tilespmem:$0x1E000] =	vst v63  }
0xa5: {  	s4 =	smov.u32 s14;
	s14 =	sadd.s32 $0x800, s14;
	_ =	swait.ge [sflag:s0], $0x2000  }
0xa6: {  	p0 =	sne.s32 s14, $0x8000;
	[sflag:s0] =	ssyncset.done $0x0  }
0xa7: {  	[sflag:s0] =	ssyncadd.s32 $0xFFFFE000  }
0xa8: {  	_ =	swait.ge [sflag:s0], $0x2000  }
0xa9: {  	[sflag:s0] =	ssyncset.done $0x0  }
0xaa: {  	[sflag:s0] =	ssyncadd.s32 $0xFFFFE000  }
0xab: {  	_ =	swait.ge [sflag:s0], $0x2000  }
0xac: {  	p1 =	seq.s32 s4, $0x0;
	[sflag:s0] =	ssyncset.done $0x0  }
0xad: {  	s5 =	simm.s32 @!p1 $0x8;
	[sflag:s0] =	ssyncadd.s32 $0xFFFFE000  }
0xae: {  	_ =	swait.ge @!p1 [sflag:s5], $0x2000  }
0xaf: {  	[sflag:s5] =	ssyncset.done @!p1 $0x0  }
0xb0: {  	[sflag:s5] =	ssyncadd.s32 @!p1 $0xFFFFE000  }
0xb1: {  	_ =	swait.ge @!p1 [sflag:s5], $0x2000  }
0xb2: {  	[sflag:s5] =	ssyncset.done @!p1 $0x0  }
0xb3: {  	[sflag:s5] =	ssyncadd.s32 @!p1 $0xFFFFE000  }
0xb4: {  	_ =	swait.ge @!p1 [sflag:s5], $0x2000  }
0xb5: {  	s6 =	sshra.s32 s4, $0x2;
	[sflag:s5] =	ssyncset.done @!p1 $0x0  }
0xb6: {  	[sflag:s5] =	ssyncadd.s32 @!p1 $0xFFFFE000;
	s5 =	sadd.s32 $0x180, s6  }
0xb7: {  	[tilespmem:s2], [sflag:$0x4] =	stream.indirect.gather [hbm4b:s1+s15], $0x80, s5, s15, $0xb8;
	[tilespmem:$0x1E000] =	vst v63  }
0xb8: {  	s5 =	sadd.s32 $0x2180, s6  }
0xb9: {  	[tilespmem:s19], [sflag:$0x4] =	stream.indirect.gather [hbm4b:s1+s15], $0x80, s5, s15, $0xb8;
	[tilespmem:$0x1E000] =	vst v63  }
0xba: {  	s5 =	sadd.s32 $0x4180, s6  }
0xbb: {  	[tilespmem:s21], [sflag:$0x4] =	stream.indirect.gather [hbm4b:s1+s15], $0x80, s5, s15, $0xb8;
	[tilespmem:$0x1E000] =	vst v63  }
0xbc: {  	s12 =	sadd.s32 s7, s10  }
0xbd: {  	[hbm4b:s12+s3] =	stream.linear.scatter [tilespmem:s16], [sflag:$0x5], $0x2000, $0x38;
	[tilespmem:$0x1E000] =	vst v63  }
0xbe: {  	s30 =	sadd.s32 s9, s10  }
0xbf: {  	[hbm4b:s30+s3] =	stream.linear.scatter [tilespmem:s17], [sflag:$0x5], $0x2000, $0x38;
	[tilespmem:$0x1E000] =	vst v63  }
0xc0: {  	s11 =	sadd.s32 s8, s10  }
0xc1: {  	[hbm4b:s11+s3] =	stream.linear.scatter [tilespmem:s18], [sflag:$0x5], $0x2000, $0x38;
	[tilespmem:$0x1E000] =	vst v63  }
0xc2: {  	_ =	swait.ge [sflag:s23], $0x2000  }
0xc3: {  	[sflag:s23] =	ssyncset.done $0x0  }
0xc4: {  	[sflag:s23] =	ssyncadd.s32 $0xFFFFE000  }
0xc5: {  	_ =	swait.ge [sflag:s23], $0x2000  }
0xc6: {  	[sflag:s23] =	ssyncset.done $0x0  }
0xc7: {  	[sflag:s23] =	ssyncadd.s32 $0xFFFFE000  }
0xc8: {  	_ =	swait.ge [sflag:s23], $0x2000  }
0xc9: {  	p1 =	seq.s32 s4, $0x7800;
	[sflag:s23] =	ssyncset.done $0x0  }
0xca: {  	s4 =	sshra.s32 @!p1 s4, $0x2;
	s6 =	simm.s32 @!p1 $0x5;
	[sflag:s23] =	ssyncadd.s32 $0xFFFFE000  }
0xcb: {  	s20 =	sadd.s32 @!p1 $0x200, s4;
	s22 =	sadd.s32 @!p1 $0x2200, s4;
	_ =	swait.ge @!p1 [sflag:s6], $0x2000  }
0xcc: {  	s24 =	sadd.s32 @!p1 $0x4200, s4;
	s18 =	sadd.s32 @!p1 $0x280, s4;
	[sflag:s6] =	ssyncset.done @!p1 $0x0  }
0xcd: {  	s16 =	sadd.s32 @!p1 $0x4280, s4;
	s17 =	sadd.s32 @!p1 $0x2280, s4;
	[sflag:s6] =	ssyncadd.s32 @!p1 $0xFFFFE000  }
0xce: {  	s13 =	sadd.s32 @!p1 $0x2300, s4;
	s5 =	sadd.s32 @!p1 $0x300, s4;
	_ =	swait.ge @!p1 [sflag:s6], $0x2000  }
0xcf: {  	s4 =	sadd.s32 @!p1 $0x4300, s4;
	[sflag:s6] =	ssyncset.done @!p1 $0x0  }
0xd0: {  	[sflag:s6] =	ssyncadd.s32 @!p1 $0xFFFFE000  }
0xd1: {  	_ =	swait.ge @!p1 [sflag:s6], $0x2000  }
0xd2: {  	[sflag:s6] =	ssyncset.done @!p1 $0x0  }
0xd3: {  	s26 =	simm.s32 @!p1 $0x6000;
	[sflag:s6] =	ssyncadd.s32 @!p1 $0xFFFFE000;
	s6 =	simm.s32 @!p1 $0x40  }
0xd4: {  	[tilespmem:s26], [sflag:$0x1] =	stream.indirect.gather @!p1 [hbm4b:s1+s6], $0x80, s20, s6, $0xb8;
	[tilespmem:$0x1E000] =	vst v63  }
0xd5: {  	s26 =	simm.s32 $0x10000  }
0xd6: {  	s20 =	simm.s32 @!p1 $0x8000  }
0xd7: {  	[tilespmem:s20], [sflag:$0x1] =	stream.indirect.gather @!p1 [hbm4b:s1+s6], $0x80, s22, s6, $0xb8;
	[tilespmem:$0x1E000] =	vst v63  }
0xd8: {  	s22 =	simm.s32 $0xC000  }
0xd9: {  	s20 =	simm.s32 @!p1 $0xA000  }
0xda: {  	[tilespmem:s20], [sflag:$0x1] =	stream.indirect.gather @!p1 [hbm4b:s1+s6], $0x80, s24, s6, $0xb8;
	[tilespmem:$0x1E000] =	vst v63  }
0xdb: {  	s24 =	simm.s32 $0xE000  }
0xdc: {  	s20 =	sadd.s32 $0x400, s12  }
0xdd: {  	[hbm4b:s20+s3] =	stream.linear.scatter [tilespmem:s22], [sflag:$0x6], $0x2000, $0x38;
	[tilespmem:$0x1E000] =	vst v63  }
0xde: {  	s20 =	sadd.s32 $0x400, s30  }
0xdf: {  	[hbm4b:s20+s3] =	stream.linear.scatter [tilespmem:s24], [sflag:$0x6], $0x2000, $0x38;
	[tilespmem:$0x1E000] =	vst v63  }
0xe0: {  	s20 =	sadd.s32 $0x400, s11  }
0xe1: {  	[hbm4b:s20+s3] =	stream.linear.scatter [tilespmem:s26], [sflag:$0x6], $0x2000, $0x38;
	[tilespmem:$0x1E000] =	vst v63  }
0xe2: {  	_ =	swait.ge [sflag:s25], $0x2000  }
0xe3: {  	[sflag:s25] =	ssyncset.done $0x0  }
0xe4: {  	[sflag:s25] =	ssyncadd.s32 $0xFFFFE000  }
0xe5: {  	_ =	swait.ge [sflag:s25], $0x2000  }
0xe6: {  	[sflag:s25] =	ssyncset.done $0x0  }
0xe7: {  	[sflag:s25] =	ssyncadd.s32 $0xFFFFE000  }
0xe8: {  	_ =	swait.ge [sflag:s25], $0x2000  }
0xe9: {  	[sflag:s25] =	ssyncset.done $0x0  }
0xea: {  	s20 =	simm.s32 @!p1 $0x6;
	[sflag:s25] =	ssyncadd.s32 $0xFFFFE000  }
0xeb: {  	_ =	swait.ge @!p1 [sflag:s20], $0x2000  }
0xec: {  	[sflag:s20] =	ssyncset.done @!p1 $0x0  }
0xed: {  	[sflag:s20] =	ssyncadd.s32 @!p1 $0xFFFFE000  }
0xee: {  	_ =	swait.ge @!p1 [sflag:s20], $0x2000  }
0xef: {  	[sflag:s20] =	ssyncset.done @!p1 $0x0  }
0xf0: {  	[sflag:s20] =	ssyncadd.s32 @!p1 $0xFFFFE000  }
0xf1: {  	_ =	swait.ge @!p1 [sflag:s20], $0x2000  }
0xf2: {  	[sflag:s20] =	ssyncset.done @!p1 $0x0  }
0xf3: {  	[sflag:s20] =	ssyncadd.s32 @!p1 $0xFFFFE000;
	s20 =	simm.s32 @!p1 $0xC000  }
0xf4: {  	[tilespmem:s20], [sflag:$0x2] =	stream.indirect.gather @!p1 [hbm4b:s1+s6], $0x80, s18, s6, $0xb8;
	[tilespmem:$0x1E000] =	vst v63  }
0xf5: {  	s20 =	simm.s32 $0x12000  }
0xf6: {  	s18 =	simm.s32 @!p1 $0xE000  }
0xf7: {  	[tilespmem:s18], [sflag:$0x2] =	stream.indirect.gather @!p1 [hbm4b:s1+s6], $0x80, s17, s6, $0xb8;
	[tilespmem:$0x1E000] =	vst v63  }
0xf8: {  	s18 =	simm.s32 $0xA000  }
0xf9: {  	s17 =	simm.s32 @!p1 $0x10000  }
0xfa: {  	[tilespmem:s17], [sflag:$0x2] =	stream.indirect.gather @!p1 [hbm4b:s1+s6], $0x80, s16, s6, $0xb8;
	[tilespmem:$0x1E000] =	vst v63  }
0xfb: {  	s17 =	simm.s32 $0x8000  }
0xfc: {  	s16 =	sadd.s32 $0x800, s12  }
0xfd: {  	[hbm4b:s16+s3] =	stream.linear.scatter [tilespmem:s20], [sflag:$0x7], $0x2000, $0x38;
	[tilespmem:$0x1E000] =	vst v63  }
0xfe: {  	s16 =	sadd.s32 $0x800, s30  }
0xff: {  	[hbm4b:s16+s3] =	stream.linear.scatter [tilespmem:s29], [sflag:$0x7], $0x2000, $0x38;
	[tilespmem:$0x1E000] =	vst v63  }
0x100: {  	s16 =	sadd.s32 $0x800, s11  }
0x101: {  	[hbm4b:s16+s3] =	stream.linear.scatter [tilespmem:s31], [sflag:$0x7], $0x2000, $0x38;
	[tilespmem:$0x1E000] =	vst v63  }
0x102: {  	_ =	swait.ge [sflag:s28], $0x2000  }
0x103: {  	[sflag:s28] =	ssyncset.done $0x0  }
0x104: {  	[sflag:s28] =	ssyncadd.s32 $0xFFFFE000  }
0x105: {  	_ =	swait.ge [sflag:s28], $0x2000  }
0x106: {  	[sflag:s28] =	ssyncset.done $0x0  }
0x107: {  	[sflag:s28] =	ssyncadd.s32 $0xFFFFE000  }
0x108: {  	_ =	swait.ge [sflag:s28], $0x2000  }
0x109: {  	[sflag:s28] =	ssyncset.done $0x0  }
0x10a: {  	s16 =	simm.s32 @!p1 $0x7;
	[sflag:s28] =	ssyncadd.s32 $0xFFFFE000  }
0x10b: {  	_ =	swait.ge @!p1 [sflag:s16], $0x2000  }
0x10c: {  	[sflag:s16] =	ssyncset.done @!p1 $0x0  }
0x10d: {  	[sflag:s16] =	ssyncadd.s32 @!p1 $0xFFFFE000  }
0x10e: {  	_ =	swait.ge @!p1 [sflag:s16], $0x2000  }
0x10f: {  	[sflag:s16] =	ssyncset.done @!p1 $0x0  }
0x110: {  	[sflag:s16] =	ssyncadd.s32 @!p1 $0xFFFFE000  }
0x111: {  	_ =	swait.ge @!p1 [sflag:s16], $0x2000  }
0x112: {  	[sflag:s16] =	ssyncset.done @!p1 $0x0  }
0x113: {  	[sflag:s16] =	ssyncadd.s32 @!p1 $0xFFFFE000;
	s16 =	simm.s32 @!p1 $0x12000  }
0x114: {  	[tilespmem:s16], [sflag:$0x3] =	stream.indirect.gather @!p1 [hbm4b:s1+s6], $0x80, s5, s6, $0xb8;
	[tilespmem:$0x1E000] =	vst v63  }
0x115: {  	s16 =	simm.s32 $0x6000  }
0x116: {  	s5 =	simm.s32 @!p1 $0x14000  }
0x117: {  	[tilespmem:s5], [sflag:$0x3] =	stream.indirect.gather @!p1 [hbm4b:s1+s6], $0x80, s13, s6, $0xb8;
	[tilespmem:$0x1E000] =	vst v63  }
0x118: {  	s5 =	simm.s32 @!p1 $0x16000  }
0x119: {  	[tilespmem:s5], [sflag:$0x3] =	stream.indirect.gather @!p1 [hbm4b:s1+s6], $0x80, s4, s6, $0xb8;
	[tilespmem:$0x1E000] =	vst v63  }
.Ltmp0:
0x11a: {  	s4 =	sadd.s32 $0xC00, s12;
	(pc) =	sbr.rel @p0 .LBB2_2-.Ltmp0, $4  }
0x11b: {  	[hbm4b:s4+s3] =	stream.linear.scatter [tilespmem:s2], [sflag:$0x8], $0x2000, $0x38;
	[tilespmem:$0x1E000] =	vst v63  }
0x11c: {  	s7 =	sadd.s32 $0x1000, s7;
	s4 =	sadd.s32 $0xC00, s30  }
0x11d: {  	[hbm4b:s4+s3] =	stream.linear.scatter [tilespmem:s19], [sflag:$0x8], $0x2000, $0x38;
	[tilespmem:$0x1E000] =	vst v63  }
0x11e: {  	s8 =	sadd.s32 $0x1000, s8;
	s9 =	sadd.s32 $0x1000, s9;
	s4 =	sadd.s32 $0xC00, s11  }
0x11f: {  	[hbm4b:s4+s3] =	stream.linear.scatter [tilespmem:s21], [sflag:$0x8], $0x2000, $0x38;
	[tilespmem:$0x1E000] =	vst v63  }
0x120: {  	s12 =	simm.s32 $0x5  }
0x121: {  	_ =	swait.ge [sflag:s12], $0x2000  }
0x122: {  	[sflag:s12] =	ssyncset.done $0x0  }
0x123: {  	[sflag:s12] =	ssyncadd.s32 $0xFFFFE000  }
0x124: {  	_ =	swait.ge [sflag:s12], $0x2000  }
0x125: {  	[sflag:s12] =	ssyncset.done $0x0  }
0x126: {  	[sflag:s12] =	ssyncadd.s32 $0xFFFFE000  }
0x127: {  	_ =	swait.ge [sflag:s12], $0x2000  }
0x128: {  	[sflag:s12] =	ssyncset.done $0x0  }
0x129: {  	s13 =	simm.s32 $0x6;
	[sflag:s12] =	ssyncadd.s32 $0xFFFFE000  }
0x12a: {  	_ =	swait.ge [sflag:s13], $0x2000  }
0x12b: {  	[sflag:s13] =	ssyncset.done $0x0  }
0x12c: {  	[sflag:s13] =	ssyncadd.s32 $0xFFFFE000  }
0x12d: {  	_ =	swait.ge [sflag:s13], $0x2000  }
0x12e: {  	[sflag:s13] =	ssyncset.done $0x0  }
0x12f: {  	[sflag:s13] =	ssyncadd.s32 $0xFFFFE000  }
0x130: {  	_ =	swait.ge [sflag:s13], $0x2000  }
0x131: {  	[sflag:s13] =	ssyncset.done $0x0  }
0x132: {  	s14 =	simm.s32 $0x7;
	[sflag:s13] =	ssyncadd.s32 $0xFFFFE000  }
0x133: {  	_ =	swait.ge [sflag:s14], $0x2000  }
0x134: {  	[sflag:s14] =	ssyncset.done $0x0  }
0x135: {  	[sflag:s14] =	ssyncadd.s32 $0xFFFFE000  }
0x136: {  	_ =	swait.ge [sflag:s14], $0x2000  }
0x137: {  	[sflag:s14] =	ssyncset.done $0x0  }
0x138: {  	[sflag:s14] =	ssyncadd.s32 $0xFFFFE000  }
0x139: {  	_ =	swait.ge [sflag:s14], $0x2000  }
0x13a: {  	[sflag:s14] =	ssyncset.done $0x0  }
0x13b: {  	s5 =	simm.s32 $0x8;
	[sflag:s14] =	ssyncadd.s32 $0xFFFFE000  }
0x13c: {  	_ =	swait.ge [sflag:s5], $0x2000  }
0x13d: {  	[sflag:s5] =	ssyncset.done $0x0  }
0x13e: {  	[sflag:s5] =	ssyncadd.s32 $0xFFFFE000  }
0x13f: {  	_ =	swait.ge [sflag:s5], $0x2000  }
0x140: {  	[sflag:s5] =	ssyncset.done $0x0  }
0x141: {  	[sflag:s5] =	ssyncadd.s32 $0xFFFFE000  }
0x142: {  	_ =	swait.ge [sflag:s5], $0x2000  }
0x143: {  	s6 =	rddreg [dreg:$0xa]  }
0x144: {  	s30 =	rddreg [dreg:$0x6];
	s6 =	sadd.s32 $0x1, s6  }
0x145: {  	p0 =	sne.s32 s6, s30  }
.Ltmp1:
0x146: {  	_ = 	snop;
	(pc) =	sbr.rel @p0 .LBB2_1-.Ltmp1, $3  }
0x147: {  	_ =	sdelay $0x1  }
0x148: {  	[sflag:s5] =	ssyncset.done $0x0  }
0x149: {  	[sflag:s5] =	ssyncadd.s32 $0xFFFFE000  }
0x14a: {  	_ =	sfence.sel $0x180000  }
0x14b: {  	[bflag:$0x0] =	sbarrier.arrive $0xFFFF  }
0x14c: {  	_ =	strace $0x9000004A  }
0x14d: {  	s0 =	stileid.u32;
	[bflag:$0x2] =	sbarrier.arrive $0xFFFF  }
0x14e: {  	p0 =	sne.s32 s0, $0x0;
	s0 =	rddreg [dreg:$0x2]  }
0x14f: {  	s0 =	sadd.s32 @!p0 $0x100000, s0  }
0x150: {  	[sflag:s0] =	ssyncadd.tile.s32 @!p0 $0x1;
	_ =	shalt  }
.Lfunc_end2:
_tile_overlayer_lowered:
.L_overlay_start_2:
0x151: {  	(tag) =	ssettag $0x2  }
0x152: {  	s0 =	rddreg [dreg:$0x0];
	s2 =	stileid.u32  }
0x153: {  	s1 =	rddreg [dreg:$0x1];
	p0 =	sne.s32 s2, $0x0  }
0x154: {  	s3 =	rddreg [dreg:$0x2];
	[bflag:$0x3] =	sbarrier.arrive $0xFFFF;
	s2 =	simm.s32 @!p0 $0x1C09  }
0x155: {  	[timem:s3], [sflag:s2] =	dma.local @!p0 [hbm:s0], s1  }
0x156: {  	s0 =	simm.s32 @!p0 $0x9  }
0x157: {  	_ =	swait.ge @!p0 [sflag:s0], s1  }
0x158: {  	s1 =	ssub.s32 @!p0 $0x0, s1;
	[sflag:s0] =	ssyncset.done @!p0 $0x0  }
0x159: {  	[sflag:s0] =	ssyncadd.s32 @!p0 s1  }
0x15a: {  	[bflag:$0x3] =	sbarrier.arrive $0xFFFF  }
0x15b: {  	_ =	shalt  }

// kernel: kernel.7.cloned.1.call-start
scs
__scs_entry_jumppad:
0x0: {  	(pc) =	sbr.rel $0x88, $3  }
0x1: {  	(tag) =	ssettag $0x0;
	lr =	simm.s32 $0x1  }
0x2: {  	[smem:$0x3F89] =	sst lr;
	_ =	strace $0xD0000000  }
0x3: {  	_ = 	snop  }
0x4: {  	_ = 	snop  }
0x5: {  	_ = 	snop  }
0x6: {  	_ = 	snop  }
0x7: {  	_ = 	snop  }
__scs_overlays_trampoline_lowered:
0x8: {  	[smem:$0x3F98] =	sst s0  }
0x9: {  	[smem:$0x3F99] =	sst s1  }
0xa: {  	[smem:$0x3F9A] =	sst s2  }
0xb: {  	[smem:$0x3F9B] =	sst s3  }
0xc: {  	[smem:$0x3F9C] =	sst s4  }
0xd: {  	[smem:$0x3F9D] =	sst s5  }
0xe: {  	[smem:$0x3F9E] =	sst s6  }
0xf: {  	[smem:$0x3F9F] =	sst s7  }
0x10: {  	[smem:$0x3FA0] =	sst s8  }
0x11: {  	[smem:$0x3FA1] =	sst s9;
	s0 =	simm.s32 @!p0 $0x0  }
0x12: {  	s1 =	sld [smem:$0x3F87];
	s0 =	simm.s32 @p0 $0x1  }
0x13: {  	[smem:$0x3FA2] =	sst s0;
	s0 =	simm.s32 @!p1 $0x0  }
0x14: {  	s2 =	sld [smem:$0x3F86];
	s0 =	simm.s32 @p1 $0x1  }
0x15: {  	[smem:$0x3FA3] =	sst s0;
	s0 =	simm.s32 @!p2 $0x0  }
0x16: {  	s3 =	sld [smem:$0x3FDB];
	s0 =	simm.s32 @p2 $0x1  }
0x17: {  	s4 =	simm.s32 $0x1BF5;
	[smem:$0x3FA5] =	sst s0  }
0x18: {  	s0 =	sld [smem:$0x3F88];
	_ =	swait.ge [sflag:s4], $0x0  }
0x19: {  	s7 =	sld [smem:$0x3F89]  }
0x1a: {  	s8 =	sadd.s32 $0xFFFFE003, lr  }
0x1b: {  	s9 =	sadd.s32 $0xFFFFFEF7, lr;
	s5 =	simm.s32 $0xFFFFFFFF;
	p2 =	slt.u32 s8, $0xFFFFF086  }
0x1c: {  	p1 =	slt.u32 s9, $0xF7A;
	s5 =	simm.s32 @!p2 $0x0  }
0x1d: {  	s5 =	simm.s32 @p1 $0x1;
	p0 =	seq.s32 s7, s2  }
0x1e: {  	s7 =	smul.u32 @!p0 $0xF7A, s2;
	p2 =	seq.s32 @!p0 s5, $0x0  }
0x1f: {  	s9 =	smul.u32 $0xF7A, s1;
	s8 =	simm.s32 @!p0 $0x1BF5;
	p2 =	por !p2, p0  }
0x20: {  	[sflag:s8] =	ssyncset.s32 @!p0 $0xFFFFF086;
	s6 =	sadd.s32 @!p0 s3, s7;
	s7 =	simm.s32 @!p0 $0x108  }
0x21: {  	s3 =	sadd.s32 s3, s9;
	s6 =	sadd.s32 @!p0 $0x88, s6;
	s7 =	simm.s32 @p2 $0x1082  }
0x22: {  	[simem:s7], [sflag:s8] =	dma.local @!p0 [hbm:s6], $0xF7A  }
0x23: {  	s9 =	sor.u32 $0xD0000000, s2;
	s6 =	simm.s32 $0x108;
	_ =	swait.ge @!p0 [sflag:s8], $0x0  }
0x24: {  	s3 =	sadd.s32 $0x88, s3;
	s6 =	simm.s32 @!p1 $0x1082;
	[sflag:s4] =	ssyncset.s32 $0xFFFFF086  }
0x25: {  	[simem:s6], [sflag:s4] =	dma.local [hbm:s3], $0xF7A  }
0x26: {  	[smem:$0x3F89] =	sst s1;
	(tag) =	ssettag s2;
	_ =	strace s9  }
0x27: {  	s1 =	sld [smem:$0x3F99]  }
0x28: {  	s2 =	sld [smem:$0x3F9A]  }
0x29: {  	s4 =	sld [smem:$0x3F9C]  }
0x2a: {  	p0 =	seq.s32 s5, $0x0;
	s5 =	sld [smem:$0x3F9D]  }
0x2b: {  	s6 =	sld [smem:$0x3F9E]  }
0x2c: {  	s7 =	sld [smem:$0x3F9F]  }
0x2d: {  	s3 =	simm.s32 $0x108;
	s8 =	sld [smem:$0x3FA0]  }
0x2e: {  	s3 =	simm.s32 @!p0 $0x1082;
	s9 =	sld [smem:$0x3FA1]  }
0x2f: {  	lr =	sadd.s32 s0, s3;
	s0 =	sld [smem:$0x3F98]  }
0x30: {  	s3 =	sld [smem:$0x3F9B]  }
0x31: {  	[smem:$0x3FA4] =	sst s10  }
0x32: {  	s10 =	sld [smem:$0x3FA2];
	_ =	sdelay $0x3  }
0x33: {  	p0 =	seq.s32 s10, $0x1;
	s10 =	sld [smem:$0x3FA4];
	_ =	sdelay $0x3  }
0x34: {  	[smem:$0x3FA4] =	sst s10  }
0x35: {  	s10 =	sld [smem:$0x3FA3];
	_ =	sdelay $0x3  }
0x36: {  	p1 =	seq.s32 s10, $0x1;
	s10 =	sld [smem:$0x3FA4];
	_ =	sdelay $0x3  }
0x37: {  	[smem:$0x3FA4] =	sst s10  }
0x38: {  	s10 =	sld [smem:$0x3FA5]  }
0x39: {  	_ = 	snop;
	(pc) =	sbr.ind lr, $3  }
0x3a: {  	_ = 	snop  }
0x3b: {  	_ = 	snop  }
0x3c: {  	p2 =	seq.s32 s10, $0x1;
	s10 =	sld [smem:$0x3FA4]  }
0x3d: {  	_ =	shalt  }
0x3e: {  	_ =	shalt  }
0x3f: {  	_ =	shalt  }
0x40: {  	_ =	shalt  }
0x41: {  	_ =	shalt  }
0x42: {  	_ =	shalt  }
0x43: {  	_ =	shalt  }
0x44: {  	_ =	shalt  }
0x45: {  	_ =	shalt  }
0x46: {  	_ =	shalt  }
0x47: {  	_ =	shalt  }
0x48: {  	_ =	shalt  }
0x49: {  	_ =	shalt  }
0x4a: {  	_ =	shalt  }
0x4b: {  	_ =	shalt  }
0x4c: {  	_ =	shalt  }
0x4d: {  	_ =	shalt  }
0x4e: {  	_ =	shalt  }
0x4f: {  	_ =	shalt  }
0x50: {  	_ =	shalt  }
0x51: {  	_ =	shalt  }
0x52: {  	_ =	shalt  }
0x53: {  	_ =	shalt  }
0x54: {  	_ =	shalt  }
0x55: {  	_ =	shalt  }
0x56: {  	_ =	shalt  }
0x57: {  	_ =	shalt  }
0x58: {  	_ =	shalt  }
0x59: {  	_ =	shalt  }
0x5a: {  	_ =	shalt  }
0x5b: {  	_ =	shalt  }
0x5c: {  	_ =	shalt  }
0x5d: {  	_ =	shalt  }
0x5e: {  	_ =	shalt  }
0x5f: {  	_ =	shalt  }
0x60: {  	_ =	shalt  }
0x61: {  	_ =	shalt  }
0x62: {  	_ =	shalt  }
0x63: {  	_ =	shalt  }
0x64: {  	_ =	shalt  }
0x65: {  	_ =	shalt  }
0x66: {  	_ =	shalt  }
0x67: {  	_ =	shalt  }
0x68: {  	_ =	shalt  }
0x69: {  	_ =	shalt  }
0x6a: {  	_ =	shalt  }
0x6b: {  	_ =	shalt  }
0x6c: {  	_ =	shalt  }
0x6d: {  	_ =	shalt  }
0x6e: {  	_ =	shalt  }
0x6f: {  	_ =	shalt  }
0x70: {  	_ =	shalt  }
0x71: {  	_ =	shalt  }
0x72: {  	_ =	shalt  }
0x73: {  	_ =	shalt  }
0x74: {  	_ =	shalt  }
0x75: {  	_ =	shalt  }
0x76: {  	_ =	shalt  }
0x77: {  	_ =	shalt  }
0x78: {  	_ =	shalt  }
0x79: {  	_ =	shalt  }
0x7a: {  	_ =	shalt  }
0x7b: {  	_ =	shalt  }
0x7c: {  	_ =	shalt  }
0x7d: {  	_ =	shalt  }
0x7e: {  	_ =	shalt  }
0x7f: {  	_ =	shalt  }
0x80: {  	_ =	shalt  }
0x81: {  	_ =	shalt  }
0x82: {  	_ =	shalt  }
0x83: {  	_ =	shalt  }
0x84: {  	_ =	shalt  }
0x85: {  	_ =	shalt  }
0x86: {  	_ =	shalt  }
0x87: {  	_ =	shalt  }
.Lfunc_end0:
.L_simem_size_0:
called_computation.1_lowered:
.L_overlay_start_0:
0x88: {  	s2 =	sld [smem:$0x3FD9]  }
0x89: {  	s3 =	sld [smem:$0x3FFE];
	_ =	sdelay $0x1  }
0x8a: {  	s1 =	srdreg.scid  }
0x8b: {  	s0 =	sand.u32 $0x1, s1  }
0x8c: {  	s17 =	sshll.u32 s0, $0xA;
	s2 =	sadd.s32 s3, s2  }
0x8d: {  	s2 =	sadd.s32 s2, s17  }
0x8e: {  	[smem:$0x3FB0] =	sst s2  }
0x8f: {  	_ = 	snop  }
0x90: {  	s18 =	sld [smem:$0x3FD0];
	(tm) =	ssettm $0x1  }
0x91: {  	s19 =	sld [smem:$0x3FFB];
	_ =	sdelay $0x3  }
0x92: {  	_ =	strace s19  }
0x93: {  	s2 =	sld [smem:$0x3FFC];
	_ =	sdelay $0x3  }
0x94: {  	_ =	strace s2  }
0x95: {  	s2 =	sld [smem:$0x3FFD];
	_ =	sdelay $0x3  }
0x96: {  	_ =	strace s2  }
0x97: {  	_ =	strace $0x8FFFFFFF  }
0x98: {  	s20 =	sld [smem:$0x3FDB];
	_ =	sdelay $0x1  }
0x99: {  	s4 =	simm.s32 $_scs_section_size  }
0x9a: {  	s5 =	simm.s32 $_size__tile_overlayer_lowered;
	s6 =	simm.s32 $_tile_overlayer_lowered  }
0x9b: {  	s7 =	simm.s32 $0x1BFF;
	s21 =	sshll.u32 s6, $0x1;
	s4 =	sadd.s32 s4, s20  }
0x9c: {  	s22 =	simm.s32 $0x0;
	s5 =	sshll.u32 s5, $0x1;
	s6 =	sadd.s32 s21, s4  }
0x9d: {  	[timem:s22], [sflag:s7] =	dma.local [hbm:s6], s5  }
0x9e: {  	_ =	swait.ge [sflag:s7], s5  }
0x9f: {  	s5 =	ssub.s32 $0x0, s5;
	[sflag:s7] =	ssyncset.done $0x0  }
0xa0: {  	[sflag:s7] =	ssyncadd.s32 s5;
	_ =	sdelay $0x1  }
0xa1: {  	s23 =	simm.s32 $0x1B8B  }
0xa2: {  	_ =	swait.ge [sflag:s23], $0x1  }
0xa3: {  	[sflag:s23] =	ssyncset.done $0x0  }
0xa4: {  	[sflag:s23] =	ssyncadd.s32 $0xFFFFFFFF  }
0xa5: {  	s5 =	sld [smem:$0x0]  }
0xa6: {  	s6 =	sand.u32 $0xFFFFFFFE, s1  }
0xa7: {  	p0 =	sne.s32 s1, s6  }
0xa8: {  	s6 =	sshll.u32 @p0 s6, $0xE  }
0xa9: {  	s6 =	sadd.s32 @p0 $0x11B8D, s6;
	s7 =	sshll.u32 @p0 s5, $0x11  }
0xaa: {  	s6 =	sor.u32 @p0 s7, s6  }
0xab: {  	[sflag:s6] =	ssyncadd.remote.s32 @p0 $0x1;
	_ =	sdelay $0x1  }
0xac: {  	s6 =	simm.s32 @p0 $0x1B8D  }
0xad: {  	_ =	swait.eq @p0 [sflag:s6], $0x1  }
0xae: {  	[sflag:s6] =	ssyncadd.s32 @p0 $0xFFFFFFFF  }
0xaf: {  	s7 =	sshll.u32 @!p0 s1, $0xE  }
0xb0: {  	s7 =	sor.u32 @!p0 $0x4000, s7;
	s6 =	simm.s32 @!p0 $0x1B8D  }
0xb1: {  	s5 =	sshll.u32 @!p0 s5, $0x11;
	s7 =	sadd.s32 @!p0 $0x11B8D, s7;
	_ =	swait.eq @!p0 [sflag:s6], $0x1  }
0xb2: {  	s5 =	sor.u32 @!p0 s5, s7;
	[sflag:s6] =	ssyncadd.s32 @!p0 $0xFFFFFFFF  }
0xb3: {  	s25 =	simm.s32 $0x1B8E;
	s24 =	sld [smem:$0x3FFE];
	[sflag:s5] =	ssyncadd.remote.s32 @!p0 $0x1  }
0xb4: {  	s26 =	simm.s32 $execute0_lowered;
	[smem:$0x3FD2] =	sst s25  }
0xb5: {  	s6 =	sshll.u32 s26, $0x1;
	_ =	strace $0x8000004C;
	[dreg:$0x1] =	wrdreg $0xFFFFFFFF  }
0xb6: {  	s28 =	simm.s32 $_size_execute0_lowered;
	s4 =	sadd.s32 s4, s6;
	[dreg:$0x0] =	wrdreg $0x0  }
0xb7: {  	s6 =	sshll.u32 s28, $0x1;
	[dreg:$0x2] =	wrdreg s4  }
0xb8: {  	[dreg:$0x3] =	wrdreg s6  }
0xb9: {  	[dreg:$0x4] =	wrdreg $0xC0  }
0xba: {  	_ =	task [dreg:s22], $0x5FFFF  }
0xbb: {  	[dreg:$0x1] =	wrdreg $0xFFFFFFFF  }
0xbc: {  	[dreg:$0x0] =	wrdreg $0x60  }
0xbd: {  	[dreg:$0x2] =	wrdreg s18  }
0xbe: {  	[dreg:$0x3] =	wrdreg s24  }
0xbf: {  	[dreg:$0x4] =	wrdreg $0xA  }
0xc0: {  	_ =	task.clear_ibuf [dreg:s22], $0x5FFFF;
	_ =	strace $0x9000004C  }
0xc1: {  	s29 =	simm.s32 $0xA;
	_ =	strace $0x8000004E  }
0xc2: {  	_ =	swait.ge [sflag:s29], $0x1  }
0xc3: {  	[sflag:s29] =	ssyncadd.s32 $0xFFFFFFFF  }
0xc4: {  	_ =	strace $0x9000004E  }
0xc5: {  	_ =	sfence  }
0xc6: {  	s30 =	sld [smem:$0x0];
	_ =	sdelay $0x2  }
0xc7: {  	s31 =	sshll.u32 s1, $0xD;
	s1 =	sshrl.u32 s1, $0x2  }
0xc8: {  	s4 =	sand.u32 $0x4000, s31;
	s1 =	sadd.s32 s1, s30  }
0xc9: {  	s0 =	sor.u32 s4, s0;
	s1 =	sshll.u32 s1, $0x11  }
0xca: {  	s0 =	sor.u32 s1, s0  }
0xcb: {  	s0 =	sadd.s32 $0x8F2B, s0  }
0xcc: {  	[sflag:s0] =	ssyncadd.remote.s32 $0x1  }
0xcd: {  	_ =	sfence.sel $0xFFFF  }
0xce: {  	[dreg:$0x0] =	wrdreg $0xFFFFFFFF;
	(pc) =	sbr.abs _section_cstart, $3  }
0xcf: {  	[dreg:$0x1] =	wrdreg $0xFFFFFFFF  }
0xd0: {  	_ =	task.clear_ibuf [dreg:s22], $0x2FFFF;
	_ =	strace $0x9FFFFFFF  }
0xd1: {  	(tm) =	ssettm $0x7FFFFFFF  }
tec
execute0_lowered:
.L_overlay_start_1:
0x0: {  	(tag) =	ssettag $0x1  }
0x1: {  	s1 =	rddreg [dreg:$0x0]  }
0x2: {  	s0 =	rddreg [dreg:$0x1]  }
0x3: {  	s2 =	srdreg.scid;
	s3 =	simm.s32 $0x0;
	s6 =	stileid.u32  }
0x4: {  	s15 =	simm.s32 $0x40;
	s16 =	simm.s32 $0x6000;
	s17 =	simm.s32 $0x8000  }
0x5: {  	s18 =	simm.s32 $0xA000;
	s20 =	simm.s32 $0x12000;
	s29 =	simm.s32 $0x14000  }
0x6: {  	s31 =	simm.s32 $0x16000;
	s19 =	simm.s32 $0x1A000;
	s2 =	sand.u32 $0x1, s2  }
0x7: {  	s28 =	simm.s32 $0x4;
	s4 =	sshll.u32 s6, $0xB;
	s5 =	sshll.u32 s2, $0xA  }
0x8: {  	[smem:$0x7FF] =	sst s3;
	s21 =	sshll.u32 s6, $0x11;
	s4 =	sor.u32 s5, s4  }
0x9: {  	s6 =	simm.s32 $0x0;
	_ =	strace $0x8000004D;
	s4 =	sadd.s32 s4, s0  }
0xa: {  	s22 =	ssub.s32 $0x2, s2;
	s10 =	sshll.u32 s2, $0x10;
	s7 =	sadd.s32 $0x9AC600, s4  }
0xb: {  	s23 =	sshrl.u32 s22, $0x1;
	s24 =	sadd.s32 $0x9B4600, s4;
	[dreg:$0x3] =	wrdreg s7  }
0xc: {  	s5 =	ssub.s32 s22, s23;
	s4 =	sadd.s32 $0x9BC600, s4;
	[dreg:$0x4] =	wrdreg s24  }
0xd: {  	s0 =	sadd.s32 s21, s0;
	s25 =	smax.u32 s5, $0x1;
	[dreg:$0x5] =	wrdreg s4  }
0xe: {  	s2 =	simm.s32 $0x18000;
	s26 =	sadd.s32 $0xDC4600, s0;
	[dreg:$0x6] =	wrdreg s25  }
0xf: {  	s22 =	simm.s32 $0xC000;
	s30 =	sadd.s32 $0xBC4600, s0;
	[dreg:$0x7] =	wrdreg s26  }
0x10: {  	s21 =	simm.s32 $0x1C000;
	s0 =	sadd.s32 $0x9C4600, s0;
	[dreg:$0x8] =	wrdreg s30  }
0x11: {  	s23 =	simm.s32 $0x2;
	[dreg:$0x9] =	wrdreg s0;
	s24 =	simm.s32 $0xE000  }
0x12: {  	s26 =	simm.s32 $0x10000;
	s0 =	simm.s32 $0x1;
	s25 =	simm.s32 $0x3  }
.LBB2_1:
0x13: {  	[dreg:$0xa] =	wrdreg s6  }
0x14: {  	s4 =	rddreg [dreg:$0x3];
	s5 =	simm.s32 $0x9  }
0x15: {  	[tilespmem:s3], [sflag:$0x9] =	stream.linear.gather [hbm4b:s4+s3], $0x2000, $0x38;
	[tilespmem:$0x1E000] =	vst v63  }
0x16: {  	_ =	swait.ge [sflag:s5], $0x2000  }
0x17: {  	[sflag:s5] =	ssyncset.done $0x0  }
0x18: {  	s14 =	simm.s32 $0x2000;
	s13 =	rddreg [dreg:$0x4];
	[sflag:s5] =	ssyncadd.s32 $0xFFFFE000  }
0x19: {  	[tilespmem:s14], [sflag:$0x9] =	stream.linear.gather [hbm4b:s13+s3], $0x2000, $0x38;
	[tilespmem:$0x1E000] =	vst v63  }
0x1a: {  	_ =	swait.ge [sflag:s5], $0x2000  }
0x1b: {  	[sflag:s5] =	ssyncset.done $0x0  }
0x1c: {  	s7 =	simm.s32 $0x4000;
	s30 =	rddreg [dreg:$0x5];
	[sflag:s5] =	ssyncadd.s32 $0xFFFFE000  }
0x1d: {  	[tilespmem:s7], [sflag:$0x9] =	stream.linear.gather [hbm4b:s30+s3], $0x2000, $0x38;
	[tilespmem:$0x1E000] =	vst v63  }
0x1e: {  	_ =	swait.ge [sflag:s5], $0x2000  }
0x1f: {  	[sflag:s5] =	ssyncset.done $0x0  }
0x20: {  	[sflag:s5] =	ssyncadd.s32 $0xFFFFE000  }
0x21: {  	[tilespmem:s16], [sflag:$0x1] =	stream.indirect.gather [hbm4b:s1+s15], $0x80, s3, s15, $0xb8;
	[tilespmem:$0x1E000] =	vst v63  }
0x22: {  	_ = 	snop  }
0x23: {  	[tilespmem:s17], [sflag:$0x1] =	stream.indirect.gather [hbm4b:s1+s15], $0x80, s14, s15, $0xb8;
	[tilespmem:$0x1E000] =	vst v63  }
0x24: {  	_ = 	snop  }
0x25: {  	[tilespmem:s18], [sflag:$0x1] =	stream.indirect.gather [hbm4b:s1+s15], $0x80, s7, s15, $0xb8;
	[tilespmem:$0x1E000] =	vst v63  }
0x26: {  	s5 =	simm.s32 $0x80  }
0x27: {  	[tilespmem:s22], [sflag:$0x2] =	stream.indirect.gather [hbm4b:s1+s15], $0x80, s5, s15, $0xb8;
	[tilespmem:$0x1E000] =	vst v63  }
0x28: {  	s6 =	simm.s32 $0x2080  }
0x29: {  	[tilespmem:s24], [sflag:$0x2] =	stream.indirect.gather [hbm4b:s1+s15], $0x80, s6, s15, $0xb8;
	[tilespmem:$0x1E000] =	vst v63  }
0x2a: {  	s7 =	simm.s32 $0x4080  }
0x2b: {  	[tilespmem:s26], [sflag:$0x2] =	stream.indirect.gather [hbm4b:s1+s15], $0x80, s7, s15, $0xb8;
	[tilespmem:$0x1E000] =	vst v63  }
0x2c: {  	s8 =	simm.s32 $0x100  }
0x2d: {  	[tilespmem:s20], [sflag:$0x3] =	stream.indirect.gather [hbm4b:s1+s15], $0x80, s8, s15, $0xb8;
	[tilespmem:$0x1E000] =	vst v63  }
0x2e: {  	s9 =	simm.s32 $0x2100  }
0x2f: {  	[tilespmem:s29], [sflag:$0x3] =	stream.indirect.gather [hbm4b:s1+s15], $0x80, s9, s15, $0xb8;
	[tilespmem:$0x1E000] =	vst v63  }
0x30: {  	s11 =	simm.s32 $0x4100  }
0x31: {  	[tilespmem:s31], [sflag:$0x3] =	stream.indirect.gather [hbm4b:s1+s15], $0x80, s11, s15, $0xb8;
	[tilespmem:$0x1E000] =	vst v63  }
0x32: {  	_ =	swait.ge [sflag:s0], $0x2000  }
0x33: {  	[sflag:s0] =	ssyncset.done $0x0  }
0x34: {  	[sflag:s0] =	ssyncadd.s32 $0xFFFFE000  }
0x35: {  	_ =	swait.ge [sflag:s0], $0x2000  }
0x36: {  	[sflag:s0] =	ssyncset.done $0x0  }
0x37: {  	[sflag:s0] =	ssyncadd.s32 $0xFFFFE000  }
0x38: {  	_ =	swait.ge [sflag:s0], $0x2000  }
0x39: {  	p0 =	por $0x1, $0x1;
	[sflag:s0] =	ssyncset.done $0x0  }
0x3a: {  	s4 =	simm.s32 @!p0 $0x8;
	[sflag:s0] =	ssyncadd.s32 $0xFFFFE000  }
0x3b: {  	_ =	swait.ge @!p0 [sflag:s4], $0x2000  }
0x3c: {  	[sflag:s4] =	ssyncset.done @!p0 $0x0  }
0x3d: {  	[sflag:s4] =	ssyncadd.s32 @!p0 $0xFFFFE000  }
0x3e: {  	_ =	swait.ge @!p0 [sflag:s4], $0x2000  }
0x3f: {  	[sflag:s4] =	ssyncset.done @!p0 $0x0  }
0x40: {  	[sflag:s4] =	ssyncadd.s32 @!p0 $0xFFFFE000  }
0x41: {  	_ =	swait.ge @!p0 [sflag:s4], $0x2000  }
0x42: {  	[sflag:s4] =	ssyncset.done @!p0 $0x0  }
0x43: {  	s12 =	simm.s32 $0x180;
	[sflag:s4] =	ssyncadd.s32 @!p0 $0xFFFFE000  }
0x44: {  	[tilespmem:s2], [sflag:$0x4] =	stream.indirect.gather [hbm4b:s1+s15], $0x80, s12, s15, $0xb8;
	[tilespmem:$0x1E000] =	vst v63  }
0x45: {  	s13 =	simm.s32 $0x2180  }
0x46: {  	[tilespmem:s19], [sflag:$0x4] =	stream.indirect.gather [hbm4b:s1+s15], $0x80, s13, s15, $0xb8;
	[tilespmem:$0x1E000] =	vst v63  }
0x47: {  	s14 =	simm.s32 $0x4180;
	s13 =	rddreg [dreg:$0x9]  }
0x48: {  	[tilespmem:s21], [sflag:$0x4] =	stream.indirect.gather [hbm4b:s1+s15], $0x80, s14, s15, $0xb8;
	[tilespmem:$0x1E000] =	vst v63  }
0x49: {  	s12 =	rddreg [dreg:$0x8];
	s5 =	sadd.s32 s13, s10  }
0x4a: {  	[hbm4b:s5+s3] =	stream.linear.scatter [tilespmem:s16], [sflag:$0x5], $0x2000, $0x38;
	[tilespmem:$0x1E000] =	vst v63  }
0x4b: {  	s11 =	rddreg [dreg:$0x7];
	s6 =	sadd.s32 s12, s10  }
0x4c: {  	[hbm4b:s6+s3] =	stream.linear.scatter [tilespmem:s17], [sflag:$0x5], $0x2000, $0x38;
	[tilespmem:$0x1E000] =	vst v63  }
0x4d: {  	s4 =	sadd.s32 s11, s10  }
0x4e: {  	[hbm4b:s4+s3] =	stream.linear.scatter [tilespmem:s18], [sflag:$0x5], $0x2000, $0x38;
	[tilespmem:$0x1E000] =	vst v63  }
0x4f: {  	_ =	swait.ge [sflag:s23], $0x2000  }
0x50: {  	[sflag:s23] =	ssyncset.done $0x0  }
0x51: {  	[sflag:s23] =	ssyncadd.s32 $0xFFFFE000  }
0x52: {  	_ =	swait.ge [sflag:s23], $0x2000  }
0x53: {  	[sflag:s23] =	ssyncset.done $0x0  }
0x54: {  	[sflag:s23] =	ssyncadd.s32 $0xFFFFE000  }
0x55: {  	_ =	swait.ge [sflag:s23], $0x2000  }
0x56: {  	p0 =	por $0x0, $0x0;
	[sflag:s23] =	ssyncset.done $0x0  }
0x57: {  	s7 =	simm.s32 @!p0 $0x5;
	[sflag:s23] =	ssyncadd.s32 $0xFFFFE000  }
0x58: {  	_ =	swait.ge @!p0 [sflag:s7], $0x2000  }
0x59: {  	[sflag:s7] =	ssyncset.done @!p0 $0x0  }
0x5a: {  	[sflag:s7] =	ssyncadd.s32 @!p0 $0xFFFFE000  }
0x5b: {  	_ =	swait.ge @!p0 [sflag:s7], $0x2000  }
0x5c: {  	[sflag:s7] =	ssyncset.done @!p0 $0x0  }
0x5d: {  	[sflag:s7] =	ssyncadd.s32 @!p0 $0xFFFFE000  }
0x5e: {  	_ =	swait.ge @!p0 [sflag:s7], $0x2000  }
0x5f: {  	s8 =	simm.s32 @!p0 $0x200;
	[sflag:s7] =	ssyncset.done @!p0 $0x0  }
0x60: {  	s9 =	simm.s32 @!p0 $0x6000;
	[sflag:s7] =	ssyncadd.s32 @!p0 $0xFFFFE000;
	s7 =	simm.s32 @!p0 $0x40  }
0x61: {  	[tilespmem:s9], [sflag:$0x1] =	stream.indirect.gather @!p0 [hbm4b:s1+s7], $0x80, s8, s7, $0xb8;
	[tilespmem:$0x1E000] =	vst v63  }
0x62: {  	s8 =	simm.s32 @!p0 $0x2200;
	s9 =	simm.s32 @!p0 $0x8000  }
0x63: {  	[tilespmem:s9], [sflag:$0x1] =	stream.indirect.gather @!p0 [hbm4b:s1+s7], $0x80, s8, s7, $0xb8;
	[tilespmem:$0x1E000] =	vst v63  }
0x64: {  	s8 =	simm.s32 @!p0 $0x4200;
	s9 =	simm.s32 @!p0 $0xA000  }
0x65: {  	[tilespmem:s9], [sflag:$0x1] =	stream.indirect.gather @!p0 [hbm4b:s1+s7], $0x80, s8, s7, $0xb8;
	[tilespmem:$0x1E000] =	vst v63  }
0x66: {  	s30 =	sadd.s32 $0x400, s5  }
0x67: {  	[hbm4b:s30+s3] =	stream.linear.scatter [tilespmem:s22], [sflag:$0x6], $0x2000, $0x38;
	[tilespmem:$0x1E000] =	vst v63  }
0x68: {  	s9 =	sadd.s32 $0x400, s6  }
0x69: {  	[hbm4b:s9+s3] =	stream.linear.scatter [tilespmem:s24], [sflag:$0x6], $0x2000, $0x38;
	[tilespmem:$0x1E000] =	vst v63  }
0x6a: {  	s14 =	sadd.s32 $0x400, s4  }
0x6b: {  	[hbm4b:s14+s3] =	stream.linear.scatter [tilespmem:s26], [sflag:$0x6], $0x2000, $0x38;
	[tilespmem:$0x1E000] =	vst v63  }
0x6c: {  	_ =	swait.ge [sflag:s25], $0x2000  }
0x6d: {  	[sflag:s25] =	ssyncset.done $0x0  }
0x6e: {  	[sflag:s25] =	ssyncadd.s32 $0xFFFFE000  }
0x6f: {  	_ =	swait.ge [sflag:s25], $0x2000  }
0x70: {  	[sflag:s25] =	ssyncset.done $0x0  }
0x71: {  	[sflag:s25] =	ssyncadd.s32 $0xFFFFE000  }
0x72: {  	_ =	swait.ge [sflag:s25], $0x2000  }
0x73: {  	[sflag:s25] =	ssyncset.done $0x0  }
0x74: {  	s8 =	simm.s32 @!p0 $0x6;
	[sflag:s25] =	ssyncadd.s32 $0xFFFFE000  }
0x75: {  	_ =	swait.ge @!p0 [sflag:s8], $0x2000  }
0x76: {  	[sflag:s8] =	ssyncset.done @!p0 $0x0  }
0x77: {  	[sflag:s8] =	ssyncadd.s32 @!p0 $0xFFFFE000  }
0x78: {  	_ =	swait.ge @!p0 [sflag:s8], $0x2000  }
0x79: {  	[sflag:s8] =	ssyncset.done @!p0 $0x0  }
0x7a: {  	[sflag:s8] =	ssyncadd.s32 @!p0 $0xFFFFE000  }
0x7b: {  	_ =	swait.ge @!p0 [sflag:s8], $0x2000  }
0x7c: {  	[sflag:s8] =	ssyncset.done @!p0 $0x0  }
0x7d: {  	s9 =	simm.s32 @!p0 $0x280;
	[sflag:s8] =	ssyncadd.s32 @!p0 $0xFFFFE000;
	s8 =	simm.s32 @!p0 $0xC000  }
0x7e: {  	[tilespmem:s8], [sflag:$0x2] =	stream.indirect.gather @!p0 [hbm4b:s1+s7], $0x80, s9, s7, $0xb8;
	[tilespmem:$0x1E000] =	vst v63  }
0x7f: {  	s8 =	simm.s32 @!p0 $0x2280;
	s9 =	simm.s32 @!p0 $0xE000  }
0x80: {  	[tilespmem:s9], [sflag:$0x2] =	stream.indirect.gather @!p0 [hbm4b:s1+s7], $0x80, s8, s7, $0xb8;
	[tilespmem:$0x1E000] =	vst v63  }
0x81: {  	s8 =	simm.s32 @!p0 $0x4280;
	s9 =	simm.s32 @!p0 $0x10000  }
0x82: {  	[tilespmem:s9], [sflag:$0x2] =	stream.indirect.gather @!p0 [hbm4b:s1+s7], $0x80, s8, s7, $0xb8;
	[tilespmem:$0x1E000] =	vst v63  }
0x83: {  	s22 =	sadd.s32 $0x800, s5  }
0x84: {  	[hbm4b:s22+s3] =	stream.linear.scatter [tilespmem:s20], [sflag:$0x7], $0x2000, $0x38;
	[tilespmem:$0x1E000] =	vst v63  }
0x85: {  	s24 =	sadd.s32 $0x800, s6  }
0x86: {  	[hbm4b:s24+s3] =	stream.linear.scatter [tilespmem:s29], [sflag:$0x7], $0x2000, $0x38;
	[tilespmem:$0x1E000] =	vst v63  }
0x87: {  	s26 =	sadd.s32 $0x800, s4  }
0x88: {  	[hbm4b:s26+s3] =	stream.linear.scatter [tilespmem:s31], [sflag:$0x7], $0x2000, $0x38;
	[tilespmem:$0x1E000] =	vst v63  }
0x89: {  	_ =	swait.ge [sflag:s28], $0x2000  }
0x8a: {  	[sflag:s28] =	ssyncset.done $0x0  }
0x8b: {  	[sflag:s28] =	ssyncadd.s32 $0xFFFFE000  }
0x8c: {  	_ =	swait.ge [sflag:s28], $0x2000  }
0x8d: {  	[sflag:s28] =	ssyncset.done $0x0  }
0x8e: {  	[sflag:s28] =	ssyncadd.s32 $0xFFFFE000  }
0x8f: {  	_ =	swait.ge [sflag:s28], $0x2000  }
0x90: {  	[sflag:s28] =	ssyncset.done $0x0  }
0x91: {  	s8 =	simm.s32 @!p0 $0x7;
	[sflag:s28] =	ssyncadd.s32 $0xFFFFE000  }
0x92: {  	_ =	swait.ge @!p0 [sflag:s8], $0x2000  }
0x93: {  	[sflag:s8] =	ssyncset.done @!p0 $0x0  }
0x94: {  	[sflag:s8] =	ssyncadd.s32 @!p0 $0xFFFFE000  }
0x95: {  	_ =	swait.ge @!p0 [sflag:s8], $0x2000  }
0x96: {  	[sflag:s8] =	ssyncset.done @!p0 $0x0  }
0x97: {  	[sflag:s8] =	ssyncadd.s32 @!p0 $0xFFFFE000  }
0x98: {  	_ =	swait.ge @!p0 [sflag:s8], $0x2000  }
0x99: {  	[sflag:s8] =	ssyncset.done @!p0 $0x0  }
0x9a: {  	s9 =	simm.s32 @!p0 $0x300;
	[sflag:s8] =	ssyncadd.s32 @!p0 $0xFFFFE000;
	s8 =	simm.s32 @!p0 $0x12000  }
0x9b: {  	[tilespmem:s8], [sflag:$0x3] =	stream.indirect.gather @!p0 [hbm4b:s1+s7], $0x80, s9, s7, $0xb8;
	[tilespmem:$0x1E000] =	vst v63  }
0x9c: {  	s8 =	simm.s32 @!p0 $0x2300;
	s9 =	simm.s32 @!p0 $0x14000  }
0x9d: {  	[tilespmem:s9], [sflag:$0x3] =	stream.indirect.gather @!p0 [hbm4b:s1+s7], $0x80, s8, s7, $0xb8;
	[tilespmem:$0x1E000] =	vst v63  }
0x9e: {  	s5 =	sadd.s32 $0xC00, s5;
	s8 =	simm.s32 @!p0 $0x4300;
	s9 =	simm.s32 @!p0 $0x16000  }
0x9f: {  	[tilespmem:s9], [sflag:$0x3] =	stream.indirect.gather @!p0 [hbm4b:s1+s7], $0x80, s8, s7, $0xb8;
	[tilespmem:$0x1E000] =	vst v63  }
0xa0: {  	s30 =	sadd.s32 $0xC00, s6;
	s14 =	simm.s32 $0x800;
	s4 =	sadd.s32 $0xC00, s4  }
0xa1: {  	[hbm4b:s5+s3] =	stream.linear.scatter [tilespmem:s2], [sflag:$0x8], $0x2000, $0x38;
	[tilespmem:$0x1E000] =	vst v63  }
0xa2: {  	s7 =	sadd.s32 $0x1000, s13;
	s8 =	sadd.s32 $0x1000, s11;
	s9 =	sadd.s32 $0x1000, s12  }
0xa3: {  	[hbm4b:s30+s3] =	stream.linear.scatter [tilespmem:s19], [sflag:$0x8], $0x2000, $0x38;
	[tilespmem:$0x1E000] =	vst v63  }
.LBB2_2:
0xa4: {  	[hbm4b:s4+s3] =	stream.linear.scatter [tilespmem:s21], [sflag:$0x8], $0x2000, $0x38;
	[tilespmem:$0x1E000] =	vst v63  }
0xa5: {  	s4 =	smov.u32 s14;
	s14 =	sadd.s32 $0x800, s14;
	_ =	swait.ge [sflag:s0], $0x2000  }
0xa6: {  	p0 =	sne.s32 s14, $0x8000;
	[sflag:s0] =	ssyncset.done $0x0  }
0xa7: {  	[sflag:s0] =	ssyncadd.s32 $0xFFFFE000  }
0xa8: {  	_ =	swait.ge [sflag:s0], $0x2000  }
0xa9: {  	[sflag:s0] =	ssyncset.done $0x0  }
0xaa: {  	[sflag:s0] =	ssyncadd.s32 $0xFFFFE000  }
0xab: {  	_ =	swait.ge [sflag:s0], $0x2000  }
0xac: {  	p1 =	seq.s32 s4, $0x0;
	[sflag:s0] =	ssyncset.done $0x0  }
0xad: {  	s5 =	simm.s32 @!p1 $0x8;
	[sflag:s0] =	ssyncadd.s32 $0xFFFFE000  }
0xae: {  	_ =	swait.ge @!p1 [sflag:s5], $0x2000  }
0xaf: {  	[sflag:s5] =	ssyncset.done @!p1 $0x0  }
0xb0: {  	[sflag:s5] =	ssyncadd.s32 @!p1 $0xFFFFE000  }
0xb1: {  	_ =	swait.ge @!p1 [sflag:s5], $0x2000  }
0xb2: {  	[sflag:s5] =	ssyncset.done @!p1 $0x0  }
0xb3: {  	[sflag:s5] =	ssyncadd.s32 @!p1 $0xFFFFE000  }
0xb4: {  	_ =	swait.ge @!p1 [sflag:s5], $0x2000  }
0xb5: {  	s6 =	sshra.s32 s4, $0x2;
	[sflag:s5] =	ssyncset.done @!p1 $0x0  }
0xb6: {  	[sflag:s5] =	ssyncadd.s32 @!p1 $0xFFFFE000;
	s5 =	sadd.s32 $0x180, s6  }
0xb7: {  	[tilespmem:s2], [sflag:$0x4] =	stream.indirect.gather [hbm4b:s1+s15], $0x80, s5, s15, $0xb8;
	[tilespmem:$0x1E000] =	vst v63  }
0xb8: {  	s5 =	sadd.s32 $0x2180, s6  }
0xb9: {  	[tilespmem:s19], [sflag:$0x4] =	stream.indirect.gather [hbm4b:s1+s15], $0x80, s5, s15, $0xb8;
	[tilespmem:$0x1E000] =	vst v63  }
0xba: {  	s5 =	sadd.s32 $0x4180, s6  }
0xbb: {  	[tilespmem:s21], [sflag:$0x4] =	stream.indirect.gather [hbm4b:s1+s15], $0x80, s5, s15, $0xb8;
	[tilespmem:$0x1E000] =	vst v63  }
0xbc: {  	s12 =	sadd.s32 s7, s10  }
0xbd: {  	[hbm4b:s12+s3] =	stream.linear.scatter [tilespmem:s16], [sflag:$0x5], $0x2000, $0x38;
	[tilespmem:$0x1E000] =	vst v63  }
0xbe: {  	s30 =	sadd.s32 s9, s10  }
0xbf: {  	[hbm4b:s30+s3] =	stream.linear.scatter [tilespmem:s17], [sflag:$0x5], $0x2000, $0x38;
	[tilespmem:$0x1E000] =	vst v63  }
0xc0: {  	s11 =	sadd.s32 s8, s10  }
0xc1: {  	[hbm4b:s11+s3] =	stream.linear.scatter [tilespmem:s18], [sflag:$0x5], $0x2000, $0x38;
	[tilespmem:$0x1E000] =	vst v63  }
0xc2: {  	_ =	swait.ge [sflag:s23], $0x2000  }
0xc3: {  	[sflag:s23] =	ssyncset.done $0x0  }
0xc4: {  	[sflag:s23] =	ssyncadd.s32 $0xFFFFE000  }
0xc5: {  	_ =	swait.ge [sflag:s23], $0x2000  }
0xc6: {  	[sflag:s23] =	ssyncset.done $0x0  }
0xc7: {  	[sflag:s23] =	ssyncadd.s32 $0xFFFFE000  }
0xc8: {  	_ =	swait.ge [sflag:s23], $0x2000  }
0xc9: {  	p1 =	seq.s32 s4, $0x7800;
	[sflag:s23] =	ssyncset.done $0x0  }
0xca: {  	s4 =	sshra.s32 @!p1 s4, $0x2;
	s6 =	simm.s32 @!p1 $0x5;
	[sflag:s23] =	ssyncadd.s32 $0xFFFFE000  }
0xcb: {  	s20 =	sadd.s32 @!p1 $0x200, s4;
	s22 =	sadd.s32 @!p1 $0x2200, s4;
	_ =	swait.ge @!p1 [sflag:s6], $0x2000  }
0xcc: {  	s24 =	sadd.s32 @!p1 $0x4200, s4;
	s18 =	sadd.s32 @!p1 $0x280, s4;
	[sflag:s6] =	ssyncset.done @!p1 $0x0  }
0xcd: {  	s16 =	sadd.s32 @!p1 $0x4280, s4;
	s17 =	sadd.s32 @!p1 $0x2280, s4;
	[sflag:s6] =	ssyncadd.s32 @!p1 $0xFFFFE000  }
0xce: {  	s13 =	sadd.s32 @!p1 $0x2300, s4;
	s5 =	sadd.s32 @!p1 $0x300, s4;
	_ =	swait.ge @!p1 [sflag:s6], $0x2000  }
0xcf: {  	s4 =	sadd.s32 @!p1 $0x4300, s4;
	[sflag:s6] =	ssyncset.done @!p1 $0x0  }
0xd0: {  	[sflag:s6] =	ssyncadd.s32 @!p1 $0xFFFFE000  }
0xd1: {  	_ =	swait.ge @!p1 [sflag:s6], $0x2000  }
0xd2: {  	[sflag:s6] =	ssyncset.done @!p1 $0x0  }
0xd3: {  	s26 =	simm.s32 @!p1 $0x6000;
	[sflag:s6] =	ssyncadd.s32 @!p1 $0xFFFFE000;
	s6 =	simm.s32 @!p1 $0x40  }
0xd4: {  	[tilespmem:s26], [sflag:$0x1] =	stream.indirect.gather @!p1 [hbm4b:s1+s6], $0x80, s20, s6, $0xb8;
	[tilespmem:$0x1E000] =	vst v63  }
0xd5: {  	s26 =	simm.s32 $0x10000  }
0xd6: {  	s20 =	simm.s32 @!p1 $0x8000  }
0xd7: {  	[tilespmem:s20], [sflag:$0x1] =	stream.indirect.gather @!p1 [hbm4b:s1+s6], $0x80, s22, s6, $0xb8;
	[tilespmem:$0x1E000] =	vst v63  }
0xd8: {  	s22 =	simm.s32 $0xC000  }
0xd9: {  	s20 =	simm.s32 @!p1 $0xA000  }
0xda: {  	[tilespmem:s20], [sflag:$0x1] =	stream.indirect.gather @!p1 [hbm4b:s1+s6], $0x80, s24, s6, $0xb8;
	[tilespmem:$0x1E000] =	vst v63  }
0xdb: {  	s24 =	simm.s32 $0xE000  }
0xdc: {  	s20 =	sadd.s32 $0x400, s12  }
0xdd: {  	[hbm4b:s20+s3] =	stream.linear.scatter [tilespmem:s22], [sflag:$0x6], $0x2000, $0x38;
	[tilespmem:$0x1E000] =	vst v63  }
0xde: {  	s20 =	sadd.s32 $0x400, s30  }
0xdf: {  	[hbm4b:s20+s3] =	stream.linear.scatter [tilespmem:s24], [sflag:$0x6], $0x2000, $0x38;
	[tilespmem:$0x1E000] =	vst v63  }
0xe0: {  	s20 =	sadd.s32 $0x400, s11  }
0xe1: {  	[hbm4b:s20+s3] =	stream.linear.scatter [tilespmem:s26], [sflag:$0x6], $0x2000, $0x38;
	[tilespmem:$0x1E000] =	vst v63  }
0xe2: {  	_ =	swait.ge [sflag:s25], $0x2000  }
0xe3: {  	[sflag:s25] =	ssyncset.done $0x0  }
0xe4: {  	[sflag:s25] =	ssyncadd.s32 $0xFFFFE000  }
0xe5: {  	_ =	swait.ge [sflag:s25], $0x2000  }
0xe6: {  	[sflag:s25] =	ssyncset.done $0x0  }
0xe7: {  	[sflag:s25] =	ssyncadd.s32 $0xFFFFE000  }
0xe8: {  	_ =	swait.ge [sflag:s25], $0x2000  }
0xe9: {  	[sflag:s25] =	ssyncset.done $0x0  }
0xea: {  	s20 =	simm.s32 @!p1 $0x6;
	[sflag:s25] =	ssyncadd.s32 $0xFFFFE000  }
0xeb: {  	_ =	swait.ge @!p1 [sflag:s20], $0x2000  }
0xec: {  	[sflag:s20] =	ssyncset.done @!p1 $0x0  }
0xed: {  	[sflag:s20] =	ssyncadd.s32 @!p1 $0xFFFFE000  }
0xee: {  	_ =	swait.ge @!p1 [sflag:s20], $0x2000  }
0xef: {  	[sflag:s20] =	ssyncset.done @!p1 $0x0  }
0xf0: {  	[sflag:s20] =	ssyncadd.s32 @!p1 $0xFFFFE000  }
0xf1: {  	_ =	swait.ge @!p1 [sflag:s20], $0x2000  }
0xf2: {  	[sflag:s20] =	ssyncset.done @!p1 $0x0  }
0xf3: {  	[sflag:s20] =	ssyncadd.s32 @!p1 $0xFFFFE000;
	s20 =	simm.s32 @!p1 $0xC000  }
0xf4: {  	[tilespmem:s20], [sflag:$0x2] =	stream.indirect.gather @!p1 [hbm4b:s1+s6], $0x80, s18, s6, $0xb8;
	[tilespmem:$0x1E000] =	vst v63  }
0xf5: {  	s20 =	simm.s32 $0x12000  }
0xf6: {  	s18 =	simm.s32 @!p1 $0xE000  }
0xf7: {  	[tilespmem:s18], [sflag:$0x2] =	stream.indirect.gather @!p1 [hbm4b:s1+s6], $0x80, s17, s6, $0xb8;
	[tilespmem:$0x1E000] =	vst v63  }
0xf8: {  	s18 =	simm.s32 $0xA000  }
0xf9: {  	s17 =	simm.s32 @!p1 $0x10000  }
0xfa: {  	[tilespmem:s17], [sflag:$0x2] =	stream.indirect.gather @!p1 [hbm4b:s1+s6], $0x80, s16, s6, $0xb8;
	[tilespmem:$0x1E000] =	vst v63  }
0xfb: {  	s17 =	simm.s32 $0x8000  }
0xfc: {  	s16 =	sadd.s32 $0x800, s12  }
0xfd: {  	[hbm4b:s16+s3] =	stream.linear.scatter [tilespmem:s20], [sflag:$0x7], $0x2000, $0x38;
	[tilespmem:$0x1E000] =	vst v63  }
0xfe: {  	s16 =	sadd.s32 $0x800, s30  }
0xff: {  	[hbm4b:s16+s3] =	stream.linear.scatter [tilespmem:s29], [sflag:$0x7], $0x2000, $0x38;
	[tilespmem:$0x1E000] =	vst v63  }
0x100: {  	s16 =	sadd.s32 $0x800, s11  }
0x101: {  	[hbm4b:s16+s3] =	stream.linear.scatter [tilespmem:s31], [sflag:$0x7], $0x2000, $0x38;
	[tilespmem:$0x1E000] =	vst v63  }
0x102: {  	_ =	swait.ge [sflag:s28], $0x2000  }
0x103: {  	[sflag:s28] =	ssyncset.done $0x0  }
0x104: {  	[sflag:s28] =	ssyncadd.s32 $0xFFFFE000  }
0x105: {  	_ =	swait.ge [sflag:s28], $0x2000  }
0x106: {  	[sflag:s28] =	ssyncset.done $0x0  }
0x107: {  	[sflag:s28] =	ssyncadd.s32 $0xFFFFE000  }
0x108: {  	_ =	swait.ge [sflag:s28], $0x2000  }
0x109: {  	[sflag:s28] =	ssyncset.done $0x0  }
0x10a: {  	s16 =	simm.s32 @!p1 $0x7;
	[sflag:s28] =	ssyncadd.s32 $0xFFFFE000  }
0x10b: {  	_ =	swait.ge @!p1 [sflag:s16], $0x2000  }
0x10c: {  	[sflag:s16] =	ssyncset.done @!p1 $0x0  }
0x10d: {  	[sflag:s16] =	ssyncadd.s32 @!p1 $0xFFFFE000  }
0x10e: {  	_ =	swait.ge @!p1 [sflag:s16], $0x2000  }
0x10f: {  	[sflag:s16] =	ssyncset.done @!p1 $0x0  }
0x110: {  	[sflag:s16] =	ssyncadd.s32 @!p1 $0xFFFFE000  }
0x111: {  	_ =	swait.ge @!p1 [sflag:s16], $0x2000  }
0x112: {  	[sflag:s16] =	ssyncset.done @!p1 $0x0  }
0x113: {  	[sflag:s16] =	ssyncadd.s32 @!p1 $0xFFFFE000;
	s16 =	simm.s32 @!p1 $0x12000  }
0x114: {  	[tilespmem:s16], [sflag:$0x3] =	stream.indirect.gather @!p1 [hbm4b:s1+s6], $0x80, s5, s6, $0xb8;
	[tilespmem:$0x1E000] =	vst v63  }
0x115: {  	s16 =	simm.s32 $0x6000  }
0x116: {  	s5 =	simm.s32 @!p1 $0x14000  }
0x117: {  	[tilespmem:s5], [sflag:$0x3] =	stream.indirect.gather @!p1 [hbm4b:s1+s6], $0x80, s13, s6, $0xb8;
	[tilespmem:$0x1E000] =	vst v63  }
0x118: {  	s5 =	simm.s32 @!p1 $0x16000  }
0x119: {  	[tilespmem:s5], [sflag:$0x3] =	stream.indirect.gather @!p1 [hbm4b:s1+s6], $0x80, s4, s6, $0xb8;
	[tilespmem:$0x1E000] =	vst v63  }
.Ltmp0:
0x11a: {  	s4 =	sadd.s32 $0xC00, s12;
	(pc) =	sbr.rel @p0 .LBB2_2-.Ltmp0, $4  }
0x11b: {  	[hbm4b:s4+s3] =	stream.linear.scatter [tilespmem:s2], [sflag:$0x8], $0x2000, $0x38;
	[tilespmem:$0x1E000] =	vst v63  }
0x11c: {  	s7 =	sadd.s32 $0x1000, s7;
	s4 =	sadd.s32 $0xC00, s30  }
0x11d: {  	[hbm4b:s4+s3] =	stream.linear.scatter [tilespmem:s19], [sflag:$0x8], $0x2000, $0x38;
	[tilespmem:$0x1E000] =	vst v63  }
0x11e: {  	s8 =	sadd.s32 $0x1000, s8;
	s9 =	sadd.s32 $0x1000, s9;
	s4 =	sadd.s32 $0xC00, s11  }
0x11f: {  	[hbm4b:s4+s3] =	stream.linear.scatter [tilespmem:s21], [sflag:$0x8], $0x2000, $0x38;
	[tilespmem:$0x1E000] =	vst v63  }
0x120: {  	s12 =	simm.s32 $0x5  }
0x121: {  	_ =	swait.ge [sflag:s12], $0x2000  }
0x122: {  	[sflag:s12] =	ssyncset.done $0x0  }
0x123: {  	[sflag:s12] =	ssyncadd.s32 $0xFFFFE000  }
0x124: {  	_ =	swait.ge [sflag:s12], $0x2000  }
0x125: {  	[sflag:s12] =	ssyncset.done $0x0  }
0x126: {  	[sflag:s12] =	ssyncadd.s32 $0xFFFFE000  }
0x127: {  	_ =	swait.ge [sflag:s12], $0x2000  }
0x128: {  	[sflag:s12] =	ssyncset.done $0x0  }
0x129: {  	s13 =	simm.s32 $0x6;
	[sflag:s12] =	ssyncadd.s32 $0xFFFFE000  }
0x12a: {  	_ =	swait.ge [sflag:s13], $0x2000  }
0x12b: {  	[sflag:s13] =	ssyncset.done $0x0  }
0x12c: {  	[sflag:s13] =	ssyncadd.s32 $0xFFFFE000  }
0x12d: {  	_ =	swait.ge [sflag:s13], $0x2000  }
0x12e: {  	[sflag:s13] =	ssyncset.done $0x0  }
0x12f: {  	[sflag:s13] =	ssyncadd.s32 $0xFFFFE000  }
0x130: {  	_ =	swait.ge [sflag:s13], $0x2000  }
0x131: {  	[sflag:s13] =	ssyncset.done $0x0  }
0x132: {  	s14 =	simm.s32 $0x7;
	[sflag:s13] =	ssyncadd.s32 $0xFFFFE000  }
0x133: {  	_ =	swait.ge [sflag:s14], $0x2000  }
0x134: {  	[sflag:s14] =	ssyncset.done $0x0  }
0x135: {  	[sflag:s14] =	ssyncadd.s32 $0xFFFFE000  }
0x136: {  	_ =	swait.ge [sflag:s14], $0x2000  }
0x137: {  	[sflag:s14] =	ssyncset.done $0x0  }
0x138: {  	[sflag:s14] =	ssyncadd.s32 $0xFFFFE000  }
0x139: {  	_ =	swait.ge [sflag:s14], $0x2000  }
0x13a: {  	[sflag:s14] =	ssyncset.done $0x0  }
0x13b: {  	s5 =	simm.s32 $0x8;
	[sflag:s14] =	ssyncadd.s32 $0xFFFFE000  }
0x13c: {  	_ =	swait.ge [sflag:s5], $0x2000  }
0x13d: {  	[sflag:s5] =	ssyncset.done $0x0  }
0x13e: {  	[sflag:s5] =	ssyncadd.s32 $0xFFFFE000  }
0x13f: {  	_ =	swait.ge [sflag:s5], $0x2000  }
0x140: {  	[sflag:s5] =	ssyncset.done $0x0  }
0x141: {  	[sflag:s5] =	ssyncadd.s32 $0xFFFFE000  }
0x142: {  	_ =	swait.ge [sflag:s5], $0x2000  }
0x143: {  	s6 =	rddreg [dreg:$0xa]  }
0x144: {  	s30 =	rddreg [dreg:$0x6];
	s6 =	sadd.s32 $0x1, s6  }
0x145: {  	p0 =	sne.s32 s6, s30  }
.Ltmp1:
0x146: {  	_ = 	snop;
	(pc) =	sbr.rel @p0 .LBB2_1-.Ltmp1, $3  }
0x147: {  	_ =	sdelay $0x1  }
0x148: {  	[sflag:s5] =	ssyncset.done $0x0  }
0x149: {  	[sflag:s5] =	ssyncadd.s32 $0xFFFFE000  }
0x14a: {  	_ =	sfence.sel $0x180000  }
0x14b: {  	[bflag:$0x0] =	sbarrier.arrive $0xFFFF  }
0x14c: {  	_ =	strace $0x9000004D  }
0x14d: {  	s0 =	stileid.u32;
	[bflag:$0x2] =	sbarrier.arrive $0xFFFF  }
0x14e: {  	p0 =	sne.s32 s0, $0x0;
	s0 =	rddreg [dreg:$0x2]  }
0x14f: {  	s0 =	sadd.s32 @!p0 $0x100000, s0  }
0x150: {  	[sflag:s0] =	ssyncadd.tile.s32 @!p0 $0x1;
	_ =	shalt  }
.Lfunc_end2:
_tile_overlayer_lowered:
.L_overlay_start_2:
0x151: {  	(tag) =	ssettag $0x2  }
0x152: {  	s0 =	rddreg [dreg:$0x0];
	s2 =	stileid.u32  }
0x153: {  	s1 =	rddreg [dreg:$0x1];
	p0 =	sne.s32 s2, $0x0  }
0x154: {  	s3 =	rddreg [dreg:$0x2];
	[bflag:$0x3] =	sbarrier.arrive $0xFFFF;
	s2 =	simm.s32 @!p0 $0x1C09  }
0x155: {  	[timem:s3], [sflag:s2] =	dma.local @!p0 [hbm:s0], s1  }
0x156: {  	s0 =	simm.s32 @!p0 $0x9  }
0x157: {  	_ =	swait.ge @!p0 [sflag:s0], s1  }
0x158: {  	s1 =	ssub.s32 @!p0 $0x0, s1;
	[sflag:s0] =	ssyncset.done @!p0 $0x0  }
0x159: {  	[sflag:s0] =	ssyncadd.s32 @!p0 s1  }
0x15a: {  	[bflag:$0x3] =	sbarrier.arrive $0xFFFF  }
0x15b: {  	_ =	shalt  }

// kernel: sparse-core-data-format-call.cloned.1.call-start
scs
called_computation_lowered:
.L_overlay_start_0:
0x0: {  	s1 =	sld [smem:$0x3FD9]  }
0x1: {  	s2 =	sld [smem:$0x3FFE];
	_ =	sdelay $0x1  }
0x2: {  	s3 =	srdreg.scid  }
0x3: {  	s0 =	sand.u32 $0x1, s3  }
0x4: {  	s17 =	sshll.u32 s0, $0xA;
	s1 =	sadd.s32 s2, s1  }
0x5: {  	s1 =	sadd.s32 s1, s17  }
0x6: {  	[smem:$0x3FB0] =	sst s1  }
0x7: {  	_ = 	snop  }
0x8: {  	(tm) =	ssettm $0x1  }
0x9: {  	s18 =	sld [smem:$0x3FFB];
	_ =	sdelay $0x3  }
0xa: {  	_ =	strace s18  }
0xb: {  	s1 =	sld [smem:$0x3FFC];
	_ =	sdelay $0x3  }
0xc: {  	_ =	strace s1  }
0xd: {  	s1 =	sld [smem:$0x3FFD];
	_ =	sdelay $0x3  }
0xe: {  	_ =	strace s1  }
0xf: {  	_ =	strace $0x8FFFFFFF  }
0x10: {  	s19 =	sld [smem:$0x3FDB];
	_ =	sdelay $0x1  }
0x11: {  	s20 =	simm.s32 $_scs_section_size  }
0x12: {  	s4 =	simm.s32 $_size__tile_overlayer_lowered;
	s5 =	simm.s32 $_tile_overlayer_lowered  }
0x13: {  	s23 =	simm.s32 $0x1BFF;
	s22 =	sshll.u32 s5, $0x1;
	s1 =	sadd.s32 s20, s19  }
0x14: {  	s6 =	simm.s32 $0x0;
	s21 =	sshll.u32 s4, $0x1;
	s4 =	sadd.s32 s22, s1  }
0x15: {  	[timem:s6], [sflag:s23] =	dma.local [hbm:s4], s21  }
0x16: {  	_ =	swait.ge [sflag:s23], s21  }
0x17: {  	s2 =	ssub.s32 $0x0, s21;
	[sflag:s23] =	ssyncset.done $0x0  }
0x18: {  	[sflag:s23] =	ssyncadd.s32 s2;
	_ =	sdelay $0x1  }
0x19: {  	s24 =	simm.s32 $0x1B8B  }
0x1a: {  	_ =	swait.ge [sflag:s24], $0x1  }
0x1b: {  	[sflag:s24] =	ssyncset.done $0x0  }
0x1c: {  	s26 =	simm.s32 $0x1B8E;
	s25 =	sld [smem:$0x3FFE];
	[sflag:s24] =	ssyncadd.s32 $0xFFFFFFFF  }
0x1d: {  	s27 =	simm.s32 $execute0_lowered;
	[smem:$0x3FD2] =	sst s26  }
0x1e: {  	s4 =	sshll.u32 s27, $0x1;
	_ =	strace $0x80000046;
	[dreg:$0x1] =	wrdreg $0xFFFFFFFF  }
0x1f: {  	s28 =	simm.s32 $_size_execute0_lowered;
	s1 =	sadd.s32 s1, s4;
	[dreg:$0x0] =	wrdreg $0x0  }
0x20: {  	s4 =	sshll.u32 s28, $0x1;
	[dreg:$0x2] =	wrdreg s1  }
0x21: {  	[dreg:$0x3] =	wrdreg s4  }
0x22: {  	[dreg:$0x4] =	wrdreg $0xC0  }
0x23: {  	_ =	task [dreg:s6], $0x5FFFF  }
0x24: {  	[dreg:$0x1] =	wrdreg $0xFFFFFFFF  }
0x25: {  	[dreg:$0x0] =	wrdreg $0x60  }
0x26: {  	[dreg:$0x2] =	wrdreg s25  }
0x27: {  	[dreg:$0x3] =	wrdreg $0x9  }
0x28: {  	_ =	task.clear_ibuf [dreg:s6], $0x4FFFF;
	_ =	strace $0x90000046  }
0x29: {  	s29 =	simm.s32 $0x9;
	_ =	strace $0x80000048  }
0x2a: {  	_ =	swait.ge [sflag:s29], $0x1  }
0x2b: {  	[sflag:s29] =	ssyncadd.s32 $0xFFFFFFFF  }
0x2c: {  	_ =	strace $0x90000048  }
0x2d: {  	_ =	sfence  }
0x2e: {  	s30 =	sld [smem:$0x0];
	_ =	sdelay $0x2  }
0x2f: {  	s31 =	sshll.u32 s3, $0xD;
	s3 =	sshrl.u32 s3, $0x2  }
0x30: {  	s2 =	sand.u32 $0x4000, s31;
	s1 =	sadd.s32 s3, s30  }
0x31: {  	s0 =	sor.u32 s2, s0;
	s1 =	sshll.u32 s1, $0x11  }
0x32: {  	s0 =	sor.u32 s1, s0  }
0x33: {  	s0 =	sadd.s32 $0x8F2B, s0  }
0x34: {  	[sflag:s0] =	ssyncadd.remote.s32 $0x1  }
0x35: {  	_ =	sfence.sel $0xFFFF  }
0x36: {  	[dreg:$0x0] =	wrdreg $0xFFFFFFFF;
	(pc) =	sbr.abs _section_cstart, $3  }
0x37: {  	[dreg:$0x1] =	wrdreg $0xFFFFFFFF  }
0x38: {  	_ =	task.clear_ibuf [dreg:s6], $0x2FFFF;
	_ =	strace $0x9FFFFFFF  }
0x39: {  	(tm) =	ssettm $0x7FFFFFFF  }
tec
execute0_lowered:
.L_overlay_start_1:
0x0: {  	(tag) =	ssettag $0x1  }
0x1: {  	s1 =	srdreg.scid;
	s0 =	stileid.u32  }
0x2: {  	s4 =	rddreg [dreg:$0x0];
	s7 =	simm.s32 $0x1;
	s31 =	simm.s32 $0x2  }
0x3: {  	s16 =	simm.s32 $0x0;
	s9 =	simm.s32 $0x4000;
	s1 =	sshll.u32 s1, $0x4  }
0x4: {  	s10 =	simm.s32 $0x1000;
	s19 =	simm.s32 $0x0;
	s1 =	sor.u32 s0, s1  }
0x5: {  	s17 =	simm.s32 $0x0;
	s18 =	simm.s32 $0x0;
	s1 =	sshrl.u32 s1, $0x2  }
0x6: {  	s11 =	simm.s32 $0x0;
	s13 =	simm.s32 $0x0;
	s2 =	sand.u32 $0x6, s1  }
0x7: {  	s15 =	simm.s32 $0x0;
	s3 =	sadd.s32 $0x4600, s4;
	s5 =	ssub.s32 $0x40, s2  }
0x8: {  	s4 =	sadd.s32 $0x194600, s4;
	s1 =	rddreg [dreg:$0x1];
	s6 =	sand.u32 $0x6, s5  }
.Ltmp0:
0x9: {  	_ =	strace $0x80000047;
	p0 =	sne.s32 s6, $0x0;
	(pc) =	sbr.rel .LBB1_1-.Ltmp0, $4  }
0xa: {  	s12 =	smov.u32 s2;
	s8 =	sshrl.u32 s5, $0x3;
	s7 =	simm.s32 @!p0 $0x0  }
0xb: {  	s5 =	sand.u32 $0x7, s0;
	s6 =	simm.s32 $0x1;
	s7 =	sadd.s32 s7, s8  }
0xc: {  	s14 =	smov.u32 s5;
	[sflag:s6] =	ssyncpa.u1 $0x0;
	s7 =	sshll.u32 s7, $0x2  }
0xd: {  	p0 =	por $0x0, $0x0;
	[sflag:s31] =	ssyncpa.u1 $0x0;
	s8 =	sor.u32 $0x1, s7  }
.LBB1_6:
0xe: {  	v5 =	vld [tilespmem:s21+$0xFFFFFFD0];
	[tilespmem:s23+$0x2040 ss:$0x81] =	vst.msk $0xffff, v2  }
0xf: {  	v58 =	vld [tilespmem:s21+$0xFFFFFFE0];
	[tilespmem:s23+$0x2850 ss:$0x81] =	vst.msk $0xffff, v3  }
0x10: {  	s24 =	sshra.s32 s24, $0x2;
	v59 =	vld [tilespmem:s21+$0xFFFFFFF0];
	[tilespmem:s23+$0x3060 ss:$0x81] =	vst.msk $0xffff, v4  }
0x11: {  	v60 =	vld [tilespmem:s21+$0x0];
	[tilespmem:s23+$0x0 ss:$0x81] =	vst.msk $0xffff, v0;
	s22 =	sadd.s32 s24, s22  }
0x12: {  	s19 =	sshll.u32 s19, $0x7;
	s26 =	sshll.u32 s17, $0x3;
	v61 =	vld [tilespmem:s21+$0x10];
	s28 =	sshll.u32 s17, $0x1;
	[tilespmem:s22+$0x3870 ss:$0x81] =	vst.msk $0xffff, v1  }
0x13: {  	v62 =	vld [tilespmem:s21+$0x20];
	s18 =	sshll.u32 s18, $0x12;
	s27 =	sand.u32 $0x1C00, s19;
	s23 =	sand.u32 $0x1C00, s26;
	[tilespmem:s22+$0x810 ss:$0x81] =	vst.msk $0xffff, v5  }
0x14: {  	v63 =	vld [tilespmem:s21+$0xFFFFFFC0];
	s30 =	sshrl.u32 s17, $0x3;
	s19 =	sand.u32 $0x300, s19;
	s23 =	sadd.s32 s23, s27;
	[tilespmem:s22+$0x1020 ss:$0x81] =	vst.msk $0xffff, v58  }
0x15: {  	s16 =	sshll.u32 s16, $0x9;
	s29 =	sand.u32 $0x80, s28;
	s19 =	sor.u32 s19, s23;
	[tilespmem:s22+$0x1830 ss:$0x81] =	vst.msk $0xffff, v59  }
0x16: {  	s21 =	sand.u32 $0x7, s30;
	s18 =	sadd.s32 s4, s18;
	s19 =	sor.u32 s29, s19;
	[tilespmem:s22+$0x2040 ss:$0x81] =	vst.msk $0xffff, v60  }
0x17: {  	s31 =	sand.u32 $0x7, s17;
	s18 =	sadd.s32 s21, s18;
	s19 =	sshrl.u32 s19, $0x4;
	[tilespmem:s22+$0x2850 ss:$0x81] =	vst.msk $0xffff, v61  }
0x18: {  	s17 =	sshll.u32 s31, $0x12;
	s16 =	sadd.s32 s16, s18;
	[tilespmem:s22+$0x3060 ss:$0x81] =	vst.msk $0xffff, v62;
	s19 =	sand.u32 $0x1F8, s19  }
0x19: {  	s17 =	sor.u32 $0x80, s17;
	[tilespmem:s22+$0x0 ss:$0x81] =	vst.msk $0xffff, v63;
	s16 =	sadd.s32 s19, s16  }
0x1a: {  	[hbm4b:s16+s17] =	stream.strided.scatter [tilespmem:s20], [sflag:$0x2], $0x4000, s10, s17, $0x20;
	[tilespmem:$0x10100] =	vst v63  }
.LBB1_7:
0x1b: {  	s20 =	sadd.s32 $0x80, s11  }
0x1c: {  	s16 =	sadd.s32 $0x8, s12;
	s21 =	smov.u32 s12;
	p2 =	sgt.s32 s20, $0x1FF  }
0x1d: {  	s21 =	smov.u32 @p2 s16  }
0x1e: {  	s22 =	smov.u32 s13;
	s16 =	sadd.s32 $0x80, s13;
	p3 =	sgt.s32 s21, $0x3F  }
0x1f: {  	s22 =	smov.u32 @p3 s16  }
0x20: {  	s23 =	smov.u32 s14;
	s16 =	sadd.s32 $0x8, s14;
	p4 =	sgt.s32 s22, $0x63  }
0x21: {  	p1 =	slt.u32 s15, $0x2;
	s23 =	smov.u32 @p4 s16  }
0x22: {  	s19 =	smov.u32 s12;
	s20 =	simm.s32 @p2 $0x0;
	p2 =	sgt.s32 s23, $0x7  }
0x23: {  	s24 =	simm.s32 @!p1 $0x2;
	s23 =	smov.u32 @p2 s5;
	p2 =	sne.s32 s15, s8  }
.Ltmp1:
0x24: {  	s17 =	smov.u32 s13;
	_ =	swait.ge @!p1 [sflag:s24], $0x4000;
	(pc) =	sbr.rel @!p2 .LBB1_8-.Ltmp1, $4  }
0x25: {  	s18 =	smov.u32 s14;
	[sflag:s24] =	ssyncset.done @!p1 $0x0;
	s21 =	smov.u32 @p3 s2  }
0x26: {  	p0 =	por !p0, !p0;
	[sflag:s24] =	ssyncadd.s32 @!p1 $0xFFFFC000;
	s12 =	smov.u32 s21  }
0x27: {  	s22 =	simm.s32 @p4 $0x0;
	s16 =	smov.u32 s11;
	s11 =	smov.u32 s20  }
0x28: {  	s13 =	smov.u32 s22;
	s15 =	sadd.s32 $0x1, s15;
	s14 =	smov.u32 s23  }
.LBB1_1:
0x29: {  	p1 =	sge.u32 s15, s7  }
.Ltmp2:
0x2a: {  	_ = 	snop;
	(pc) =	sbr.rel @p1 .LBB1_3-.Ltmp2, $1  }
0x2b: {  	_ =	sdelay $0x3  }
0x2c: {  	p1 =	sgt.s32 s14, $0x7;
	s20 =	smov.u32 s14;
	s21 =	sshra.s32 s14, $0x1F  }
0x2d: {  	s22 =	sshll.u32 s12, $0x9;
	s24 =	sshra.s32 s13, $0x1F;
	s25 =	sshra.s32 s12, $0x1F  }
0x2e: {  	s30 =	sshll.u32 s11, $0x3;
	s26 =	sshra.s32 s11, $0x1F;
	s20 =	simm.s32 @!p1 $0x7  }
0x2f: {  	s21 =	sand.u32 s21, s14;
	s22 =	sand.u32 $0x7000, s22;
	p1 =	sgt.s32 s13, $0xFFFFFFE4  }
0x30: {  	s27 =	sand.u32 s24, s13;
	s29 =	sand.u32 s25, s12;
	s24 =	smov.u32 s11  }
0x31: {  	s25 =	sand.u32 $0x7C00, s30;
	s30 =	sshll.u32 s11, $0x1;
	s20 =	ssub.s32 s20, s21  }
0x32: {  	s21 =	smov.u32 s13;
	s22 =	sadd.s32 s22, s25;
	s23 =	sadd.s32 $0xFFFFFFF9, s20  }
0x33: {  	s21 =	simm.s32 @!p1 $0xFFFFFFE4;
	s20 =	ssub.s32 $0x8, s20;
	p1 =	sgt.s32 s23, $0x0  }
0x34: {  	s21 =	ssub.s32 s21, s27;
	s23 =	smov.u32 s12;
	s27 =	sshll.u32 s12, $0x7  }
0x35: {  	s20 =	simm.s32 @p1 $0x0;
	p1 =	sgt.s32 s12, $0x3E;
	s28 =	sadd.s32 $0x1C, s21  }
0x36: {  	s21 =	ssub.s32 $0x64, s21;
	s23 =	simm.s32 @!p1 $0x3E;
	p1 =	sgt.s32 s28, $0x7F  }
0x37: {  	s21 =	simm.s32 @p1 $0x0;
	s23 =	ssub.s32 s23, s29;
	p1 =	sgt.s32 s11, $0x180  }
0x38: {  	s29 =	sand.u32 $0x200, s27;
	s20 =	smul.u32 s20, s21;
	s31 =	sadd.s32 $0xFFFFFFC2, s23  }
0x39: {  	s24 =	simm.s32 @!p1 $0x180;
	s23 =	ssub.s32 $0x40, s23;
	s21 =	sand.u32 s26, s11  }
0x3a: {  	s22 =	sor.u32 s29, s22;
	s26 =	smul.u32 $0x32000, s14;
	p1 =	sgt.s32 s31, $0x1  }
0x3b: {  	s21 =	ssub.s32 s24, s21;
	s31 =	sxor.u32 $0xFFFFFFFF, s15;
	s24 =	sand.u32 $0x100, s27  }
0x3c: {  	s22 =	sshrl.u32 s22, $0x4;
	s27 =	sshll.u32 s13, $0xB;
	s23 =	simm.s32 @p1 $0x0  }
0x3d: {  	s28 =	sadd.s32 $0xFFFFFE80, s21;
	s21 =	ssub.s32 $0x200, s21;
	s22 =	sand.u32 $0x7E0, s22  }
0x3e: {  	s29 =	sshll.u32 s31, $0xE;
	s20 =	smul.u32 s23, s20;
	p1 =	sgt.s32 s28, $0x7F  }
0x3f: {  	s23 =	sand.u32 $0xF0, s30;
	s28 =	sand.u32 $0x7, s11;
	s21 =	simm.s32 @p1 $0x0  }
0x40: {  	s20 =	smul.u32 s21, s20;
	s21 =	sor.u32 s24, s23;
	s24 =	sadd.s32 s3, s26  }
0x41: {  	s30 =	sand.u32 $0x4000, s29;
	s21 =	sshrl.u32 s21, $0x4;
	s23 =	sadd.s32 s27, s24  }
0x42: {  	s24 =	sshll.u32 s28, $0x12;
	s20 =	sshrl.u32 s20, $0x1;
	s21 =	sadd.s32 s21, s23  }
0x43: {  	s31 =	sor.u32 $0x80, s24;
	s20 =	sand.u32 $0x3FFFFFFF, s20;
	s21 =	sadd.s32 s22, s21  }
0x44: {  	[tilespmem:s30], [sflag:$0x1] =	stream.strided.gather [hbm4b:s21+s31], s20, s9, s31, $0x38;
	[tilespmem:$0x10100] =	vst v63  }
.LBB1_3:
0x45: {  	s20 =	sadd.s32 $0xFFFFFFFF, s15  }
0x46: {  	p1 =	sge.u32 s20, s7  }
.Ltmp3:
0x47: {  	_ = 	snop;
	(pc) =	sbr.rel @p1 .LBB1_7-.Ltmp3, $1  }
0x48: {  	_ =	sdelay $0x3  }
0x49: {  	p1 =	sgt.s32 s18, $0x7;
	s20 =	smov.u32 s18;
	s21 =	sshra.s32 s18, $0x1F  }
0x4a: {  	s22 =	smov.u32 s17;
	s23 =	sshra.s32 s17, $0x1F;
	s25 =	sshra.s32 s19, $0x1F  }
0x4b: {  	s20 =	simm.s32 @!p1 $0x7;
	s21 =	sand.u32 s21, s18;
	p1 =	sgt.s32 s17, $0xFFFFFFE4  }
0x4c: {  	s23 =	sand.u32 s23, s17;
	s20 =	ssub.s32 s20, s21;
	s22 =	simm.s32 @!p1 $0xFFFFFFE4  }
0x4d: {  	s27 =	sshra.s32 s16, $0x1F;
	s24 =	sadd.s32 $0xFFFFFFF9, s20;
	s21 =	ssub.s32 s22, s23  }
0x4e: {  	s20 =	ssub.s32 $0x8, s20;
	p1 =	sgt.s32 s24, $0x0;
	s22 =	sadd.s32 $0x1C, s21  }
0x4f: {  	s21 =	ssub.s32 $0x64, s21;
	s20 =	simm.s32 @p1 $0x0;
	p1 =	sgt.s32 s22, $0x7F  }
0x50: {  	s22 =	smov.u32 s19;
	s21 =	simm.s32 @p1 $0x0;
	p1 =	sgt.s32 s19, $0x3E  }
0x51: {  	s26 =	sand.u32 s25, s19;
	s20 =	smul.u32 s20, s21;
	s22 =	simm.s32 @!p1 $0x3E  }
0x52: {  	p1 =	sgt.s32 s16, $0x180;
	s21 =	ssub.s32 s22, s26;
	s22 =	smov.u32 s16  }
0x53: {  	s23 =	sand.u32 s27, s16;
	s24 =	sadd.s32 $0xFFFFFFC2, s21;
	s22 =	simm.s32 @!p1 $0x180  }
0x54: {  	s21 =	ssub.s32 $0x40, s21;
	p1 =	sgt.s32 s24, $0x1;
	s22 =	ssub.s32 s22, s23  }
0x55: {  	s21 =	simm.s32 @p1 $0x0;
	s23 =	sadd.s32 $0xFFFFFE80, s22  }
0x56: {  	s20 =	smul.u32 s21, s20;
	p1 =	sgt.s32 s23, $0x7F;
	s21 =	ssub.s32 $0x200, s22  }
0x57: {  	s21 =	simm.s32 @p1 $0x0  }
0x58: {  	s20 =	smul.u32 s21, s20;
	_ =	sdelay $0x1  }
0x59: {  	s20 =	sshrl.u32 s20, $0x1  }
0x5a: {  	s21 =	simm.s32 $0x1;
	s20 =	sand.u32 $0x3FFFFFFF, s20  }
0x5b: {  	s21 =	simm.s32 @!p0 $0x0;
	_ =	swait.ge [sflag:s6], s20  }
0x5c: {  	s28 =	sshll.u32 s21, $0xE;
	s20 =	ssub.s32 $0x0, s20;
	[sflag:s6] =	ssyncset.done $0x0  }
0x5d: {  	s29 =	sor.u32 $0x40, s28;
	[sflag:s6] =	ssyncadd.s32 s20  }
0x5e: {  	s30 =	smul.u32 $0x10200, s21;
	v0 =	vld [tilespmem:s29+$0x30]  }
0x5f: {  	v1 =	vld [tilespmem:s29+$0xFFFFFFD0]  }
0x60: {  	s20 =	sshrl.u32 s30, $0x2;
	v5 =	vld [tilespmem:s29+$0xFFFFFFE0]  }
0x61: {  	s22 =	sor.u32 $0x8000, s20;
	v6 =	vld [tilespmem:s29+$0xFFFFFFF0]  }
0x62: {  	s31 =	sand.u32 $0x1, s15;
	v2 =	vld [tilespmem:s29+$0x0];
	s23 =	sadd.s32 $0x0, s22  }
0x63: {  	s20 =	smul.u32 $0x10200, s31;
	v3 =	vld [tilespmem:s29+$0x10];
	[tilespmem:s23+$0x3870 ss:$0x81] =	vst.msk $0xffff, v0  }
0x64: {  	v4 =	vld [tilespmem:s29+$0x20];
	[tilespmem:s23+$0x810 ss:$0x81] =	vst.msk $0xffff, v1  }
0x65: {  	s21 =	sadd.s32 $0x80, s29;
	s20 =	sshrl.u32 s20, $0x2;
	v0 =	vld [tilespmem:s29+$0xFFFFFFC0];
	[tilespmem:s23+$0x1020 ss:$0x81] =	vst.msk $0xffff, v5  }
0x66: {  	s25 =	simm.s32 $0x8;
	s24 =	simm.s32 $0x4;
	s20 =	sor.u32 $0x8000, s20;
	v1 =	vld [tilespmem:s21+$0x30];
	[tilespmem:s23+$0x1830 ss:$0x81] =	vst.msk $0xffff, v6  }
.LBB1_5:
0x67: {  	p1 =	sne.s32 s25, $0x1FC;
	v5 =	vld [tilespmem:s21+$0xFFFFFFD0];
	[tilespmem:s23+$0x2040 ss:$0x81] =	vst.msk $0xffff, v2  }
0x68: {  	v6 =	vld [tilespmem:s21+$0xFFFFFFE0];
	[tilespmem:s23+$0x2850 ss:$0x81] =	vst.msk $0xffff, v3  }
0x69: {  	s26 =	sshra.s32 s24, $0x2;
	s24 =	smov.u32 s25;
	v7 =	vld [tilespmem:s21+$0xFFFFFFF0];
	[tilespmem:s23+$0x3060 ss:$0x81] =	vst.msk $0xffff, v4  }
.Ltmp4:
0x6a: {  	v2 =	vld [tilespmem:s21+$0x0];
	[tilespmem:s23+$0x0 ss:$0x81] =	vst.msk $0xffff, v0;
	s23 =	sadd.s32 s26, s22;
	(pc) =	sbr.rel @p1 .LBB1_5-.Ltmp4, $4  }
0x6b: {  	v3 =	vld [tilespmem:s21+$0x10];
	[tilespmem:s23+$0x3870 ss:$0x81] =	vst.msk $0xffff, v1  }
0x6c: {  	[tilespmem:s23+$0x810 ss:$0x81] =	vst.msk $0xffff, v5;
	v4 =	vld [tilespmem:s21+$0x20]  }
0x6d: {  	v0 =	vld [tilespmem:s21+$0xFFFFFFC0];
	[tilespmem:s23+$0x1020 ss:$0x81] =	vst.msk $0xffff, v6;
	s21 =	sadd.s32 $0x80, s21  }
0x6e: {  	s25 =	sadd.s32 $0x4, s25;
	v1 =	vld [tilespmem:s21+$0x30];
	[tilespmem:s23+$0x1830 ss:$0x81] =	vst.msk $0xffff, v7  }
.Ltmp5:
0x6f: {  	_ = 	snop;
	(pc) =	sbr.rel .LBB1_6-.Ltmp5, $1  }
0x70: {  	_ =	sdelay $0x3  }
.LBB1_8:
0x71: {  	_ =	sfence.sel $0x180000  }
0x72: {  	s2 =	simm.s32 $0x1;
	[bflag:$0x0] =	sbarrier.arrive $0xFFFF  }
0x73: {  	s31 =	simm.s32 $0x2;
	[sflag:s2] =	ssyncpa.u1 $0x1  }
0x74: {  	[sflag:s31] =	ssyncpa.u1 $0x1  }
0x75: {  	p0 =	sne.s32 s0, $0x0;
	_ =	strace $0x90000047  }
0x76: {  	s0 =	sadd.s32 @!p0 $0x100000, s1;
	[bflag:$0x2] =	sbarrier.arrive $0xFFFF  }
0x77: {  	[sflag:s0] =	ssyncadd.tile.s32 @!p0 $0x1;
	_ =	shalt  }
.Lfunc_end1:
_tile_overlayer_lowered:
.L_overlay_start_2:
0x78: {  	(tag) =	ssettag $0x2  }
0x79: {  	s0 =	rddreg [dreg:$0x0];
	s2 =	stileid.u32  }
0x7a: {  	s1 =	rddreg [dreg:$0x1];
	p0 =	sne.s32 s2, $0x0  }
0x7b: {  	s3 =	rddreg [dreg:$0x2];
	[bflag:$0x3] =	sbarrier.arrive $0xFFFF;
	s2 =	simm.s32 @!p0 $0x1C01  }
0x7c: {  	[timem:s3], [sflag:s2] =	dma.local @!p0 [hbm:s0], s1  }
0x7d: {  	s0 =	simm.s32 @!p0 $0x1  }
0x7e: {  	_ =	swait.ge @!p0 [sflag:s0], s1  }
0x7f: {  	s1 =	ssub.s32 @!p0 $0x0, s1;
	[sflag:s0] =	ssyncset.done @!p0 $0x0  }
0x80: {  	[sflag:s0] =	ssyncadd.s32 @!p0 s1  }
0x81: {  	[bflag:$0x3] =	sbarrier.arrive $0xFFFF  }
0x82: {  	_ =	shalt  }

</sc_bundles>
